<compile_context>
chip_gen: v7x
topology: tpu7x:2x2x1
jax: 0.10.2.dev20260603
libtpu: 0.0.44.dev20260713+nightly
codegen_flags: <defaults>
</compile_context>

<pallas_src>
import jax
import jax.numpy as jnp
from jax import lax
from jax.experimental import pallas as pl
from jax.experimental.pallas import tpu as pltpu
from jax.experimental.pallas import tpu_sc as plsc

NUM_SEGMENTS = 16384
TOTAL_ATOMS = 524288
TABLE_N = 95

NC = 2
NS = 16
NW = NC * NS
CHUNK = TOTAL_ATOMS // NW
KV = CHUNK // 16
HALF = NUM_SEGMENTS // NC
OSTRIPE = HALF // NS
SUBC = 4
SCH = CHUNK // SUBC


def _sc_kernel(atomic_numbers, segment_ids, table):
    mesh = plsc.VectorSubcoreMesh(core_axis_name="c", subcore_axis_name="s")

    def body(an_hbm, seg_hbm, tab_hbm, out_hbm,
             an_v, seg_v, an2_v, seg2_v, tab_v, acc_v,
             tmp16_v, sum_v, stage_sh, sem_in, sem_m, *sems):
        cid = lax.axis_index("c")
        sid = lax.axis_index("s")
        lo = cid * HALF
        hi = lo + HALF
        my_base = (cid * NS + sid) * CHUNK
        other_base = ((1 - cid) * NS + sid) * CHUNK

        tab_copy = pltpu.async_copy(tab_hbm, tab_v, sem_in)
        sub_copies = []
        for j in range(SUBC):
            o = j * SCH
            sub_copies.append((
                pltpu.async_copy(an_hbm.at[pl.ds(my_base + o, SCH)],
                                 an_v.at[pl.ds(o, SCH)], sems[j]),
                pltpu.async_copy(seg_hbm.at[pl.ds(my_base + o, SCH)],
                                 seg_v.at[pl.ds(o, SCH)], sems[j]),
            ))
        m_copies = [
            pltpu.async_copy(an_hbm.at[pl.ds(other_base, CHUNK)], an2_v,
                             sem_m),
            pltpu.async_copy(seg_hbm.at[pl.ds(other_base, CHUNK)],
                             seg2_v.at[pl.ds(0, CHUNK)], sem_m),
        ]

        @plsc.parallel_loop(0, NUM_SEGMENTS // 16, unroll=8)
        def _(i):
            acc_v[pl.ds(pl.multiple_of(i * 16, 16), 16)] = (
                jnp.zeros((16,), jnp.float32))

        seg_v[pl.ds(CHUNK, 16)] = jnp.full((16,), NUM_SEGMENTS - 1, jnp.int32)
        seg2_v[pl.ds(CHUNK, 16)] = jnp.full((16,), NUM_SEGMENTS - 1, jnp.int32)
        tab_copy.wait()

        lane = lax.iota(jnp.int32, 16)
        is15 = lane == 15
        not15 = jnp.logical_not(is15)

        def do_vreg(an_ref, seg_ref, off):
            an16 = an_ref[pl.ds(off, 16)]
            seg = seg_ref[pl.ds(off, 16)]
            segn = seg_ref[pl.ds(off + 1, 16)]
            e = plsc.load_gather(tab_v, [an16])
            c = plsc.cumsum(e)
            m_change = seg != segn
            plsc.addupdate_scatter(acc_v, [seg], c, mask=m_change | is15)
            plsc.addupdate_scatter(acc_v, [segn], -c, mask=m_change & not15)

        for j in range(SUBC):
            for cp in sub_copies[j]:
                cp.wait()

            @plsc.parallel_loop(0, SCH // 16, unroll=8)
            def _(k, j=j):
                do_vreg(an_v, seg_v,
                        pl.multiple_of(j * SCH + k * 16, 16))

        for cp in m_copies:
            cp.wait()
        seg_first = seg2_v[pl.ds(0, 16)][0]
        seg_last = seg2_v[pl.ds(CHUNK - 16, 16)][15]
        overlap = jnp.logical_and(seg_last >= lo, seg_first < hi)

        @pl.when(overlap)
        def _():
            def first_lane(k):
                return seg2_v[pl.ds(k * 16, 16)][0]

            def search(bound):
                def step(_, ab):
                    a, b = ab
                    mid = (a + b) // 2
                    p = first_lane(mid) >= bound
                    return (jnp.where(p, a, mid + 1), jnp.where(p, mid, b))
                return lax.fori_loop(0, 11, step,
                                     (jnp.int32(0), jnp.int32(KV)))[0]

            klo = jnp.where(cid == 0, 0, jnp.maximum(search(lo) - 1, 0))
            khi = jnp.where(cid == 0, jnp.minimum(search(hi) + 1, KV), KV)

            def mbody(k, carry):
                do_vreg(an2_v, seg2_v, k * 16)
                return carry

            lax.fori_loop(klo, khi, mbody, jnp.int32(0))

        pltpu.sync_copy(acc_v.at[pl.ds(lo, HALF)], stage_sh.at[sid])
        plsc.subcore_barrier()

        col = sid * OSTRIPE
        r_copies = [
            pltpu.async_copy(stage_sh.at[w, pl.ds(col, OSTRIPE)],
                             tmp16_v.at[w], sem_in)
            for w in range(NS)
        ]
        for cp in r_copies:
            cp.wait()

        @plsc.parallel_loop(0, OSTRIPE // 16, unroll=8)
        def _(i):
            off = pl.ds(pl.multiple_of(i * 16, 16), 16)
            s = tmp16_v[0, off]
            for w in range(1, NS):
                s = s + tmp16_v[w, off]
            sum_v[off] = s

        pltpu.sync_copy(sum_v, out_hbm.at[pl.ds(lo + col, OSTRIPE)])

    run = pl.kernel(
        body,
        out_type=jax.ShapeDtypeStruct((NUM_SEGMENTS,), jnp.float32),
        mesh=mesh,
        scratch_types=[
            pltpu.VMEM((CHUNK,), jnp.int32),
            pltpu.VMEM((CHUNK + 16,), jnp.int32),
            pltpu.VMEM((CHUNK,), jnp.int32),
            pltpu.VMEM((CHUNK + 16,), jnp.int32),
            pltpu.VMEM((TABLE_N,), jnp.float32),
            pltpu.VMEM((NUM_SEGMENTS,), jnp.float32),
            pltpu.VMEM((NS, OSTRIPE), jnp.float32),
            pltpu.VMEM((OSTRIPE,), jnp.float32),
            pltpu.VMEM_SHARED((NS, HALF), jnp.float32),
            pltpu.SemaphoreType.DMA,
            pltpu.SemaphoreType.DMA,
        ] + [pltpu.SemaphoreType.DMA] * SUBC,
        compiler_params=pltpu.CompilerParams(needs_layout_passes=False),
    )
    return run(atomic_numbers, segment_ids, table)


def kernel(atomic_numbers, segment_ids, property_per_element_table):
    out = _sc_kernel(atomic_numbers, segment_ids, property_per_element_table)
    return out.reshape(NUM_SEGMENTS, 1)

# --- scband reference (transcript-rebuilt; emitter-appended) ---
"""Pipeline reference for scband-atom-ref-91216515432940 (READ-ONLY COPY).

The authoritative reference and input builder live on the scoring server;
editing this copy changes nothing except your own understanding.
"""

import jax, jax.numpy as jnp
import numpy as np

NUM_SEGMENTS = 16384
TOTAL_ATOMS = 524288
MAX_Z = 94

def setup_inputs(seed: int = 0) -> dict:
    key = jax.random.key(seed)
    k1, k2, k3 = jax.random.split(key, 3)
    atomic_numbers = jax.random.randint(k1, (TOTAL_ATOMS,), 0, MAX_Z + 1, dtype=jnp.int64 if jax.config.jax_enable_x64 else jnp.int32).astype(jnp.int32)
    segment_ids = jnp.sort(jax.random.randint(k2, (TOTAL_ATOMS,), 0, NUM_SEGMENTS, dtype=jnp.int32))
    property_per_element_table = jax.random.normal(k3, (MAX_Z + 1,), dtype=jnp.float32)
    return {
        "atomic_numbers": atomic_numbers,
        "segment_ids": segment_ids,
        "property_per_element_table": property_per_element_table,
    }

def reference(atomic_numbers, segment_ids, property_per_element_table):
    # tf.gather(property_per_element, atomic_numbers)
    atom_energies = jnp.take(property_per_element_table, atomic_numbers, axis=0)
    # tf.math.segment_sum(atom_energies, segment_indices)
    res = jax.ops.segment_sum(atom_energies, segment_ids, num_segments=NUM_SEGMENTS)
    # tf.reshape(res, (-1, 1))
    return jnp.reshape(res, (-1, 1))

if __name__ == "__main__":
    import jax
    _d = setup_inputs()
    print(jax.jit(kernel)(*tuple(_d.values())))

</pallas_src>

<mosaic_0001>
#map = affine_map<(d0, d1) -> (0)>
module attributes {stable_mosaic.version = 14 : i64} {
  func.func @body(%arg0: i32, %arg1: i32, %arg2: memref<524288xi32, #tpu.memory_space<hbm>>, %arg3: memref<524288xi32, #tpu.memory_space<hbm>>, %arg4: memref<95xf32, #tpu.memory_space<hbm>>, %arg5: memref<16384xf32, #tpu.memory_space<hbm>>, %arg6: memref<16384xi32, #tpu.memory_space<vmem>>, %arg7: memref<16400xi32, #tpu.memory_space<vmem>>, %arg8: memref<16384xi32, #tpu.memory_space<vmem>>, %arg9: memref<16400xi32, #tpu.memory_space<vmem>>, %arg10: memref<95xf32, #tpu.memory_space<vmem>>, %arg11: memref<16384xf32, #tpu.memory_space<vmem>>, %arg12: memref<16x512xf32, #tpu.memory_space<vmem>>, %arg13: memref<512xf32, #tpu.memory_space<vmem>>, %arg14: memref<16x8192xf32, #tpu.memory_space<vmem_shared>>, %arg15: memref<!tpu.dma_semaphore, #tpu.memory_space<semaphore_mem>>, %arg16: memref<!tpu.dma_semaphore, #tpu.memory_space<semaphore_mem>>, %arg17: memref<!tpu.dma_semaphore, #tpu.memory_space<semaphore_mem>>, %arg18: memref<!tpu.dma_semaphore, #tpu.memory_space<semaphore_mem>>, %arg19: memref<!tpu.dma_semaphore, #tpu.memory_space<semaphore_mem>>, %arg20: memref<!tpu.dma_semaphore, #tpu.memory_space<semaphore_mem>>) attributes {dimension_semantics = [#tpu.dimension_semantics<core_parallel>, #tpu.dimension_semantics<subcore_parallel>], iteration_bounds = array<i64: 2, 16>, scalar_prefetch = 0 : i64, scratch_operands = 15 : i64, tpu.core_type = #tpu.core_type<sc_vector_subcore>, window_params = [{transform_indices = #map}, {transform_indices = #map}, {transform_indices = #map}, {transform_indices = #map}]} {
    %mul3A = arith.constant 8192 : i32
    %mul3A_0 = arith.muli %arg0, %mul3A : i32
    %add3A = arith.constant 8192 : i32
    %add3A_1 = arith.addi %mul3A_0, %add3A : i32
    %mul3A_2 = arith.constant 16 : i32
    %mul3A_3 = arith.muli %arg0, %mul3A_2 : i32
    %add3A_4 = arith.addi %mul3A_3, %arg1 : i32
    %mul3A_5 = arith.constant 16384 : i32
    %mul3A_6 = arith.muli %add3A_4, %mul3A_5 : i32
    %sub3A = arith.constant 1 : i32
    %sub3A_7 = arith.subi %sub3A, %arg0 : i32
    %mul3A_8 = arith.constant 16 : i32
    %mul3A_9 = arith.muli %sub3A_7, %mul3A_8 : i32
    %add3A_10 = arith.addi %mul3A_9, %arg1 : i32
    %mul3A_11 = arith.constant 16384 : i32
    %mul3A_12 = arith.muli %add3A_10, %mul3A_11 : i32
    tpu.enqueue_dma source(%arg4 : memref<95xf32, #tpu.memory_space<hbm>>) target(%arg10 : memref<95xf32, #tpu.memory_space<vmem>>) target_semaphore(%arg15 : memref<!tpu.dma_semaphore, #tpu.memory_space<semaphore_mem>>)
    %add3A_13 = arith.constant 0 : i32
    %add3A_14 = arith.addi %mul3A_6, %add3A_13 : i32
    %dma_start3A = arith.constant 0 : i32
    %dma_start3A_15 = tpu.memref_slice %arg6[%dma_start3A] : memref<16384xi32, #tpu.memory_space<vmem>> -> memref<4096xi32, #tpu.memory_space<vmem>>
    %dma_start3A_16 = tpu.memref_slice %arg2[%add3A_14] : memref<524288xi32, #tpu.memory_space<hbm>> -> memref<4096xi32, #tpu.memory_space<hbm>>
    %dma_start3A_17 = arith.constant 0 : i32
    %dma_start3A_18 = tpu.memref_slice %arg6[%dma_start3A_17] : memref<16384xi32, #tpu.memory_space<vmem>> -> memref<4096xi32, #tpu.memory_space<vmem>>
    %dma_start3A_19 = tpu.memref_slice %arg2[%add3A_14] : memref<524288xi32, #tpu.memory_space<hbm>> -> memref<4096xi32, #tpu.memory_space<hbm>>
    tpu.enqueue_dma source(%dma_start3A_19 : memref<4096xi32, #tpu.memory_space<hbm>>) target(%dma_start3A_18 : memref<4096xi32, #tpu.memory_space<vmem>>) target_semaphore(%arg17 : memref<!tpu.dma_semaphore, #tpu.memory_space<semaphore_mem>>)
    %add3A_20 = arith.constant 0 : i32
    %add3A_21 = arith.addi %mul3A_6, %add3A_20 : i32
    %dma_start3A_22 = arith.constant 0 : i32
    %dma_start3A_23 = tpu.memref_slice %arg7[%dma_start3A_22] : memref<16400xi32, #tpu.memory_space<vmem>> -> memref<4096xi32, #tpu.memory_space<vmem>>
    %dma_start3A_24 = tpu.memref_slice %arg3[%add3A_21] : memref<524288xi32, #tpu.memory_space<hbm>> -> memref<4096xi32, #tpu.memory_space<hbm>>
    %dma_start3A_25 = arith.constant 0 : i32
    %dma_start3A_26 = tpu.memref_slice %arg7[%dma_start3A_25] : memref<16400xi32, #tpu.memory_space<vmem>> -> memref<4096xi32, #tpu.memory_space<vmem>>
    %dma_start3A_27 = tpu.memref_slice %arg3[%add3A_21] : memref<524288xi32, #tpu.memory_space<hbm>> -> memref<4096xi32, #tpu.memory_space<hbm>>
    tpu.enqueue_dma source(%dma_start3A_27 : memref<4096xi32, #tpu.memory_space<hbm>>) target(%dma_start3A_26 : memref<4096xi32, #tpu.memory_space<vmem>>) target_semaphore(%arg17 : memref<!tpu.dma_semaphore, #tpu.memory_space<semaphore_mem>>)
    %add3A_28 = arith.constant 4096 : i32
    %add3A_29 = arith.addi %mul3A_6, %add3A_28 : i32
    %dma_start3A_30 = arith.constant 4096 : i32
    %dma_start3A_31 = tpu.memref_slice %arg6[%dma_start3A_30] : memref<16384xi32, #tpu.memory_space<vmem>> -> memref<4096xi32, #tpu.memory_space<vmem>>
    %dma_start3A_32 = tpu.memref_slice %arg2[%add3A_29] : memref<524288xi32, #tpu.memory_space<hbm>> -> memref<4096xi32, #tpu.memory_space<hbm>>
    %dma_start3A_33 = arith.constant 4096 : i32
    %dma_start3A_34 = tpu.memref_slice %arg6[%dma_start3A_33] : memref<16384xi32, #tpu.memory_space<vmem>> -> memref<4096xi32, #tpu.memory_space<vmem>>
    %dma_start3A_35 = tpu.memref_slice %arg2[%add3A_29] : memref<524288xi32, #tpu.memory_space<hbm>> -> memref<4096xi32, #tpu.memory_space<hbm>>
    tpu.enqueue_dma source(%dma_start3A_35 : memref<4096xi32, #tpu.memory_space<hbm>>) target(%dma_start3A_34 : memref<4096xi32, #tpu.memory_space<vmem>>) target_semaphore(%arg18 : memref<!tpu.dma_semaphore, #tpu.memory_space<semaphore_mem>>)
    %add3A_36 = arith.constant 4096 : i32
    %add3A_37 = arith.addi %mul3A_6, %add3A_36 : i32
    %dma_start3A_38 = arith.constant 4096 : i32
    %dma_start3A_39 = tpu.memref_slice %arg7[%dma_start3A_38] : memref<16400xi32, #tpu.memory_space<vmem>> -> memref<4096xi32, #tpu.memory_space<vmem>>
    %dma_start3A_40 = tpu.memref_slice %arg3[%add3A_37] : memref<524288xi32, #tpu.memory_space<hbm>> -> memref<4096xi32, #tpu.memory_space<hbm>>
    %dma_start3A_41 = arith.constant 4096 : i32
    %dma_start3A_42 = tpu.memref_slice %arg7[%dma_start3A_41] : memref<16400xi32, #tpu.memory_space<vmem>> -> memref<4096xi32, #tpu.memory_space<vmem>>
    %dma_start3A_43 = tpu.memref_slice %arg3[%add3A_37] : memref<524288xi32, #tpu.memory_space<hbm>> -> memref<4096xi32, #tpu.memory_space<hbm>>
    tpu.enqueue_dma source(%dma_start3A_43 : memref<4096xi32, #tpu.memory_space<hbm>>) target(%dma_start3A_42 : memref<4096xi32, #tpu.memory_space<vmem>>) target_semaphore(%arg18 : memref<!tpu.dma_semaphore, #tpu.memory_space<semaphore_mem>>)
    %add3A_44 = arith.constant 8192 : i32
    %add3A_45 = arith.addi %mul3A_6, %add3A_44 : i32
    %dma_start3A_46 = arith.constant 8192 : i32
    %dma_start3A_47 = tpu.memref_slice %arg6[%dma_start3A_46] : memref<16384xi32, #tpu.memory_space<vmem>> -> memref<4096xi32, #tpu.memory_space<vmem>>
    %dma_start3A_48 = tpu.memref_slice %arg2[%add3A_45] : memref<524288xi32, #tpu.memory_space<hbm>> -> memref<4096xi32, #tpu.memory_space<hbm>>
    %dma_start3A_49 = arith.constant 8192 : i32
    %dma_start3A_50 = tpu.memref_slice %arg6[%dma_start3A_49] : memref<16384xi32, #tpu.memory_space<vmem>> -> memref<4096xi32, #tpu.memory_space<vmem>>
    %dma_start3A_51 = tpu.memref_slice %arg2[%add3A_45] : memref<524288xi32, #tpu.memory_space<hbm>> -> memref<4096xi32, #tpu.memory_space<hbm>>
    tpu.enqueue_dma source(%dma_start3A_51 : memref<4096xi32, #tpu.memory_space<hbm>>) target(%dma_start3A_50 : memref<4096xi32, #tpu.memory_space<vmem>>) target_semaphore(%arg19 : memref<!tpu.dma_semaphore, #tpu.memory_space<semaphore_mem>>)
    %add3A_52 = arith.constant 8192 : i32
    %add3A_53 = arith.addi %mul3A_6, %add3A_52 : i32
    %dma_start3A_54 = arith.constant 8192 : i32
    %dma_start3A_55 = tpu.memref_slice %arg7[%dma_start3A_54] : memref<16400xi32, #tpu.memory_space<vmem>> -> memref<4096xi32, #tpu.memory_space<vmem>>
    %dma_start3A_56 = tpu.memref_slice %arg3[%add3A_53] : memref<524288xi32, #tpu.memory_space<hbm>> -> memref<4096xi32, #tpu.memory_space<hbm>>
    %dma_start3A_57 = arith.constant 8192 : i32
    %dma_start3A_58 = tpu.memref_slice %arg7[%dma_start3A_57] : memref<16400xi32, #tpu.memory_space<vmem>> -> memref<4096xi32, #tpu.memory_space<vmem>>
    %dma_start3A_59 = tpu.memref_slice %arg3[%add3A_53] : memref<524288xi32, #tpu.memory_space<hbm>> -> memref<4096xi32, #tpu.memory_space<hbm>>
    tpu.enqueue_dma source(%dma_start3A_59 : memref<4096xi32, #tpu.memory_space<hbm>>) target(%dma_start3A_58 : memref<4096xi32, #tpu.memory_space<vmem>>) target_semaphore(%arg19 : memref<!tpu.dma_semaphore, #tpu.memory_space<semaphore_mem>>)
    %add3A_60 = arith.constant 12288 : i32
    %add3A_61 = arith.addi %mul3A_6, %add3A_60 : i32
    %dma_start3A_62 = arith.constant 12288 : i32
    %dma_start3A_63 = tpu.memref_slice %arg6[%dma_start3A_62] : memref<16384xi32, #tpu.memory_space<vmem>> -> memref<4096xi32, #tpu.memory_space<vmem>>
    %dma_start3A_64 = tpu.memref_slice %arg2[%add3A_61] : memref<524288xi32, #tpu.memory_space<hbm>> -> memref<4096xi32, #tpu.memory_space<hbm>>
    %dma_start3A_65 = arith.constant 12288 : i32
    %dma_start3A_66 = tpu.memref_slice %arg6[%dma_start3A_65] : memref<16384xi32, #tpu.memory_space<vmem>> -> memref<4096xi32, #tpu.memory_space<vmem>>
    %dma_start3A_67 = tpu.memref_slice %arg2[%add3A_61] : memref<524288xi32, #tpu.memory_space<hbm>> -> memref<4096xi32, #tpu.memory_space<hbm>>
    tpu.enqueue_dma source(%dma_start3A_67 : memref<4096xi32, #tpu.memory_space<hbm>>) target(%dma_start3A_66 : memref<4096xi32, #tpu.memory_space<vmem>>) target_semaphore(%arg20 : memref<!tpu.dma_semaphore, #tpu.memory_space<semaphore_mem>>)
    %add3A_68 = arith.constant 12288 : i32
    %add3A_69 = arith.addi %mul3A_6, %add3A_68 : i32
    %dma_start3A_70 = arith.constant 12288 : i32
    %dma_start3A_71 = tpu.memref_slice %arg7[%dma_start3A_70] : memref<16400xi32, #tpu.memory_space<vmem>> -> memref<4096xi32, #tpu.memory_space<vmem>>
    %dma_start3A_72 = tpu.memref_slice %arg3[%add3A_69] : memref<524288xi32, #tpu.memory_space<hbm>> -> memref<4096xi32, #tpu.memory_space<hbm>>
    %dma_start3A_73 = arith.constant 12288 : i32
    %dma_start3A_74 = tpu.memref_slice %arg7[%dma_start3A_73] : memref<16400xi32, #tpu.memory_space<vmem>> -> memref<4096xi32, #tpu.memory_space<vmem>>
    %dma_start3A_75 = tpu.memref_slice %arg3[%add3A_69] : memref<524288xi32, #tpu.memory_space<hbm>> -> memref<4096xi32, #tpu.memory_space<hbm>>
    tpu.enqueue_dma source(%dma_start3A_75 : memref<4096xi32, #tpu.memory_space<hbm>>) target(%dma_start3A_74 : memref<4096xi32, #tpu.memory_space<vmem>>) target_semaphore(%arg20 : memref<!tpu.dma_semaphore, #tpu.memory_space<semaphore_mem>>)
    %dma_start3A_76 = tpu.memref_slice %arg2[%mul3A_12] : memref<524288xi32, #tpu.memory_space<hbm>> -> memref<16384xi32, #tpu.memory_space<hbm>>
    %dma_start3A_77 = tpu.memref_slice %arg2[%mul3A_12] : memref<524288xi32, #tpu.memory_space<hbm>> -> memref<16384xi32, #tpu.memory_space<hbm>>
    tpu.enqueue_dma source(%dma_start3A_77 : memref<16384xi32, #tpu.memory_space<hbm>>) target(%arg8 : memref<16384xi32, #tpu.memory_space<vmem>>) target_semaphore(%arg16 : memref<!tpu.dma_semaphore, #tpu.memory_space<semaphore_mem>>)
    %dma_start3A_78 = arith.constant 0 : i32
    %dma_start3A_79 = tpu.memref_slice %arg9[%dma_start3A_78] : memref<16400xi32, #tpu.memory_space<vmem>> -> memref<16384xi32, #tpu.memory_space<vmem>>
    %dma_start3A_80 = tpu.memref_slice %arg3[%mul3A_12] : memref<524288xi32, #tpu.memory_space<hbm>> -> memref<16384xi32, #tpu.memory_space<hbm>>
    %dma_start3A_81 = arith.constant 0 : i32
    %dma_start3A_82 = tpu.memref_slice %arg9[%dma_start3A_81] : memref<16400xi32, #tpu.memory_space<vmem>> -> memref<16384xi32, #tpu.memory_space<vmem>>
    %dma_start3A_83 = tpu.memref_slice %arg3[%mul3A_12] : memref<524288xi32, #tpu.memory_space<hbm>> -> memref<16384xi32, #tpu.memory_space<hbm>>
    tpu.enqueue_dma source(%dma_start3A_83 : memref<16384xi32, #tpu.memory_space<hbm>>) target(%dma_start3A_82 : memref<16384xi32, #tpu.memory_space<vmem>>) target_semaphore(%arg16 : memref<!tpu.dma_semaphore, #tpu.memory_space<semaphore_mem>>)
    %parallel_loop3A = arith.constant 0 : i32
    %parallel_loop3A_84 = arith.constant 1024 : i32
    %parallel_loop3A_85 = arith.constant 1 : i32
    scf.for %parallel_loop3A_558 = %parallel_loop3A to %parallel_loop3A_84 step %parallel_loop3A_85  : i32 {
      %parallel_loop3A_559 = arith.constant 0.000000e+00 : f32
      %parallel_loop3A_560 = vector.broadcast %parallel_loop3A_559 : f32 to vector<16xf32>
      %parallel_loop3A_561 = arith.constant 16 : i32
      %parallel_loop3A_562 = arith.muli %parallel_loop3A_558, %parallel_loop3A_561 : i32
      %parallel_loop3A_563 = tpu.assume_multiple %parallel_loop3A_562, 16 : i32
      %parallel_loop3A_564 = arith.index_cast %parallel_loop3A_563 : i32 to index
      %parallel_loop3A_565 = tpu.vector_load %arg11[%parallel_loop3A_564] {strides = array<i32>} : memref<16384xf32, #tpu.memory_space<vmem>>, vector<16xf32>,
      tpu.vector_store %arg11[%parallel_loop3A_564], %parallel_loop3A_560 {strides = array<i32>} : memref<16384xf32, #tpu.memory_space<vmem>>, vector<16xf32>,
    } {sc.loop_unroll_factor = 8 : i64, sc.parallel_access}
    %broadcast_in_dim3A = arith.constant 16383 : i32
    %broadcast_in_dim3A_86 = vector.broadcast %broadcast_in_dim3A : i32 to vector<16xi32>
    %swap3A = arith.constant 16384 : index
    %swap3A_87 = tpu.vector_load %arg7[%swap3A] {strides = array<i32>} : memref<16400xi32, #tpu.memory_space<vmem>>, vector<16xi32>,
    tpu.vector_store %arg7[%swap3A], %broadcast_in_dim3A_86 {strides = array<i32>} : memref<16400xi32, #tpu.memory_space<vmem>>, vector<16xi32>,
    %broadcast_in_dim3A_88 = arith.constant 16383 : i32
    %broadcast_in_dim3A_89 = vector.broadcast %broadcast_in_dim3A_88 : i32 to vector<16xi32>
    %swap3A_90 = arith.constant 16384 : index
    %swap3A_91 = tpu.vector_load %arg9[%swap3A_90] {strides = array<i32>} : memref<16400xi32, #tpu.memory_space<vmem>>, vector<16xi32>,
    tpu.vector_store %arg9[%swap3A_90], %broadcast_in_dim3A_89 {strides = array<i32>} : memref<16400xi32, #tpu.memory_space<vmem>>, vector<16xi32>,
    tpu.wait_dma2 semaphore(%arg15 : memref<!tpu.dma_semaphore, #tpu.memory_space<semaphore_mem>>) src(%arg4 : memref<95xf32, #tpu.memory_space<hbm>>) dst(%arg10 : memref<95xf32, #tpu.memory_space<vmem>>)
    %iota3A = tpu.iota {dimensions = array<i32: 0>} : vector<16xi32>
    %eq3A = arith.constant 15 : i32
    %eq3A_92 = vector.broadcast %eq3A : i32 to vector<16xi32>
    %eq3A_93 = arith.cmpi eq, %iota3A, %eq3A_92 : vector<16xi32>
    %not3A = arith.constant dense<true> : vector<16xi1>
    %not3A_94 = arith.xori %eq3A_93, %not3A : vector<16xi1>
    %dma_wait3A = arith.constant 0 : i32
    %dma_wait3A_95 = tpu.memref_slice %arg6[%dma_wait3A] : memref<16384xi32, #tpu.memory_space<vmem>> -> memref<4096xi32, #tpu.memory_space<vmem>>
    %dma_wait3A_96 = tpu.memref_slice %arg2[%add3A_14] : memref<524288xi32, #tpu.memory_space<hbm>> -> memref<4096xi32, #tpu.memory_space<hbm>>
    %dma_wait3A_97 = arith.constant 0 : i32
    %dma_wait3A_98 = tpu.memref_slice %arg6[%dma_wait3A_97] : memref<16384xi32, #tpu.memory_space<vmem>> -> memref<4096xi32, #tpu.memory_space<vmem>>
    %dma_wait3A_99 = tpu.memref_slice %arg2[%add3A_14] : memref<524288xi32, #tpu.memory_space<hbm>> -> memref<4096xi32, #tpu.memory_space<hbm>>
    tpu.wait_dma2 semaphore(%arg17 : memref<!tpu.dma_semaphore, #tpu.memory_space<semaphore_mem>>) src(%dma_wait3A_99 : memref<4096xi32, #tpu.memory_space<hbm>>) dst(%dma_wait3A_98 : memref<4096xi32, #tpu.memory_space<vmem>>)
    %dma_wait3A_100 = arith.constant 0 : i32
    %dma_wait3A_101 = tpu.memref_slice %arg7[%dma_wait3A_100] : memref<16400xi32, #tpu.memory_space<vmem>> -> memref<4096xi32, #tpu.memory_space<vmem>>
    %dma_wait3A_102 = tpu.memref_slice %arg3[%add3A_21] : memref<524288xi32, #tpu.memory_space<hbm>> -> memref<4096xi32, #tpu.memory_space<hbm>>
    %dma_wait3A_103 = arith.constant 0 : i32
    %dma_wait3A_104 = tpu.memref_slice %arg7[%dma_wait3A_103] : memref<16400xi32, #tpu.memory_space<vmem>> -> memref<4096xi32, #tpu.memory_space<vmem>>
    %dma_wait3A_105 = tpu.memref_slice %arg3[%add3A_21] : memref<524288xi32, #tpu.memory_space<hbm>> -> memref<4096xi32, #tpu.memory_space<hbm>>
    tpu.wait_dma2 semaphore(%arg17 : memref<!tpu.dma_semaphore, #tpu.memory_space<semaphore_mem>>) src(%dma_wait3A_105 : memref<4096xi32, #tpu.memory_space<hbm>>) dst(%dma_wait3A_104 : memref<4096xi32, #tpu.memory_space<vmem>>)
    %parallel_loop3A_106 = arith.constant 0 : i32
    %parallel_loop3A_107 = arith.constant 256 : i32
    %parallel_loop3A_108 = arith.constant 1 : i32
    scf.for %parallel_loop3A_558 = %parallel_loop3A_106 to %parallel_loop3A_107 step %parallel_loop3A_108  : i32 {
      %parallel_loop3A_559 = arith.constant 16 : i32
      %parallel_loop3A_560 = arith.muli %parallel_loop3A_558, %parallel_loop3A_559 : i32
      %parallel_loop3A_561 = arith.constant 0 : i32
      %parallel_loop3A_562 = arith.addi %parallel_loop3A_561, %parallel_loop3A_560 : i32
      %parallel_loop3A_563 = tpu.assume_multiple %parallel_loop3A_562, 16 : i32
      %parallel_loop3A_564 = arith.index_cast %parallel_loop3A_563 : i32 to index
      %parallel_loop3A_565 = tpu.vector_load %arg6[%parallel_loop3A_564] {strides = array<i32>} : memref<16384xi32, #tpu.memory_space<vmem>>, vector<16xi32>,
      %parallel_loop3A_566 = arith.index_cast %parallel_loop3A_563 : i32 to index
      %parallel_loop3A_567 = tpu.vector_load %arg7[%parallel_loop3A_566] {strides = array<i32>} : memref<16400xi32, #tpu.memory_space<vmem>>, vector<16xi32>,
      %parallel_loop3A_568 = arith.constant 1 : i32
      %parallel_loop3A_569 = arith.addi %parallel_loop3A_563, %parallel_loop3A_568 : i32
      %parallel_loop3A_570 = arith.index_cast %parallel_loop3A_569 : i32 to index
      %parallel_loop3A_571 = tpu.vector_load %arg7[%parallel_loop3A_570] {strides = array<i32>} : memref<16400xi32, #tpu.memory_space<vmem>>, vector<16xi32>,
      %parallel_loop3A_572 = tpu.vector_load_idx %arg10[%parallel_loop3A_565] : memref<95xf32, #tpu.memory_space<vmem>>[vector<16xi32>], vector<16xf32>,
      %parallel_loop3A_573 = arith.constant true
      %parallel_loop3A_574 = vector.broadcast %parallel_loop3A_573 : i1 to vector<16xi1>
      %parallel_loop3A_575 = tpu.scan <sum>, %parallel_loop3A_572 masked %parallel_loop3A_574 : vector<16xf32>, vector<16xi1> -> vector<16xf32>
      %parallel_loop3A_576 = arith.cmpi ne, %parallel_loop3A_567, %parallel_loop3A_571 : vector<16xi32>
      %parallel_loop3A_577 = arith.ori %parallel_loop3A_576, %eq3A_93 : vector<16xi1>
      tpu.vector_store_idx %arg11[%parallel_loop3A_567], %parallel_loop3A_575 masked %parallel_loop3A_577 {add = true} : memref<16384xf32, #tpu.memory_space<vmem>>[vector<16xi32>], vector<16xf32>, vector<16xi1>
      %parallel_loop3A_578 = arith.constant 0.000000e+00 : f32
      %parallel_loop3A_579 = vector.broadcast %parallel_loop3A_578 : f32 to vector<16xf32>
      %parallel_loop3A_580 = arith.subf %parallel_loop3A_579, %parallel_loop3A_575 : vector<16xf32>
      %parallel_loop3A_581 = arith.andi %parallel_loop3A_576, %not3A_94 : vector<16xi1>
      tpu.vector_store_idx %arg11[%parallel_loop3A_571], %parallel_loop3A_580 masked %parallel_loop3A_581 {add = true} : memref<16384xf32, #tpu.memory_space<vmem>>[vector<16xi32>], vector<16xf32>, vector<16xi1>
    } {sc.loop_unroll_factor = 8 : i64, sc.parallel_access}
    %dma_wait3A_109 = arith.constant 4096 : i32
    %dma_wait3A_110 = tpu.memref_slice %arg6[%dma_wait3A_109] : memref<16384xi32, #tpu.memory_space<vmem>> -> memref<4096xi32, #tpu.memory_space<vmem>>
    %dma_wait3A_111 = tpu.memref_slice %arg2[%add3A_29] : memref<524288xi32, #tpu.memory_space<hbm>> -> memref<4096xi32, #tpu.memory_space<hbm>>
    %dma_wait3A_112 = arith.constant 4096 : i32
    %dma_wait3A_113 = tpu.memref_slice %arg6[%dma_wait3A_112] : memref<16384xi32, #tpu.memory_space<vmem>> -> memref<4096xi32, #tpu.memory_space<vmem>>
    %dma_wait3A_114 = tpu.memref_slice %arg2[%add3A_29] : memref<524288xi32, #tpu.memory_space<hbm>> -> memref<4096xi32, #tpu.memory_space<hbm>>
    tpu.wait_dma2 semaphore(%arg18 : memref<!tpu.dma_semaphore, #tpu.memory_space<semaphore_mem>>) src(%dma_wait3A_114 : memref<4096xi32, #tpu.memory_space<hbm>>) dst(%dma_wait3A_113 : memref<4096xi32, #tpu.memory_space<vmem>>)
    %dma_wait3A_115 = arith.constant 4096 : i32
    %dma_wait3A_116 = tpu.memref_slice %arg7[%dma_wait3A_115] : memref<16400xi32, #tpu.memory_space<vmem>> -> memref<4096xi32, #tpu.memory_space<vmem>>
    %dma_wait3A_117 = tpu.memref_slice %arg3[%add3A_37] : memref<524288xi32, #tpu.memory_space<hbm>> -> memref<4096xi32, #tpu.memory_space<hbm>>
    %dma_wait3A_118 = arith.constant 4096 : i32
    %dma_wait3A_119 = tpu.memref_slice %arg7[%dma_wait3A_118] : memref<16400xi32, #tpu.memory_space<vmem>> -> memref<4096xi32, #tpu.memory_space<vmem>>
    %dma_wait3A_120 = tpu.memref_slice %arg3[%add3A_37] : memref<524288xi32, #tpu.memory_space<hbm>> -> memref<4096xi32, #tpu.memory_space<hbm>>
    tpu.wait_dma2 semaphore(%arg18 : memref<!tpu.dma_semaphore, #tpu.memory_space<semaphore_mem>>) src(%dma_wait3A_120 : memref<4096xi32, #tpu.memory_space<hbm>>) dst(%dma_wait3A_119 : memref<4096xi32, #tpu.memory_space<vmem>>)
    %parallel_loop3A_121 = arith.constant 0 : i32
    %parallel_loop3A_122 = arith.constant 256 : i32
    %parallel_loop3A_123 = arith.constant 1 : i32
    scf.for %parallel_loop3A_558 = %parallel_loop3A_121 to %parallel_loop3A_122 step %parallel_loop3A_123  : i32 {
      %parallel_loop3A_559 = arith.constant 16 : i32
      %parallel_loop3A_560 = arith.muli %parallel_loop3A_558, %parallel_loop3A_559 : i32
      %parallel_loop3A_561 = arith.constant 4096 : i32
      %parallel_loop3A_562 = arith.addi %parallel_loop3A_561, %parallel_loop3A_560 : i32
      %parallel_loop3A_563 = tpu.assume_multiple %parallel_loop3A_562, 16 : i32
      %parallel_loop3A_564 = arith.index_cast %parallel_loop3A_563 : i32 to index
      %parallel_loop3A_565 = tpu.vector_load %arg6[%parallel_loop3A_564] {strides = array<i32>} : memref<16384xi32, #tpu.memory_space<vmem>>, vector<16xi32>,
      %parallel_loop3A_566 = arith.index_cast %parallel_loop3A_563 : i32 to index
      %parallel_loop3A_567 = tpu.vector_load %arg7[%parallel_loop3A_566] {strides = array<i32>} : memref<16400xi32, #tpu.memory_space<vmem>>, vector<16xi32>,
      %parallel_loop3A_568 = arith.constant 1 : i32
      %parallel_loop3A_569 = arith.addi %parallel_loop3A_563, %parallel_loop3A_568 : i32
      %parallel_loop3A_570 = arith.index_cast %parallel_loop3A_569 : i32 to index
      %parallel_loop3A_571 = tpu.vector_load %arg7[%parallel_loop3A_570] {strides = array<i32>} : memref<16400xi32, #tpu.memory_space<vmem>>, vector<16xi32>,
      %parallel_loop3A_572 = tpu.vector_load_idx %arg10[%parallel_loop3A_565] : memref<95xf32, #tpu.memory_space<vmem>>[vector<16xi32>], vector<16xf32>,
      %parallel_loop3A_573 = arith.constant true
      %parallel_loop3A_574 = vector.broadcast %parallel_loop3A_573 : i1 to vector<16xi1>
      %parallel_loop3A_575 = tpu.scan <sum>, %parallel_loop3A_572 masked %parallel_loop3A_574 : vector<16xf32>, vector<16xi1> -> vector<16xf32>
      %parallel_loop3A_576 = arith.cmpi ne, %parallel_loop3A_567, %parallel_loop3A_571 : vector<16xi32>
      %parallel_loop3A_577 = arith.ori %parallel_loop3A_576, %eq3A_93 : vector<16xi1>
      tpu.vector_store_idx %arg11[%parallel_loop3A_567], %parallel_loop3A_575 masked %parallel_loop3A_577 {add = true} : memref<16384xf32, #tpu.memory_space<vmem>>[vector<16xi32>], vector<16xf32>, vector<16xi1>
      %parallel_loop3A_578 = arith.constant 0.000000e+00 : f32
      %parallel_loop3A_579 = vector.broadcast %parallel_loop3A_578 : f32 to vector<16xf32>
      %parallel_loop3A_580 = arith.subf %parallel_loop3A_579, %parallel_loop3A_575 : vector<16xf32>
      %parallel_loop3A_581 = arith.andi %parallel_loop3A_576, %not3A_94 : vector<16xi1>
      tpu.vector_store_idx %arg11[%parallel_loop3A_571], %parallel_loop3A_580 masked %parallel_loop3A_581 {add = true} : memref<16384xf32, #tpu.memory_space<vmem>>[vector<16xi32>], vector<16xf32>, vector<16xi1>
    } {sc.loop_unroll_factor = 8 : i64, sc.parallel_access}
    %dma_wait3A_124 = arith.constant 8192 : i32
    %dma_wait3A_125 = tpu.memref_slice %arg6[%dma_wait3A_124] : memref<16384xi32, #tpu.memory_space<vmem>> -> memref<4096xi32, #tpu.memory_space<vmem>>
    %dma_wait3A_126 = tpu.memref_slice %arg2[%add3A_45] : memref<524288xi32, #tpu.memory_space<hbm>> -> memref<4096xi32, #tpu.memory_space<hbm>>
    %dma_wait3A_127 = arith.constant 8192 : i32
    %dma_wait3A_128 = tpu.memref_slice %arg6[%dma_wait3A_127] : memref<16384xi32, #tpu.memory_space<vmem>> -> memref<4096xi32, #tpu.memory_space<vmem>>
    %dma_wait3A_129 = tpu.memref_slice %arg2[%add3A_45] : memref<524288xi32, #tpu.memory_space<hbm>> -> memref<4096xi32, #tpu.memory_space<hbm>>
    tpu.wait_dma2 semaphore(%arg19 : memref<!tpu.dma_semaphore, #tpu.memory_space<semaphore_mem>>) src(%dma_wait3A_129 : memref<4096xi32, #tpu.memory_space<hbm>>) dst(%dma_wait3A_128 : memref<4096xi32, #tpu.memory_space<vmem>>)
    %dma_wait3A_130 = arith.constant 8192 : i32
    %dma_wait3A_131 = tpu.memref_slice %arg7[%dma_wait3A_130] : memref<16400xi32, #tpu.memory_space<vmem>> -> memref<4096xi32, #tpu.memory_space<vmem>>
    %dma_wait3A_132 = tpu.memref_slice %arg3[%add3A_53] : memref<524288xi32, #tpu.memory_space<hbm>> -> memref<4096xi32, #tpu.memory_space<hbm>>
    %dma_wait3A_133 = arith.constant 8192 : i32
    %dma_wait3A_134 = tpu.memref_slice %arg7[%dma_wait3A_133] : memref<16400xi32, #tpu.memory_space<vmem>> -> memref<4096xi32, #tpu.memory_space<vmem>>
    %dma_wait3A_135 = tpu.memref_slice %arg3[%add3A_53] : memref<524288xi32, #tpu.memory_space<hbm>> -> memref<4096xi32, #tpu.memory_space<hbm>>
    tpu.wait_dma2 semaphore(%arg19 : memref<!tpu.dma_semaphore, #tpu.memory_space<semaphore_mem>>) src(%dma_wait3A_135 : memref<4096xi32, #tpu.memory_space<hbm>>) dst(%dma_wait3A_134 : memref<4096xi32, #tpu.memory_space<vmem>>)
    %parallel_loop3A_136 = arith.constant 0 : i32
    %parallel_loop3A_137 = arith.constant 256 : i32
    %parallel_loop3A_138 = arith.constant 1 : i32
    scf.for %parallel_loop3A_558 = %parallel_loop3A_136 to %parallel_loop3A_137 step %parallel_loop3A_138  : i32 {
      %parallel_loop3A_559 = arith.constant 16 : i32
      %parallel_loop3A_560 = arith.muli %parallel_loop3A_558, %parallel_loop3A_559 : i32
      %parallel_loop3A_561 = arith.constant 8192 : i32
      %parallel_loop3A_562 = arith.addi %parallel_loop3A_561, %parallel_loop3A_560 : i32
      %parallel_loop3A_563 = tpu.assume_multiple %parallel_loop3A_562, 16 : i32
      %parallel_loop3A_564 = arith.index_cast %parallel_loop3A_563 : i32 to index
      %parallel_loop3A_565 = tpu.vector_load %arg6[%parallel_loop3A_564] {strides = array<i32>} : memref<16384xi32, #tpu.memory_space<vmem>>, vector<16xi32>,
      %parallel_loop3A_566 = arith.index_cast %parallel_loop3A_563 : i32 to index
      %parallel_loop3A_567 = tpu.vector_load %arg7[%parallel_loop3A_566] {strides = array<i32>} : memref<16400xi32, #tpu.memory_space<vmem>>, vector<16xi32>,
      %parallel_loop3A_568 = arith.constant 1 : i32
      %parallel_loop3A_569 = arith.addi %parallel_loop3A_563, %parallel_loop3A_568 : i32
      %parallel_loop3A_570 = arith.index_cast %parallel_loop3A_569 : i32 to index
      %parallel_loop3A_571 = tpu.vector_load %arg7[%parallel_loop3A_570] {strides = array<i32>} : memref<16400xi32, #tpu.memory_space<vmem>>, vector<16xi32>,
      %parallel_loop3A_572 = tpu.vector_load_idx %arg10[%parallel_loop3A_565] : memref<95xf32, #tpu.memory_space<vmem>>[vector<16xi32>], vector<16xf32>,
      %parallel_loop3A_573 = arith.constant true
      %parallel_loop3A_574 = vector.broadcast %parallel_loop3A_573 : i1 to vector<16xi1>
      %parallel_loop3A_575 = tpu.scan <sum>, %parallel_loop3A_572 masked %parallel_loop3A_574 : vector<16xf32>, vector<16xi1> -> vector<16xf32>
      %parallel_loop3A_576 = arith.cmpi ne, %parallel_loop3A_567, %parallel_loop3A_571 : vector<16xi32>
      %parallel_loop3A_577 = arith.ori %parallel_loop3A_576, %eq3A_93 : vector<16xi1>
      tpu.vector_store_idx %arg11[%parallel_loop3A_567], %parallel_loop3A_575 masked %parallel_loop3A_577 {add = true} : memref<16384xf32, #tpu.memory_space<vmem>>[vector<16xi32>], vector<16xf32>, vector<16xi1>
      %parallel_loop3A_578 = arith.constant 0.000000e+00 : f32
      %parallel_loop3A_579 = vector.broadcast %parallel_loop3A_578 : f32 to vector<16xf32>
      %parallel_loop3A_580 = arith.subf %parallel_loop3A_579, %parallel_loop3A_575 : vector<16xf32>
      %parallel_loop3A_581 = arith.andi %parallel_loop3A_576, %not3A_94 : vector<16xi1>
      tpu.vector_store_idx %arg11[%parallel_loop3A_571], %parallel_loop3A_580 masked %parallel_loop3A_581 {add = true} : memref<16384xf32, #tpu.memory_space<vmem>>[vector<16xi32>], vector<16xf32>, vector<16xi1>
    } {sc.loop_unroll_factor = 8 : i64, sc.parallel_access}
    %dma_wait3A_139 = arith.constant 12288 : i32
    %dma_wait3A_140 = tpu.memref_slice %arg6[%dma_wait3A_139] : memref<16384xi32, #tpu.memory_space<vmem>> -> memref<4096xi32, #tpu.memory_space<vmem>>
    %dma_wait3A_141 = tpu.memref_slice %arg2[%add3A_61] : memref<524288xi32, #tpu.memory_space<hbm>> -> memref<4096xi32, #tpu.memory_space<hbm>>
    %dma_wait3A_142 = arith.constant 12288 : i32
    %dma_wait3A_143 = tpu.memref_slice %arg6[%dma_wait3A_142] : memref<16384xi32, #tpu.memory_space<vmem>> -> memref<4096xi32, #tpu.memory_space<vmem>>
    %dma_wait3A_144 = tpu.memref_slice %arg2[%add3A_61] : memref<524288xi32, #tpu.memory_space<hbm>> -> memref<4096xi32, #tpu.memory_space<hbm>>
    tpu.wait_dma2 semaphore(%arg20 : memref<!tpu.dma_semaphore, #tpu.memory_space<semaphore_mem>>) src(%dma_wait3A_144 : memref<4096xi32, #tpu.memory_space<hbm>>) dst(%dma_wait3A_143 : memref<4096xi32, #tpu.memory_space<vmem>>)
    %dma_wait3A_145 = arith.constant 12288 : i32
    %dma_wait3A_146 = tpu.memref_slice %arg7[%dma_wait3A_145] : memref<16400xi32, #tpu.memory_space<vmem>> -> memref<4096xi32, #tpu.memory_space<vmem>>
    %dma_wait3A_147 = tpu.memref_slice %arg3[%add3A_69] : memref<524288xi32, #tpu.memory_space<hbm>> -> memref<4096xi32, #tpu.memory_space<hbm>>
    %dma_wait3A_148 = arith.constant 12288 : i32
    %dma_wait3A_149 = tpu.memref_slice %arg7[%dma_wait3A_148] : memref<16400xi32, #tpu.memory_space<vmem>> -> memref<4096xi32, #tpu.memory_space<vmem>>
    %dma_wait3A_150 = tpu.memref_slice %arg3[%add3A_69] : memref<524288xi32, #tpu.memory_space<hbm>> -> memref<4096xi32, #tpu.memory_space<hbm>>
    tpu.wait_dma2 semaphore(%arg20 : memref<!tpu.dma_semaphore, #tpu.memory_space<semaphore_mem>>) src(%dma_wait3A_150 : memref<4096xi32, #tpu.memory_space<hbm>>) dst(%dma_wait3A_149 : memref<4096xi32, #tpu.memory_space<vmem>>)
    %parallel_loop3A_151 = arith.constant 0 : i32
    %parallel_loop3A_152 = arith.constant 256 : i32
    %parallel_loop3A_153 = arith.constant 1 : i32
    scf.for %parallel_loop3A_558 = %parallel_loop3A_151 to %parallel_loop3A_152 step %parallel_loop3A_153  : i32 {
      %parallel_loop3A_559 = arith.constant 16 : i32
      %parallel_loop3A_560 = arith.muli %parallel_loop3A_558, %parallel_loop3A_559 : i32
      %parallel_loop3A_561 = arith.constant 12288 : i32
      %parallel_loop3A_562 = arith.addi %parallel_loop3A_561, %parallel_loop3A_560 : i32
      %parallel_loop3A_563 = tpu.assume_multiple %parallel_loop3A_562, 16 : i32
      %parallel_loop3A_564 = arith.index_cast %parallel_loop3A_563 : i32 to index
      %parallel_loop3A_565 = tpu.vector_load %arg6[%parallel_loop3A_564] {strides = array<i32>} : memref<16384xi32, #tpu.memory_space<vmem>>, vector<16xi32>,
      %parallel_loop3A_566 = arith.index_cast %parallel_loop3A_563 : i32 to index
      %parallel_loop3A_567 = tpu.vector_load %arg7[%parallel_loop3A_566] {strides = array<i32>} : memref<16400xi32, #tpu.memory_space<vmem>>, vector<16xi32>,
      %parallel_loop3A_568 = arith.constant 1 : i32
      %parallel_loop3A_569 = arith.addi %parallel_loop3A_563, %parallel_loop3A_568 : i32
      %parallel_loop3A_570 = arith.index_cast %parallel_loop3A_569 : i32 to index
      %parallel_loop3A_571 = tpu.vector_load %arg7[%parallel_loop3A_570] {strides = array<i32>} : memref<16400xi32, #tpu.memory_space<vmem>>, vector<16xi32>,
      %parallel_loop3A_572 = tpu.vector_load_idx %arg10[%parallel_loop3A_565] : memref<95xf32, #tpu.memory_space<vmem>>[vector<16xi32>], vector<16xf32>,
      %parallel_loop3A_573 = arith.constant true
      %parallel_loop3A_574 = vector.broadcast %parallel_loop3A_573 : i1 to vector<16xi1>
      %parallel_loop3A_575 = tpu.scan <sum>, %parallel_loop3A_572 masked %parallel_loop3A_574 : vector<16xf32>, vector<16xi1> -> vector<16xf32>
      %parallel_loop3A_576 = arith.cmpi ne, %parallel_loop3A_567, %parallel_loop3A_571 : vector<16xi32>
      %parallel_loop3A_577 = arith.ori %parallel_loop3A_576, %eq3A_93 : vector<16xi1>
      tpu.vector_store_idx %arg11[%parallel_loop3A_567], %parallel_loop3A_575 masked %parallel_loop3A_577 {add = true} : memref<16384xf32, #tpu.memory_space<vmem>>[vector<16xi32>], vector<16xf32>, vector<16xi1>
      %parallel_loop3A_578 = arith.constant 0.000000e+00 : f32
      %parallel_loop3A_579 = vector.broadcast %parallel_loop3A_578 : f32 to vector<16xf32>
      %parallel_loop3A_580 = arith.subf %parallel_loop3A_579, %parallel_loop3A_575 : vector<16xf32>
      %parallel_loop3A_581 = arith.andi %parallel_loop3A_576, %not3A_94 : vector<16xi1>
      tpu.vector_store_idx %arg11[%parallel_loop3A_571], %parallel_loop3A_580 masked %parallel_loop3A_581 {add = true} : memref<16384xf32, #tpu.memory_space<vmem>>[vector<16xi32>], vector<16xf32>, vector<16xi1>
    } {sc.loop_unroll_factor = 8 : i64, sc.parallel_access}
    %dma_wait3A_154 = tpu.memref_slice %arg2[%mul3A_12] : memref<524288xi32, #tpu.memory_space<hbm>> -> memref<16384xi32, #tpu.memory_space<hbm>>
    %dma_wait3A_155 = tpu.memref_slice %arg2[%mul3A_12] : memref<524288xi32, #tpu.memory_space<hbm>> -> memref<16384xi32, #tpu.memory_space<hbm>>
    tpu.wait_dma2 semaphore(%arg16 : memref<!tpu.dma_semaphore, #tpu.memory_space<semaphore_mem>>) src(%dma_wait3A_155 : memref<16384xi32, #tpu.memory_space<hbm>>) dst(%arg8 : memref<16384xi32, #tpu.memory_space<vmem>>)
    %dma_wait3A_156 = arith.constant 0 : i32
    %dma_wait3A_157 = tpu.memref_slice %arg9[%dma_wait3A_156] : memref<16400xi32, #tpu.memory_space<vmem>> -> memref<16384xi32, #tpu.memory_space<vmem>>
    %dma_wait3A_158 = tpu.memref_slice %arg3[%mul3A_12] : memref<524288xi32, #tpu.memory_space<hbm>> -> memref<16384xi32, #tpu.memory_space<hbm>>
    %dma_wait3A_159 = arith.constant 0 : i32
    %dma_wait3A_160 = tpu.memref_slice %arg9[%dma_wait3A_159] : memref<16400xi32, #tpu.memory_space<vmem>> -> memref<16384xi32, #tpu.memory_space<vmem>>
    %dma_wait3A_161 = tpu.memref_slice %arg3[%mul3A_12] : memref<524288xi32, #tpu.memory_space<hbm>> -> memref<16384xi32, #tpu.memory_space<hbm>>
    tpu.wait_dma2 semaphore(%arg16 : memref<!tpu.dma_semaphore, #tpu.memory_space<semaphore_mem>>) src(%dma_wait3A_161 : memref<16384xi32, #tpu.memory_space<hbm>>) dst(%dma_wait3A_160 : memref<16384xi32, #tpu.memory_space<vmem>>)
    %get3A = arith.constant 0 : index
    %get3A_162 = tpu.vector_load %arg9[%get3A] {strides = array<i32>} : memref<16400xi32, #tpu.memory_space<vmem>>, vector<16xi32>,
    %slice3A = vector.extract_strided_slice %get3A_162 {offsets = [0], sizes = [1], strides = [1]} : vector<16xi32> to vector<1xi32>
    %squeeze3A = vector.extract %slice3A[0] : i32 from vector<1xi32>
    %get3A_163 = arith.constant 16368 : index
    %get3A_164 = tpu.vector_load %arg9[%get3A_163] {strides = array<i32>} : memref<16400xi32, #tpu.memory_space<vmem>>, vector<16xi32>,
    %slice3A_165 = vector.extract_strided_slice %get3A_164 {offsets = [15], sizes = [1], strides = [1]} : vector<16xi32> to vector<1xi32>
    %squeeze3A_166 = vector.extract %slice3A_165[0] : i32 from vector<1xi32>
    %ge3A = arith.cmpi sge, %squeeze3A_166, %mul3A_0 : i32
    %lt3A = arith.cmpi slt, %squeeze3A, %add3A_1 : i32
    %and3A = arith.andi %ge3A, %lt3A : i1
    %convert_element_type3A = arith.extui %and3A : i1 to i32
    %cond3A = arith.constant 0 : i32
    %cond3A_167 = arith.cmpi ne, %convert_element_type3A, %cond3A : i32
    scf.if %cond3A_167 {
      %eq3A_558 = arith.constant 0 : i32
      %eq3A_559 = arith.cmpi eq, %arg0, %eq3A_558 : i32
      %scan3A = arith.constant 0 : i32
      %scan3A_560 = arith.constant 1024 : i32
      %scan3A_561 = arith.constant 0 : i32
      %scan3A_562 = arith.constant 11 : i32
      %scan3A_563 = arith.addi %scan3A_561, %scan3A_562 : i32
      %scan3A_564 = arith.constant 1 : i32
      %scan3A_565:2 = scf.for %scan3A_593 = %scan3A_561 to %scan3A_563 step %scan3A_564 iter_args(%scan3A_594 = %scan3A, %scan3A_595 = %scan3A_560) -> (i32, i32)  : i32 {
        %add3A_596 = arith.addi %scan3A_594, %scan3A_595 : i32
        %jit3A_597 = arith.constant 2 : i32
        %div3A = arith.divsi %add3A_596, %jit3A_597 : i32
        %sign3A = arith.constant 0 : i32
        %sign3A_598 = arith.cmpi sgt, %add3A_596, %sign3A : i32
        %sign3A_599 = arith.extui %sign3A_598 : i1 to i32
        %sign3A_600 = arith.constant 0 : i32
        %sign3A_601 = arith.cmpi slt, %add3A_596, %sign3A_600 : i32
        %sign3A_602 = arith.extui %sign3A_601 : i1 to i32
        %sign3A_603 = arith.subi %sign3A_599, %sign3A_602 : i32
        %sign3A_604 = arith.constant 0 : i32
        %sign3A_605 = arith.cmpi sgt, %jit3A_597, %sign3A_604 : i32
        %sign3A_606 = arith.extui %sign3A_605 : i1 to i32
        %sign3A_607 = arith.constant 0 : i32
        %sign3A_608 = arith.cmpi slt, %jit3A_597, %sign3A_607 : i32
        %sign3A_609 = arith.extui %sign3A_608 : i1 to i32
        %sign3A_610 = arith.subi %sign3A_606, %sign3A_609 : i32
        %ne3A = arith.cmpi ne, %sign3A_603, %sign3A_610 : i32
        %rem3A = arith.remsi %add3A_596, %jit3A_597 : i32
        %ne3A_611 = arith.constant 0 : i32
        %ne3A_612 = arith.cmpi ne, %rem3A, %ne3A_611 : i32
        %and3A_613 = arith.andi %ne3A, %ne3A_612 : i1
        %sub3A_614 = arith.constant 1 : i32
        %sub3A_615 = arith.subi %div3A, %sub3A_614 : i32
        %select_n3A_616 = arith.select %and3A_613, %sub3A_615, %div3A : i32
        %mul3A_617 = arith.constant 16 : i32
        %mul3A_618 = arith.muli %select_n3A_616, %mul3A_617 : i32
        %get3A_619 = arith.index_cast %mul3A_618 : i32 to index
        %get3A_620 = tpu.vector_load %arg9[%get3A_619] {strides = array<i32>} : memref<16400xi32, #tpu.memory_space<vmem>>, vector<16xi32>,
        %slice3A_621 = vector.extract_strided_slice %get3A_620 {offsets = [0], sizes = [1], strides = [1]} : vector<16xi32> to vector<1xi32>
        %squeeze3A_622 = vector.extract %slice3A_621[0] : i32 from vector<1xi32>
        %ge3A_623 = arith.cmpi sge, %squeeze3A_622, %mul3A_0 : i32
        %add3A_624 = arith.constant 1 : i32
        %add3A_625 = arith.addi %select_n3A_616, %add3A_624 : i32
        %select_n3A_626 = arith.select %ge3A_623, %scan3A_594, %add3A_625 : i32
        %select_n3A_627 = arith.select %ge3A_623, %select_n3A_616, %scan3A_595 : i32
        scf.yield %select_n3A_626, %select_n3A_627 : i32, i32
      }
      %scan3A_566 = arith.constant 11 : i32
      %sub3A_567 = arith.constant 1 : i32
      %sub3A_568 = arith.subi %scan3A_565#0, %sub3A_567 : i32
      %max3A = arith.constant 0 : i32
      %max3A_569 = arith.maxsi %sub3A_568, %max3A : i32
      %jit3A = arith.constant 0 : i32
      %select_n3A = arith.select %eq3A_559, %jit3A, %max3A_569 : i32
      %eq3A_570 = arith.constant 0 : i32
      %eq3A_571 = arith.cmpi eq, %arg0, %eq3A_570 : i32
      %scan3A_572 = arith.constant 0 : i32
      %scan3A_573 = arith.constant 1024 : i32
      %scan3A_574 = arith.constant 0 : i32
      %scan3A_575 = arith.constant 11 : i32
      %scan3A_576 = arith.addi %scan3A_574, %scan3A_575 : i32
      %scan3A_577 = arith.constant 1 : i32
      %scan3A_578:2 = scf.for %scan3A_593 = %scan3A_574 to %scan3A_576 step %scan3A_577 iter_args(%scan3A_594 = %scan3A_572, %scan3A_595 = %scan3A_573) -> (i32, i32)  : i32 {
        %add3A_596 = arith.addi %scan3A_594, %scan3A_595 : i32
        %jit3A_597 = arith.constant 2 : i32
        %div3A = arith.divsi %add3A_596, %jit3A_597 : i32
        %sign3A = arith.constant 0 : i32
        %sign3A_598 = arith.cmpi sgt, %add3A_596, %sign3A : i32
        %sign3A_599 = arith.extui %sign3A_598 : i1 to i32
        %sign3A_600 = arith.constant 0 : i32
        %sign3A_601 = arith.cmpi slt, %add3A_596, %sign3A_600 : i32
        %sign3A_602 = arith.extui %sign3A_601 : i1 to i32
        %sign3A_603 = arith.subi %sign3A_599, %sign3A_602 : i32
        %sign3A_604 = arith.constant 0 : i32
        %sign3A_605 = arith.cmpi sgt, %jit3A_597, %sign3A_604 : i32
        %sign3A_606 = arith.extui %sign3A_605 : i1 to i32
        %sign3A_607 = arith.constant 0 : i32
        %sign3A_608 = arith.cmpi slt, %jit3A_597, %sign3A_607 : i32
        %sign3A_609 = arith.extui %sign3A_608 : i1 to i32
        %sign3A_610 = arith.subi %sign3A_606, %sign3A_609 : i32
        %ne3A = arith.cmpi ne, %sign3A_603, %sign3A_610 : i32
        %rem3A = arith.remsi %add3A_596, %jit3A_597 : i32
        %ne3A_611 = arith.constant 0 : i32
        %ne3A_612 = arith.cmpi ne, %rem3A, %ne3A_611 : i32
        %and3A_613 = arith.andi %ne3A, %ne3A_612 : i1
        %sub3A_614 = arith.constant 1 : i32
        %sub3A_615 = arith.subi %div3A, %sub3A_614 : i32
        %select_n3A_616 = arith.select %and3A_613, %sub3A_615, %div3A : i32
        %mul3A_617 = arith.constant 16 : i32
        %mul3A_618 = arith.muli %select_n3A_616, %mul3A_617 : i32
        %get3A_619 = arith.index_cast %mul3A_618 : i32 to index
        %get3A_620 = tpu.vector_load %arg9[%get3A_619] {strides = array<i32>} : memref<16400xi32, #tpu.memory_space<vmem>>, vector<16xi32>,
        %slice3A_621 = vector.extract_strided_slice %get3A_620 {offsets = [0], sizes = [1], strides = [1]} : vector<16xi32> to vector<1xi32>
        %squeeze3A_622 = vector.extract %slice3A_621[0] : i32 from vector<1xi32>
        %ge3A_623 = arith.cmpi sge, %squeeze3A_622, %add3A_1 : i32
        %add3A_624 = arith.constant 1 : i32
        %add3A_625 = arith.addi %select_n3A_616, %add3A_624 : i32
        %select_n3A_626 = arith.select %ge3A_623, %scan3A_594, %add3A_625 : i32
        %select_n3A_627 = arith.select %ge3A_623, %select_n3A_616, %scan3A_595 : i32
        scf.yield %select_n3A_626, %select_n3A_627 : i32, i32
      }
      %scan3A_579 = arith.constant 11 : i32
      %add3A_580 = arith.constant 1 : i32
      %add3A_581 = arith.addi %scan3A_578#0, %add3A_580 : i32
      %min3A = arith.constant 1024 : i32
      %min3A_582 = arith.minsi %add3A_581, %min3A : i32
      %jit3A_583 = arith.constant 1024 : i32
      %select_n3A_584 = arith.select %eq3A_571, %min3A_582, %jit3A_583 : i32
      %while3A = arith.constant 0 : i32
      %while3A_585 = arith.subi %select_n3A_584, %select_n3A : i32
      %while3A_586 = arith.addi %select_n3A, %while3A_585 : i32
      %while3A_587 = arith.constant 1 : i32
      %while3A_588 = arith.divsi %while3A_585, %while3A_587 : i32
      %while3A_589 = arith.muli %while3A_588, %while3A_587 : i32
      %while3A_590 = arith.addi %select_n3A, %while3A_589 : i32
      %while3A_591 = arith.constant 1 : i32
      scf.for %while3A_593 = %select_n3A to %while3A_590 step %while3A_591  : i32 {
        %mul3A_594 = arith.constant 16 : i32
        %mul3A_595 = arith.muli %while3A_593, %mul3A_594 : i32
        %get3A_596 = arith.index_cast %mul3A_595 : i32 to index
        %get3A_597 = tpu.vector_load %arg8[%get3A_596] {strides = array<i32>} : memref<16384xi32, #tpu.memory_space<vmem>>, vector<16xi32>,
        %get3A_598 = arith.index_cast %mul3A_595 : i32 to index
        %get3A_599 = tpu.vector_load %arg9[%get3A_598] {strides = array<i32>} : memref<16400xi32, #tpu.memory_space<vmem>>, vector<16xi32>,
        %add3A_600 = arith.constant 1 : i32
        %add3A_601 = arith.addi %mul3A_595, %add3A_600 : i32
        %get3A_602 = arith.index_cast %add3A_601 : i32 to index
        %get3A_603 = tpu.vector_load %arg9[%get3A_602] {strides = array<i32>} : memref<16400xi32, #tpu.memory_space<vmem>>, vector<16xi32>,
        %gather3A = tpu.vector_load_idx %arg10[%get3A_597] : memref<95xf32, #tpu.memory_space<vmem>>[vector<16xi32>], vector<16xf32>,
        %broadcast_in_dim3A_604 = arith.constant true
        %broadcast_in_dim3A_605 = vector.broadcast %broadcast_in_dim3A_604 : i1 to vector<16xi1>
        %masked_cumsum3A = tpu.scan <sum>, %gather3A masked %broadcast_in_dim3A_605 : vector<16xf32>, vector<16xi1> -> vector<16xf32>
        %ne3A = arith.cmpi ne, %get3A_599, %get3A_603 : vector<16xi32>
        %or3A = arith.ori %ne3A, %eq3A_93 : vector<16xi1>
        tpu.vector_store_idx %arg11[%get3A_599], %masked_cumsum3A masked %or3A {add = true} : memref<16384xf32, #tpu.memory_space<vmem>>[vector<16xi32>], vector<16xf32>, vector<16xi1>
        %neg3A = arith.constant 0.000000e+00 : f32
        %neg3A_606 = vector.broadcast %neg3A : f32 to vector<16xf32>
        %neg3A_607 = arith.subf %neg3A_606, %masked_cumsum3A : vector<16xf32>
        %and3A_608 = arith.andi %ne3A, %not3A_94 : vector<16xi1>
        tpu.vector_store_idx %arg11[%get3A_603], %neg3A_607 masked %and3A_608 {add = true} : memref<16384xf32, #tpu.memory_space<vmem>>[vector<16xi32>], vector<16xf32>, vector<16xi1>
      }
      %while3A_592 = arith.constant 1 : i32
      scf.for %while3A_593 = %while3A_590 to %while3A_586 step %while3A_592  : i32 {
        %mul3A_594 = arith.constant 16 : i32
        %mul3A_595 = arith.muli %while3A_593, %mul3A_594 : i32
        %get3A_596 = arith.index_cast %mul3A_595 : i32 to index
        %get3A_597 = tpu.vector_load %arg8[%get3A_596] {strides = array<i32>} : memref<16384xi32, #tpu.memory_space<vmem>>, vector<16xi32>,
        %get3A_598 = arith.index_cast %mul3A_595 : i32 to index
        %get3A_599 = tpu.vector_load %arg9[%get3A_598] {strides = array<i32>} : memref<16400xi32, #tpu.memory_space<vmem>>, vector<16xi32>,
        %add3A_600 = arith.constant 1 : i32
        %add3A_601 = arith.addi %mul3A_595, %add3A_600 : i32
        %get3A_602 = arith.index_cast %add3A_601 : i32 to index
        %get3A_603 = tpu.vector_load %arg9[%get3A_602] {strides = array<i32>} : memref<16400xi32, #tpu.memory_space<vmem>>, vector<16xi32>,
        %gather3A = tpu.vector_load_idx %arg10[%get3A_597] : memref<95xf32, #tpu.memory_space<vmem>>[vector<16xi32>], vector<16xf32>,
        %broadcast_in_dim3A_604 = arith.constant true
        %broadcast_in_dim3A_605 = vector.broadcast %broadcast_in_dim3A_604 : i1 to vector<16xi1>
        %masked_cumsum3A = tpu.scan <sum>, %gather3A masked %broadcast_in_dim3A_605 : vector<16xf32>, vector<16xi1> -> vector<16xf32>
        %ne3A = arith.cmpi ne, %get3A_599, %get3A_603 : vector<16xi32>
        %or3A = arith.ori %ne3A, %eq3A_93 : vector<16xi1>
        tpu.vector_store_idx %arg11[%get3A_599], %masked_cumsum3A masked %or3A {add = true} : memref<16384xf32, #tpu.memory_space<vmem>>[vector<16xi32>], vector<16xf32>, vector<16xi1>
        %neg3A = arith.constant 0.000000e+00 : f32
        %neg3A_606 = vector.broadcast %neg3A : f32 to vector<16xf32>
        %neg3A_607 = arith.subf %neg3A_606, %masked_cumsum3A : vector<16xf32>
        %and3A_608 = arith.andi %ne3A, %not3A_94 : vector<16xi1>
        tpu.vector_store_idx %arg11[%get3A_603], %neg3A_607 masked %and3A_608 {add = true} : memref<16384xf32, #tpu.memory_space<vmem>>[vector<16xi32>], vector<16xf32>, vector<16xi1>
      }
    } else {
    }
    "tpu.region"() ({
      %run_scoped3A = tpu.sem_alloc : memref<!tpu.dma_semaphore, #tpu.memory_space<semaphore_mem>>
      %dma_start3A_558 = tpu.memref_slice %arg11[%mul3A_0] : memref<16384xf32, #tpu.memory_space<vmem>> -> memref<8192xf32, #tpu.memory_space<vmem>>
      %dma_start3A_559 = arith.constant 0 : i32
      %dma_start3A_560 = tpu.memref_slice %arg14[%arg1, %dma_start3A_559] : memref<16x8192xf32, #tpu.memory_space<vmem_shared>> -> memref<1x8192xf32, #tpu.memory_space<vmem_shared>>
      %dma_start3A_561 = tpu.memref_squeeze %dma_start3A_560 : memref<1x8192xf32, #tpu.memory_space<vmem_shared>> -> memref<8192xf32, #tpu.memory_space<vmem_shared>>
      %dma_start3A_562 = arith.constant 0 : i32
      %dma_start3A_563 = tpu.memref_slice %arg14[%arg1, %dma_start3A_562] : memref<16x8192xf32, #tpu.memory_space<vmem_shared>> -> memref<1x8192xf32, #tpu.memory_space<vmem_shared>>
      %dma_start3A_564 = tpu.memref_squeeze %dma_start3A_563 : memref<1x8192xf32, #tpu.memory_space<vmem_shared>> -> memref<8192xf32, #tpu.memory_space<vmem_shared>>
      %dma_start3A_565 = tpu.memref_slice %arg11[%mul3A_0] : memref<16384xf32, #tpu.memory_space<vmem>> -> memref<8192xf32, #tpu.memory_space<vmem>>
      tpu.enqueue_dma source(%dma_start3A_565 : memref<8192xf32, #tpu.memory_space<vmem>>) target(%dma_start3A_564 : memref<8192xf32, #tpu.memory_space<vmem_shared>>) target_semaphore(%run_scoped3A : memref<!tpu.dma_semaphore, #tpu.memory_space<semaphore_mem>>)
      %dma_wait3A_566 = tpu.memref_slice %arg11[%mul3A_0] : memref<16384xf32, #tpu.memory_space<vmem>> -> memref<8192xf32, #tpu.memory_space<vmem>>
      %dma_wait3A_567 = arith.constant 0 : i32
      %dma_wait3A_568 = tpu.memref_slice %arg14[%arg1, %dma_wait3A_567] : memref<16x8192xf32, #tpu.memory_space<vmem_shared>> -> memref<1x8192xf32, #tpu.memory_space<vmem_shared>>
      %dma_wait3A_569 = tpu.memref_squeeze %dma_wait3A_568 : memref<1x8192xf32, #tpu.memory_space<vmem_shared>> -> memref<8192xf32, #tpu.memory_space<vmem_shared>>
      %dma_wait3A_570 = arith.constant 0 : i32
      %dma_wait3A_571 = tpu.memref_slice %arg14[%arg1, %dma_wait3A_570] : memref<16x8192xf32, #tpu.memory_space<vmem_shared>> -> memref<1x8192xf32, #tpu.memory_space<vmem_shared>>
      %dma_wait3A_572 = tpu.memref_squeeze %dma_wait3A_571 : memref<1x8192xf32, #tpu.memory_space<vmem_shared>> -> memref<8192xf32, #tpu.memory_space<vmem_shared>>
      %dma_wait3A_573 = tpu.memref_slice %arg11[%mul3A_0] : memref<16384xf32, #tpu.memory_space<vmem>> -> memref<8192xf32, #tpu.memory_space<vmem>>
      tpu.wait_dma2 semaphore(%run_scoped3A : memref<!tpu.dma_semaphore, #tpu.memory_space<semaphore_mem>>) src(%dma_wait3A_573 : memref<8192xf32, #tpu.memory_space<vmem>>) dst(%dma_wait3A_572 : memref<8192xf32, #tpu.memory_space<vmem_shared>>)
      tpu.yield
    }) : () -> ()
    %barrier3A = arith.constant 0 : index
    tpu.barrier barrier_id(%barrier3A)
    %mul3A_168 = arith.constant 512 : i32
    %mul3A_169 = arith.muli %arg1, %mul3A_168 : i32
    %dma_start3A_170 = arith.constant 0 : i32
    %dma_start3A_171 = arith.constant 0 : i32
    %dma_start3A_172 = arith.constant 0 : i32
    %dma_start3A_173 = tpu.memref_slice %arg12[%dma_start3A_171, %dma_start3A_172] : memref<16x512xf32, #tpu.memory_space<vmem>> -> memref<1x512xf32, #tpu.memory_space<vmem>>
    %dma_start3A_174 = tpu.memref_squeeze %dma_start3A_173 : memref<1x512xf32, #tpu.memory_space<vmem>> -> memref<512xf32, #tpu.memory_space<vmem>>
    %dma_start3A_175 = tpu.memref_slice %arg14[%dma_start3A_170, %mul3A_169] : memref<16x8192xf32, #tpu.memory_space<vmem_shared>> -> memref<1x512xf32, #tpu.memory_space<vmem_shared>>
    %dma_start3A_176 = tpu.memref_squeeze %dma_start3A_175 : memref<1x512xf32, #tpu.memory_space<vmem_shared>> -> memref<512xf32, #tpu.memory_space<vmem_shared>>
    %dma_start3A_177 = arith.constant 0 : i32
    %dma_start3A_178 = tpu.memref_slice %arg12[%dma_start3A_171, %dma_start3A_177] : memref<16x512xf32, #tpu.memory_space<vmem>> -> memref<1x512xf32, #tpu.memory_space<vmem>>
    %dma_start3A_179 = tpu.memref_squeeze %dma_start3A_178 : memref<1x512xf32, #tpu.memory_space<vmem>> -> memref<512xf32, #tpu.memory_space<vmem>>
    %dma_start3A_180 = tpu.memref_slice %arg14[%dma_start3A_170, %mul3A_169] : memref<16x8192xf32, #tpu.memory_space<vmem_shared>> -> memref<1x512xf32, #tpu.memory_space<vmem_shared>>
    %dma_start3A_181 = tpu.memref_squeeze %dma_start3A_180 : memref<1x512xf32, #tpu.memory_space<vmem_shared>> -> memref<512xf32, #tpu.memory_space<vmem_shared>>
    tpu.enqueue_dma source(%dma_start3A_181 : memref<512xf32, #tpu.memory_space<vmem_shared>>) target(%dma_start3A_179 : memref<512xf32, #tpu.memory_space<vmem>>) target_semaphore(%arg15 : memref<!tpu.dma_semaphore, #tpu.memory_space<semaphore_mem>>)
    %dma_start3A_182 = arith.constant 1 : i32
    %dma_start3A_183 = arith.constant 1 : i32
    %dma_start3A_184 = arith.constant 0 : i32
    %dma_start3A_185 = tpu.memref_slice %arg12[%dma_start3A_183, %dma_start3A_184] : memref<16x512xf32, #tpu.memory_space<vmem>> -> memref<1x512xf32, #tpu.memory_space<vmem>>
    %dma_start3A_186 = tpu.memref_squeeze %dma_start3A_185 : memref<1x512xf32, #tpu.memory_space<vmem>> -> memref<512xf32, #tpu.memory_space<vmem>>
    %dma_start3A_187 = tpu.memref_slice %arg14[%dma_start3A_182, %mul3A_169] : memref<16x8192xf32, #tpu.memory_space<vmem_shared>> -> memref<1x512xf32, #tpu.memory_space<vmem_shared>>
    %dma_start3A_188 = tpu.memref_squeeze %dma_start3A_187 : memref<1x512xf32, #tpu.memory_space<vmem_shared>> -> memref<512xf32, #tpu.memory_space<vmem_shared>>
    %dma_start3A_189 = arith.constant 0 : i32
    %dma_start3A_190 = tpu.memref_slice %arg12[%dma_start3A_183, %dma_start3A_189] : memref<16x512xf32, #tpu.memory_space<vmem>> -> memref<1x512xf32, #tpu.memory_space<vmem>>
    %dma_start3A_191 = tpu.memref_squeeze %dma_start3A_190 : memref<1x512xf32, #tpu.memory_space<vmem>> -> memref<512xf32, #tpu.memory_space<vmem>>
    %dma_start3A_192 = tpu.memref_slice %arg14[%dma_start3A_182, %mul3A_169] : memref<16x8192xf32, #tpu.memory_space<vmem_shared>> -> memref<1x512xf32, #tpu.memory_space<vmem_shared>>
    %dma_start3A_193 = tpu.memref_squeeze %dma_start3A_192 : memref<1x512xf32, #tpu.memory_space<vmem_shared>> -> memref<512xf32, #tpu.memory_space<vmem_shared>>
    tpu.enqueue_dma source(%dma_start3A_193 : memref<512xf32, #tpu.memory_space<vmem_shared>>) target(%dma_start3A_191 : memref<512xf32, #tpu.memory_space<vmem>>) target_semaphore(%arg15 : memref<!tpu.dma_semaphore, #tpu.memory_space<semaphore_mem>>)
    %dma_start3A_194 = arith.constant 2 : i32
    %dma_start3A_195 = arith.constant 2 : i32
    %dma_start3A_196 = arith.constant 0 : i32
    %dma_start3A_197 = tpu.memref_slice %arg12[%dma_start3A_195, %dma_start3A_196] : memref<16x512xf32, #tpu.memory_space<vmem>> -> memref<1x512xf32, #tpu.memory_space<vmem>>
    %dma_start3A_198 = tpu.memref_squeeze %dma_start3A_197 : memref<1x512xf32, #tpu.memory_space<vmem>> -> memref<512xf32, #tpu.memory_space<vmem>>
    %dma_start3A_199 = tpu.memref_slice %arg14[%dma_start3A_194, %mul3A_169] : memref<16x8192xf32, #tpu.memory_space<vmem_shared>> -> memref<1x512xf32, #tpu.memory_space<vmem_shared>>
    %dma_start3A_200 = tpu.memref_squeeze %dma_start3A_199 : memref<1x512xf32, #tpu.memory_space<vmem_shared>> -> memref<512xf32, #tpu.memory_space<vmem_shared>>
    %dma_start3A_201 = arith.constant 0 : i32
    %dma_start3A_202 = tpu.memref_slice %arg12[%dma_start3A_195, %dma_start3A_201] : memref<16x512xf32, #tpu.memory_space<vmem>> -> memref<1x512xf32, #tpu.memory_space<vmem>>
    %dma_start3A_203 = tpu.memref_squeeze %dma_start3A_202 : memref<1x512xf32, #tpu.memory_space<vmem>> -> memref<512xf32, #tpu.memory_space<vmem>>
    %dma_start3A_204 = tpu.memref_slice %arg14[%dma_start3A_194, %mul3A_169] : memref<16x8192xf32, #tpu.memory_space<vmem_shared>> -> memref<1x512xf32, #tpu.memory_space<vmem_shared>>
    %dma_start3A_205 = tpu.memref_squeeze %dma_start3A_204 : memref<1x512xf32, #tpu.memory_space<vmem_shared>> -> memref<512xf32, #tpu.memory_space<vmem_shared>>
    tpu.enqueue_dma source(%dma_start3A_205 : memref<512xf32, #tpu.memory_space<vmem_shared>>) target(%dma_start3A_203 : memref<512xf32, #tpu.memory_space<vmem>>) target_semaphore(%arg15 : memref<!tpu.dma_semaphore, #tpu.memory_space<semaphore_mem>>)
    %dma_start3A_206 = arith.constant 3 : i32
    %dma_start3A_207 = arith.constant 3 : i32
    %dma_start3A_208 = arith.constant 0 : i32
    %dma_start3A_209 = tpu.memref_slice %arg12[%dma_start3A_207, %dma_start3A_208] : memref<16x512xf32, #tpu.memory_space<vmem>> -> memref<1x512xf32, #tpu.memory_space<vmem>>
    %dma_start3A_210 = tpu.memref_squeeze %dma_start3A_209 : memref<1x512xf32, #tpu.memory_space<vmem>> -> memref<512xf32, #tpu.memory_space<vmem>>
    %dma_start3A_211 = tpu.memref_slice %arg14[%dma_start3A_206, %mul3A_169] : memref<16x8192xf32, #tpu.memory_space<vmem_shared>> -> memref<1x512xf32, #tpu.memory_space<vmem_shared>>
    %dma_start3A_212 = tpu.memref_squeeze %dma_start3A_211 : memref<1x512xf32, #tpu.memory_space<vmem_shared>> -> memref<512xf32, #tpu.memory_space<vmem_shared>>
    %dma_start3A_213 = arith.constant 0 : i32
    %dma_start3A_214 = tpu.memref_slice %arg12[%dma_start3A_207, %dma_start3A_213] : memref<16x512xf32, #tpu.memory_space<vmem>> -> memref<1x512xf32, #tpu.memory_space<vmem>>
    %dma_start3A_215 = tpu.memref_squeeze %dma_start3A_214 : memref<1x512xf32, #tpu.memory_space<vmem>> -> memref<512xf32, #tpu.memory_space<vmem>>
    %dma_start3A_216 = tpu.memref_slice %arg14[%dma_start3A_206, %mul3A_169] : memref<16x8192xf32, #tpu.memory_space<vmem_shared>> -> memref<1x512xf32, #tpu.memory_space<vmem_shared>>
    %dma_start3A_217 = tpu.memref_squeeze %dma_start3A_216 : memref<1x512xf32, #tpu.memory_space<vmem_shared>> -> memref<512xf32, #tpu.memory_space<vmem_shared>>
    tpu.enqueue_dma source(%dma_start3A_217 : memref<512xf32, #tpu.memory_space<vmem_shared>>) target(%dma_start3A_215 : memref<512xf32, #tpu.memory_space<vmem>>) target_semaphore(%arg15 : memref<!tpu.dma_semaphore, #tpu.memory_space<semaphore_mem>>)
    %dma_start3A_218 = arith.constant 4 : i32
    %dma_start3A_219 = arith.constant 4 : i32
    %dma_start3A_220 = arith.constant 0 : i32
    %dma_start3A_221 = tpu.memref_slice %arg12[%dma_start3A_219, %dma_start3A_220] : memref<16x512xf32, #tpu.memory_space<vmem>> -> memref<1x512xf32, #tpu.memory_space<vmem>>
    %dma_start3A_222 = tpu.memref_squeeze %dma_start3A_221 : memref<1x512xf32, #tpu.memory_space<vmem>> -> memref<512xf32, #tpu.memory_space<vmem>>
    %dma_start3A_223 = tpu.memref_slice %arg14[%dma_start3A_218, %mul3A_169] : memref<16x8192xf32, #tpu.memory_space<vmem_shared>> -> memref<1x512xf32, #tpu.memory_space<vmem_shared>>
    %dma_start3A_224 = tpu.memref_squeeze %dma_start3A_223 : memref<1x512xf32, #tpu.memory_space<vmem_shared>> -> memref<512xf32, #tpu.memory_space<vmem_shared>>
    %dma_start3A_225 = arith.constant 0 : i32
    %dma_start3A_226 = tpu.memref_slice %arg12[%dma_start3A_219, %dma_start3A_225] : memref<16x512xf32, #tpu.memory_space<vmem>> -> memref<1x512xf32, #tpu.memory_space<vmem>>
    %dma_start3A_227 = tpu.memref_squeeze %dma_start3A_226 : memref<1x512xf32, #tpu.memory_space<vmem>> -> memref<512xf32, #tpu.memory_space<vmem>>
    %dma_start3A_228 = tpu.memref_slice %arg14[%dma_start3A_218, %mul3A_169] : memref<16x8192xf32, #tpu.memory_space<vmem_shared>> -> memref<1x512xf32, #tpu.memory_space<vmem_shared>>
    %dma_start3A_229 = tpu.memref_squeeze %dma_start3A_228 : memref<1x512xf32, #tpu.memory_space<vmem_shared>> -> memref<512xf32, #tpu.memory_space<vmem_shared>>
    tpu.enqueue_dma source(%dma_start3A_229 : memref<512xf32, #tpu.memory_space<vmem_shared>>) target(%dma_start3A_227 : memref<512xf32, #tpu.memory_space<vmem>>) target_semaphore(%arg15 : memref<!tpu.dma_semaphore, #tpu.memory_space<semaphore_mem>>)
    %dma_start3A_230 = arith.constant 5 : i32
    %dma_start3A_231 = arith.constant 5 : i32
    %dma_start3A_232 = arith.constant 0 : i32
    %dma_start3A_233 = tpu.memref_slice %arg12[%dma_start3A_231, %dma_start3A_232] : memref<16x512xf32, #tpu.memory_space<vmem>> -> memref<1x512xf32, #tpu.memory_space<vmem>>
    %dma_start3A_234 = tpu.memref_squeeze %dma_start3A_233 : memref<1x512xf32, #tpu.memory_space<vmem>> -> memref<512xf32, #tpu.memory_space<vmem>>
    %dma_start3A_235 = tpu.memref_slice %arg14[%dma_start3A_230, %mul3A_169] : memref<16x8192xf32, #tpu.memory_space<vmem_shared>> -> memref<1x512xf32, #tpu.memory_space<vmem_shared>>
    %dma_start3A_236 = tpu.memref_squeeze %dma_start3A_235 : memref<1x512xf32, #tpu.memory_space<vmem_shared>> -> memref<512xf32, #tpu.memory_space<vmem_shared>>
    %dma_start3A_237 = arith.constant 0 : i32
    %dma_start3A_238 = tpu.memref_slice %arg12[%dma_start3A_231, %dma_start3A_237] : memref<16x512xf32, #tpu.memory_space<vmem>> -> memref<1x512xf32, #tpu.memory_space<vmem>>
    %dma_start3A_239 = tpu.memref_squeeze %dma_start3A_238 : memref<1x512xf32, #tpu.memory_space<vmem>> -> memref<512xf32, #tpu.memory_space<vmem>>
    %dma_start3A_240 = tpu.memref_slice %arg14[%dma_start3A_230, %mul3A_169] : memref<16x8192xf32, #tpu.memory_space<vmem_shared>> -> memref<1x512xf32, #tpu.memory_space<vmem_shared>>
    %dma_start3A_241 = tpu.memref_squeeze %dma_start3A_240 : memref<1x512xf32, #tpu.memory_space<vmem_shared>> -> memref<512xf32, #tpu.memory_space<vmem_shared>>
    tpu.enqueue_dma source(%dma_start3A_241 : memref<512xf32, #tpu.memory_space<vmem_shared>>) target(%dma_start3A_239 : memref<512xf32, #tpu.memory_space<vmem>>) target_semaphore(%arg15 : memref<!tpu.dma_semaphore, #tpu.memory_space<semaphore_mem>>)
    %dma_start3A_242 = arith.constant 6 : i32
    %dma_start3A_243 = arith.constant 6 : i32
    %dma_start3A_244 = arith.constant 0 : i32
    %dma_start3A_245 = tpu.memref_slice %arg12[%dma_start3A_243, %dma_start3A_244] : memref<16x512xf32, #tpu.memory_space<vmem>> -> memref<1x512xf32, #tpu.memory_space<vmem>>
    %dma_start3A_246 = tpu.memref_squeeze %dma_start3A_245 : memref<1x512xf32, #tpu.memory_space<vmem>> -> memref<512xf32, #tpu.memory_space<vmem>>
    %dma_start3A_247 = tpu.memref_slice %arg14[%dma_start3A_242, %mul3A_169] : memref<16x8192xf32, #tpu.memory_space<vmem_shared>> -> memref<1x512xf32, #tpu.memory_space<vmem_shared>>
    %dma_start3A_248 = tpu.memref_squeeze %dma_start3A_247 : memref<1x512xf32, #tpu.memory_space<vmem_shared>> -> memref<512xf32, #tpu.memory_space<vmem_shared>>
    %dma_start3A_249 = arith.constant 0 : i32
    %dma_start3A_250 = tpu.memref_slice %arg12[%dma_start3A_243, %dma_start3A_249] : memref<16x512xf32, #tpu.memory_space<vmem>> -> memref<1x512xf32, #tpu.memory_space<vmem>>
    %dma_start3A_251 = tpu.memref_squeeze %dma_start3A_250 : memref<1x512xf32, #tpu.memory_space<vmem>> -> memref<512xf32, #tpu.memory_space<vmem>>
    %dma_start3A_252 = tpu.memref_slice %arg14[%dma_start3A_242, %mul3A_169] : memref<16x8192xf32, #tpu.memory_space<vmem_shared>> -> memref<1x512xf32, #tpu.memory_space<vmem_shared>>
    %dma_start3A_253 = tpu.memref_squeeze %dma_start3A_252 : memref<1x512xf32, #tpu.memory_space<vmem_shared>> -> memref<512xf32, #tpu.memory_space<vmem_shared>>
    tpu.enqueue_dma source(%dma_start3A_253 : memref<512xf32, #tpu.memory_space<vmem_shared>>) target(%dma_start3A_251 : memref<512xf32, #tpu.memory_space<vmem>>) target_semaphore(%arg15 : memref<!tpu.dma_semaphore, #tpu.memory_space<semaphore_mem>>)
    %dma_start3A_254 = arith.constant 7 : i32
    %dma_start3A_255 = arith.constant 7 : i32
    %dma_start3A_256 = arith.constant 0 : i32
    %dma_start3A_257 = tpu.memref_slice %arg12[%dma_start3A_255, %dma_start3A_256] : memref<16x512xf32, #tpu.memory_space<vmem>> -> memref<1x512xf32, #tpu.memory_space<vmem>>
    %dma_start3A_258 = tpu.memref_squeeze %dma_start3A_257 : memref<1x512xf32, #tpu.memory_space<vmem>> -> memref<512xf32, #tpu.memory_space<vmem>>
    %dma_start3A_259 = tpu.memref_slice %arg14[%dma_start3A_254, %mul3A_169] : memref<16x8192xf32, #tpu.memory_space<vmem_shared>> -> memref<1x512xf32, #tpu.memory_space<vmem_shared>>
    %dma_start3A_260 = tpu.memref_squeeze %dma_start3A_259 : memref<1x512xf32, #tpu.memory_space<vmem_shared>> -> memref<512xf32, #tpu.memory_space<vmem_shared>>
    %dma_start3A_261 = arith.constant 0 : i32
    %dma_start3A_262 = tpu.memref_slice %arg12[%dma_start3A_255, %dma_start3A_261] : memref<16x512xf32, #tpu.memory_space<vmem>> -> memref<1x512xf32, #tpu.memory_space<vmem>>
    %dma_start3A_263 = tpu.memref_squeeze %dma_start3A_262 : memref<1x512xf32, #tpu.memory_space<vmem>> -> memref<512xf32, #tpu.memory_space<vmem>>
    %dma_start3A_264 = tpu.memref_slice %arg14[%dma_start3A_254, %mul3A_169] : memref<16x8192xf32, #tpu.memory_space<vmem_shared>> -> memref<1x512xf32, #tpu.memory_space<vmem_shared>>
    %dma_start3A_265 = tpu.memref_squeeze %dma_start3A_264 : memref<1x512xf32, #tpu.memory_space<vmem_shared>> -> memref<512xf32, #tpu.memory_space<vmem_shared>>
    tpu.enqueue_dma source(%dma_start3A_265 : memref<512xf32, #tpu.memory_space<vmem_shared>>) target(%dma_start3A_263 : memref<512xf32, #tpu.memory_space<vmem>>) target_semaphore(%arg15 : memref<!tpu.dma_semaphore, #tpu.memory_space<semaphore_mem>>)
    %dma_start3A_266 = arith.constant 8 : i32
    %dma_start3A_267 = arith.constant 8 : i32
    %dma_start3A_268 = arith.constant 0 : i32
    %dma_start3A_269 = tpu.memref_slice %arg12[%dma_start3A_267, %dma_start3A_268] : memref<16x512xf32, #tpu.memory_space<vmem>> -> memref<1x512xf32, #tpu.memory_space<vmem>>
    %dma_start3A_270 = tpu.memref_squeeze %dma_start3A_269 : memref<1x512xf32, #tpu.memory_space<vmem>> -> memref<512xf32, #tpu.memory_space<vmem>>
    %dma_start3A_271 = tpu.memref_slice %arg14[%dma_start3A_266, %mul3A_169] : memref<16x8192xf32, #tpu.memory_space<vmem_shared>> -> memref<1x512xf32, #tpu.memory_space<vmem_shared>>
    %dma_start3A_272 = tpu.memref_squeeze %dma_start3A_271 : memref<1x512xf32, #tpu.memory_space<vmem_shared>> -> memref<512xf32, #tpu.memory_space<vmem_shared>>
    %dma_start3A_273 = arith.constant 0 : i32
    %dma_start3A_274 = tpu.memref_slice %arg12[%dma_start3A_267, %dma_start3A_273] : memref<16x512xf32, #tpu.memory_space<vmem>> -> memref<1x512xf32, #tpu.memory_space<vmem>>
    %dma_start3A_275 = tpu.memref_squeeze %dma_start3A_274 : memref<1x512xf32, #tpu.memory_space<vmem>> -> memref<512xf32, #tpu.memory_space<vmem>>
    %dma_start3A_276 = tpu.memref_slice %arg14[%dma_start3A_266, %mul3A_169] : memref<16x8192xf32, #tpu.memory_space<vmem_shared>> -> memref<1x512xf32, #tpu.memory_space<vmem_shared>>
    %dma_start3A_277 = tpu.memref_squeeze %dma_start3A_276 : memref<1x512xf32, #tpu.memory_space<vmem_shared>> -> memref<512xf32, #tpu.memory_space<vmem_shared>>
    tpu.enqueue_dma source(%dma_start3A_277 : memref<512xf32, #tpu.memory_space<vmem_shared>>) target(%dma_start3A_275 : memref<512xf32, #tpu.memory_space<vmem>>) target_semaphore(%arg15 : memref<!tpu.dma_semaphore, #tpu.memory_space<semaphore_mem>>)
    %dma_start3A_278 = arith.constant 9 : i32
    %dma_start3A_279 = arith.constant 9 : i32
    %dma_start3A_280 = arith.constant 0 : i32
    %dma_start3A_281 = tpu.memref_slice %arg12[%dma_start3A_279, %dma_start3A_280] : memref<16x512xf32, #tpu.memory_space<vmem>> -> memref<1x512xf32, #tpu.memory_space<vmem>>
    %dma_start3A_282 = tpu.memref_squeeze %dma_start3A_281 : memref<1x512xf32, #tpu.memory_space<vmem>> -> memref<512xf32, #tpu.memory_space<vmem>>
    %dma_start3A_283 = tpu.memref_slice %arg14[%dma_start3A_278, %mul3A_169] : memref<16x8192xf32, #tpu.memory_space<vmem_shared>> -> memref<1x512xf32, #tpu.memory_space<vmem_shared>>
    %dma_start3A_284 = tpu.memref_squeeze %dma_start3A_283 : memref<1x512xf32, #tpu.memory_space<vmem_shared>> -> memref<512xf32, #tpu.memory_space<vmem_shared>>
    %dma_start3A_285 = arith.constant 0 : i32
    %dma_start3A_286 = tpu.memref_slice %arg12[%dma_start3A_279, %dma_start3A_285] : memref<16x512xf32, #tpu.memory_space<vmem>> -> memref<1x512xf32, #tpu.memory_space<vmem>>
    %dma_start3A_287 = tpu.memref_squeeze %dma_start3A_286 : memref<1x512xf32, #tpu.memory_space<vmem>> -> memref<512xf32, #tpu.memory_space<vmem>>
    %dma_start3A_288 = tpu.memref_slice %arg14[%dma_start3A_278, %mul3A_169] : memref<16x8192xf32, #tpu.memory_space<vmem_shared>> -> memref<1x512xf32, #tpu.memory_space<vmem_shared>>
    %dma_start3A_289 = tpu.memref_squeeze %dma_start3A_288 : memref<1x512xf32, #tpu.memory_space<vmem_shared>> -> memref<512xf32, #tpu.memory_space<vmem_shared>>
    tpu.enqueue_dma source(%dma_start3A_289 : memref<512xf32, #tpu.memory_space<vmem_shared>>) target(%dma_start3A_287 : memref<512xf32, #tpu.memory_space<vmem>>) target_semaphore(%arg15 : memref<!tpu.dma_semaphore, #tpu.memory_space<semaphore_mem>>)
    %dma_start3A_290 = arith.constant 10 : i32
    %dma_start3A_291 = arith.constant 10 : i32
    %dma_start3A_292 = arith.constant 0 : i32
    %dma_start3A_293 = tpu.memref_slice %arg12[%dma_start3A_291, %dma_start3A_292] : memref<16x512xf32, #tpu.memory_space<vmem>> -> memref<1x512xf32, #tpu.memory_space<vmem>>
    %dma_start3A_294 = tpu.memref_squeeze %dma_start3A_293 : memref<1x512xf32, #tpu.memory_space<vmem>> -> memref<512xf32, #tpu.memory_space<vmem>>
    %dma_start3A_295 = tpu.memref_slice %arg14[%dma_start3A_290, %mul3A_169] : memref<16x8192xf32, #tpu.memory_space<vmem_shared>> -> memref<1x512xf32, #tpu.memory_space<vmem_shared>>
    %dma_start3A_296 = tpu.memref_squeeze %dma_start3A_295 : memref<1x512xf32, #tpu.memory_space<vmem_shared>> -> memref<512xf32, #tpu.memory_space<vmem_shared>>
    %dma_start3A_297 = arith.constant 0 : i32
    %dma_start3A_298 = tpu.memref_slice %arg12[%dma_start3A_291, %dma_start3A_297] : memref<16x512xf32, #tpu.memory_space<vmem>> -> memref<1x512xf32, #tpu.memory_space<vmem>>
    %dma_start3A_299 = tpu.memref_squeeze %dma_start3A_298 : memref<1x512xf32, #tpu.memory_space<vmem>> -> memref<512xf32, #tpu.memory_space<vmem>>
    %dma_start3A_300 = tpu.memref_slice %arg14[%dma_start3A_290, %mul3A_169] : memref<16x8192xf32, #tpu.memory_space<vmem_shared>> -> memref<1x512xf32, #tpu.memory_space<vmem_shared>>
    %dma_start3A_301 = tpu.memref_squeeze %dma_start3A_300 : memref<1x512xf32, #tpu.memory_space<vmem_shared>> -> memref<512xf32, #tpu.memory_space<vmem_shared>>
    tpu.enqueue_dma source(%dma_start3A_301 : memref<512xf32, #tpu.memory_space<vmem_shared>>) target(%dma_start3A_299 : memref<512xf32, #tpu.memory_space<vmem>>) target_semaphore(%arg15 : memref<!tpu.dma_semaphore, #tpu.memory_space<semaphore_mem>>)
    %dma_start3A_302 = arith.constant 11 : i32
    %dma_start3A_303 = arith.constant 11 : i32
    %dma_start3A_304 = arith.constant 0 : i32
    %dma_start3A_305 = tpu.memref_slice %arg12[%dma_start3A_303, %dma_start3A_304] : memref<16x512xf32, #tpu.memory_space<vmem>> -> memref<1x512xf32, #tpu.memory_space<vmem>>
    %dma_start3A_306 = tpu.memref_squeeze %dma_start3A_305 : memref<1x512xf32, #tpu.memory_space<vmem>> -> memref<512xf32, #tpu.memory_space<vmem>>
    %dma_start3A_307 = tpu.memref_slice %arg14[%dma_start3A_302, %mul3A_169] : memref<16x8192xf32, #tpu.memory_space<vmem_shared>> -> memref<1x512xf32, #tpu.memory_space<vmem_shared>>
    %dma_start3A_308 = tpu.memref_squeeze %dma_start3A_307 : memref<1x512xf32, #tpu.memory_space<vmem_shared>> -> memref<512xf32, #tpu.memory_space<vmem_shared>>
    %dma_start3A_309 = arith.constant 0 : i32
    %dma_start3A_310 = tpu.memref_slice %arg12[%dma_start3A_303, %dma_start3A_309] : memref<16x512xf32, #tpu.memory_space<vmem>> -> memref<1x512xf32, #tpu.memory_space<vmem>>
    %dma_start3A_311 = tpu.memref_squeeze %dma_start3A_310 : memref<1x512xf32, #tpu.memory_space<vmem>> -> memref<512xf32, #tpu.memory_space<vmem>>
    %dma_start3A_312 = tpu.memref_slice %arg14[%dma_start3A_302, %mul3A_169] : memref<16x8192xf32, #tpu.memory_space<vmem_shared>> -> memref<1x512xf32, #tpu.memory_space<vmem_shared>>
    %dma_start3A_313 = tpu.memref_squeeze %dma_start3A_312 : memref<1x512xf32, #tpu.memory_space<vmem_shared>> -> memref<512xf32, #tpu.memory_space<vmem_shared>>
    tpu.enqueue_dma source(%dma_start3A_313 : memref<512xf32, #tpu.memory_space<vmem_shared>>) target(%dma_start3A_311 : memref<512xf32, #tpu.memory_space<vmem>>) target_semaphore(%arg15 : memref<!tpu.dma_semaphore, #tpu.memory_space<semaphore_mem>>)
    %dma_start3A_314 = arith.constant 12 : i32
    %dma_start3A_315 = arith.constant 12 : i32
    %dma_start3A_316 = arith.constant 0 : i32
    %dma_start3A_317 = tpu.memref_slice %arg12[%dma_start3A_315, %dma_start3A_316] : memref<16x512xf32, #tpu.memory_space<vmem>> -> memref<1x512xf32, #tpu.memory_space<vmem>>
    %dma_start3A_318 = tpu.memref_squeeze %dma_start3A_317 : memref<1x512xf32, #tpu.memory_space<vmem>> -> memref<512xf32, #tpu.memory_space<vmem>>
    %dma_start3A_319 = tpu.memref_slice %arg14[%dma_start3A_314, %mul3A_169] : memref<16x8192xf32, #tpu.memory_space<vmem_shared>> -> memref<1x512xf32, #tpu.memory_space<vmem_shared>>
    %dma_start3A_320 = tpu.memref_squeeze %dma_start3A_319 : memref<1x512xf32, #tpu.memory_space<vmem_shared>> -> memref<512xf32, #tpu.memory_space<vmem_shared>>
    %dma_start3A_321 = arith.constant 0 : i32
    %dma_start3A_322 = tpu.memref_slice %arg12[%dma_start3A_315, %dma_start3A_321] : memref<16x512xf32, #tpu.memory_space<vmem>> -> memref<1x512xf32, #tpu.memory_space<vmem>>
    %dma_start3A_323 = tpu.memref_squeeze %dma_start3A_322 : memref<1x512xf32, #tpu.memory_space<vmem>> -> memref<512xf32, #tpu.memory_space<vmem>>
    %dma_start3A_324 = tpu.memref_slice %arg14[%dma_start3A_314, %mul3A_169] : memref<16x8192xf32, #tpu.memory_space<vmem_shared>> -> memref<1x512xf32, #tpu.memory_space<vmem_shared>>
    %dma_start3A_325 = tpu.memref_squeeze %dma_start3A_324 : memref<1x512xf32, #tpu.memory_space<vmem_shared>> -> memref<512xf32, #tpu.memory_space<vmem_shared>>
    tpu.enqueue_dma source(%dma_start3A_325 : memref<512xf32, #tpu.memory_space<vmem_shared>>) target(%dma_start3A_323 : memref<512xf32, #tpu.memory_space<vmem>>) target_semaphore(%arg15 : memref<!tpu.dma_semaphore, #tpu.memory_space<semaphore_mem>>)
    %dma_start3A_326 = arith.constant 13 : i32
    %dma_start3A_327 = arith.constant 13 : i32
    %dma_start3A_328 = arith.constant 0 : i32
    %dma_start3A_329 = tpu.memref_slice %arg12[%dma_start3A_327, %dma_start3A_328] : memref<16x512xf32, #tpu.memory_space<vmem>> -> memref<1x512xf32, #tpu.memory_space<vmem>>
    %dma_start3A_330 = tpu.memref_squeeze %dma_start3A_329 : memref<1x512xf32, #tpu.memory_space<vmem>> -> memref<512xf32, #tpu.memory_space<vmem>>
    %dma_start3A_331 = tpu.memref_slice %arg14[%dma_start3A_326, %mul3A_169] : memref<16x8192xf32, #tpu.memory_space<vmem_shared>> -> memref<1x512xf32, #tpu.memory_space<vmem_shared>>
    %dma_start3A_332 = tpu.memref_squeeze %dma_start3A_331 : memref<1x512xf32, #tpu.memory_space<vmem_shared>> -> memref<512xf32, #tpu.memory_space<vmem_shared>>
    %dma_start3A_333 = arith.constant 0 : i32
    %dma_start3A_334 = tpu.memref_slice %arg12[%dma_start3A_327, %dma_start3A_333] : memref<16x512xf32, #tpu.memory_space<vmem>> -> memref<1x512xf32, #tpu.memory_space<vmem>>
    %dma_start3A_335 = tpu.memref_squeeze %dma_start3A_334 : memref<1x512xf32, #tpu.memory_space<vmem>> -> memref<512xf32, #tpu.memory_space<vmem>>
    %dma_start3A_336 = tpu.memref_slice %arg14[%dma_start3A_326, %mul3A_169] : memref<16x8192xf32, #tpu.memory_space<vmem_shared>> -> memref<1x512xf32, #tpu.memory_space<vmem_shared>>
    %dma_start3A_337 = tpu.memref_squeeze %dma_start3A_336 : memref<1x512xf32, #tpu.memory_space<vmem_shared>> -> memref<512xf32, #tpu.memory_space<vmem_shared>>
    tpu.enqueue_dma source(%dma_start3A_337 : memref<512xf32, #tpu.memory_space<vmem_shared>>) target(%dma_start3A_335 : memref<512xf32, #tpu.memory_space<vmem>>) target_semaphore(%arg15 : memref<!tpu.dma_semaphore, #tpu.memory_space<semaphore_mem>>)
    %dma_start3A_338 = arith.constant 14 : i32
    %dma_start3A_339 = arith.constant 14 : i32
    %dma_start3A_340 = arith.constant 0 : i32
    %dma_start3A_341 = tpu.memref_slice %arg12[%dma_start3A_339, %dma_start3A_340] : memref<16x512xf32, #tpu.memory_space<vmem>> -> memref<1x512xf32, #tpu.memory_space<vmem>>
    %dma_start3A_342 = tpu.memref_squeeze %dma_start3A_341 : memref<1x512xf32, #tpu.memory_space<vmem>> -> memref<512xf32, #tpu.memory_space<vmem>>
    %dma_start3A_343 = tpu.memref_slice %arg14[%dma_start3A_338, %mul3A_169] : memref<16x8192xf32, #tpu.memory_space<vmem_shared>> -> memref<1x512xf32, #tpu.memory_space<vmem_shared>>
    %dma_start3A_344 = tpu.memref_squeeze %dma_start3A_343 : memref<1x512xf32, #tpu.memory_space<vmem_shared>> -> memref<512xf32, #tpu.memory_space<vmem_shared>>
    %dma_start3A_345 = arith.constant 0 : i32
    %dma_start3A_346 = tpu.memref_slice %arg12[%dma_start3A_339, %dma_start3A_345] : memref<16x512xf32, #tpu.memory_space<vmem>> -> memref<1x512xf32, #tpu.memory_space<vmem>>
    %dma_start3A_347 = tpu.memref_squeeze %dma_start3A_346 : memref<1x512xf32, #tpu.memory_space<vmem>> -> memref<512xf32, #tpu.memory_space<vmem>>
    %dma_start3A_348 = tpu.memref_slice %arg14[%dma_start3A_338, %mul3A_169] : memref<16x8192xf32, #tpu.memory_space<vmem_shared>> -> memref<1x512xf32, #tpu.memory_space<vmem_shared>>
    %dma_start3A_349 = tpu.memref_squeeze %dma_start3A_348 : memref<1x512xf32, #tpu.memory_space<vmem_shared>> -> memref<512xf32, #tpu.memory_space<vmem_shared>>
    tpu.enqueue_dma source(%dma_start3A_349 : memref<512xf32, #tpu.memory_space<vmem_shared>>) target(%dma_start3A_347 : memref<512xf32, #tpu.memory_space<vmem>>) target_semaphore(%arg15 : memref<!tpu.dma_semaphore, #tpu.memory_space<semaphore_mem>>)
    %dma_start3A_350 = arith.constant 15 : i32
    %dma_start3A_351 = arith.constant 15 : i32
    %dma_start3A_352 = arith.constant 0 : i32
    %dma_start3A_353 = tpu.memref_slice %arg12[%dma_start3A_351, %dma_start3A_352] : memref<16x512xf32, #tpu.memory_space<vmem>> -> memref<1x512xf32, #tpu.memory_space<vmem>>
    %dma_start3A_354 = tpu.memref_squeeze %dma_start3A_353 : memref<1x512xf32, #tpu.memory_space<vmem>> -> memref<512xf32, #tpu.memory_space<vmem>>
    %dma_start3A_355 = tpu.memref_slice %arg14[%dma_start3A_350, %mul3A_169] : memref<16x8192xf32, #tpu.memory_space<vmem_shared>> -> memref<1x512xf32, #tpu.memory_space<vmem_shared>>
    %dma_start3A_356 = tpu.memref_squeeze %dma_start3A_355 : memref<1x512xf32, #tpu.memory_space<vmem_shared>> -> memref<512xf32, #tpu.memory_space<vmem_shared>>
    %dma_start3A_357 = arith.constant 0 : i32
    %dma_start3A_358 = tpu.memref_slice %arg12[%dma_start3A_351, %dma_start3A_357] : memref<16x512xf32, #tpu.memory_space<vmem>> -> memref<1x512xf32, #tpu.memory_space<vmem>>
    %dma_start3A_359 = tpu.memref_squeeze %dma_start3A_358 : memref<1x512xf32, #tpu.memory_space<vmem>> -> memref<512xf32, #tpu.memory_space<vmem>>
    %dma_start3A_360 = tpu.memref_slice %arg14[%dma_start3A_350, %mul3A_169] : memref<16x8192xf32, #tpu.memory_space<vmem_shared>> -> memref<1x512xf32, #tpu.memory_space<vmem_shared>>
    %dma_start3A_361 = tpu.memref_squeeze %dma_start3A_360 : memref<1x512xf32, #tpu.memory_space<vmem_shared>> -> memref<512xf32, #tpu.memory_space<vmem_shared>>
    tpu.enqueue_dma source(%dma_start3A_361 : memref<512xf32, #tpu.memory_space<vmem_shared>>) target(%dma_start3A_359 : memref<512xf32, #tpu.memory_space<vmem>>) target_semaphore(%arg15 : memref<!tpu.dma_semaphore, #tpu.memory_space<semaphore_mem>>)
    %dma_wait3A_362 = arith.constant 0 : i32
    %dma_wait3A_363 = arith.constant 0 : i32
    %dma_wait3A_364 = arith.constant 0 : i32
    %dma_wait3A_365 = tpu.memref_slice %arg12[%dma_wait3A_363, %dma_wait3A_364] : memref<16x512xf32, #tpu.memory_space<vmem>> -> memref<1x512xf32, #tpu.memory_space<vmem>>
    %dma_wait3A_366 = tpu.memref_squeeze %dma_wait3A_365 : memref<1x512xf32, #tpu.memory_space<vmem>> -> memref<512xf32, #tpu.memory_space<vmem>>
    %dma_wait3A_367 = tpu.memref_slice %arg14[%dma_wait3A_362, %mul3A_169] : memref<16x8192xf32, #tpu.memory_space<vmem_shared>> -> memref<1x512xf32, #tpu.memory_space<vmem_shared>>
    %dma_wait3A_368 = tpu.memref_squeeze %dma_wait3A_367 : memref<1x512xf32, #tpu.memory_space<vmem_shared>> -> memref<512xf32, #tpu.memory_space<vmem_shared>>
    %dma_wait3A_369 = arith.constant 0 : i32
    %dma_wait3A_370 = tpu.memref_slice %arg12[%dma_wait3A_363, %dma_wait3A_369] : memref<16x512xf32, #tpu.memory_space<vmem>> -> memref<1x512xf32, #tpu.memory_space<vmem>>
    %dma_wait3A_371 = tpu.memref_squeeze %dma_wait3A_370 : memref<1x512xf32, #tpu.memory_space<vmem>> -> memref<512xf32, #tpu.memory_space<vmem>>
    %dma_wait3A_372 = tpu.memref_slice %arg14[%dma_wait3A_362, %mul3A_169] : memref<16x8192xf32, #tpu.memory_space<vmem_shared>> -> memref<1x512xf32, #tpu.memory_space<vmem_shared>>
    %dma_wait3A_373 = tpu.memref_squeeze %dma_wait3A_372 : memref<1x512xf32, #tpu.memory_space<vmem_shared>> -> memref<512xf32, #tpu.memory_space<vmem_shared>>
    tpu.wait_dma2 semaphore(%arg15 : memref<!tpu.dma_semaphore, #tpu.memory_space<semaphore_mem>>) src(%dma_wait3A_373 : memref<512xf32, #tpu.memory_space<vmem_shared>>) dst(%dma_wait3A_371 : memref<512xf32, #tpu.memory_space<vmem>>)
    %dma_wait3A_374 = arith.constant 1 : i32
    %dma_wait3A_375 = arith.constant 1 : i32
    %dma_wait3A_376 = arith.constant 0 : i32
    %dma_wait3A_377 = tpu.memref_slice %arg12[%dma_wait3A_375, %dma_wait3A_376] : memref<16x512xf32, #tpu.memory_space<vmem>> -> memref<1x512xf32, #tpu.memory_space<vmem>>
    %dma_wait3A_378 = tpu.memref_squeeze %dma_wait3A_377 : memref<1x512xf32, #tpu.memory_space<vmem>> -> memref<512xf32, #tpu.memory_space<vmem>>
    %dma_wait3A_379 = tpu.memref_slice %arg14[%dma_wait3A_374, %mul3A_169] : memref<16x8192xf32, #tpu.memory_space<vmem_shared>> -> memref<1x512xf32, #tpu.memory_space<vmem_shared>>
    %dma_wait3A_380 = tpu.memref_squeeze %dma_wait3A_379 : memref<1x512xf32, #tpu.memory_space<vmem_shared>> -> memref<512xf32, #tpu.memory_space<vmem_shared>>
    %dma_wait3A_381 = arith.constant 0 : i32
    %dma_wait3A_382 = tpu.memref_slice %arg12[%dma_wait3A_375, %dma_wait3A_381] : memref<16x512xf32, #tpu.memory_space<vmem>> -> memref<1x512xf32, #tpu.memory_space<vmem>>
    %dma_wait3A_383 = tpu.memref_squeeze %dma_wait3A_382 : memref<1x512xf32, #tpu.memory_space<vmem>> -> memref<512xf32, #tpu.memory_space<vmem>>
    %dma_wait3A_384 = tpu.memref_slice %arg14[%dma_wait3A_374, %mul3A_169] : memref<16x8192xf32, #tpu.memory_space<vmem_shared>> -> memref<1x512xf32, #tpu.memory_space<vmem_shared>>
    %dma_wait3A_385 = tpu.memref_squeeze %dma_wait3A_384 : memref<1x512xf32, #tpu.memory_space<vmem_shared>> -> memref<512xf32, #tpu.memory_space<vmem_shared>>
    tpu.wait_dma2 semaphore(%arg15 : memref<!tpu.dma_semaphore, #tpu.memory_space<semaphore_mem>>) src(%dma_wait3A_385 : memref<512xf32, #tpu.memory_space<vmem_shared>>) dst(%dma_wait3A_383 : memref<512xf32, #tpu.memory_space<vmem>>)
    %dma_wait3A_386 = arith.constant 2 : i32
    %dma_wait3A_387 = arith.constant 2 : i32
    %dma_wait3A_388 = arith.constant 0 : i32
    %dma_wait3A_389 = tpu.memref_slice %arg12[%dma_wait3A_387, %dma_wait3A_388] : memref<16x512xf32, #tpu.memory_space<vmem>> -> memref<1x512xf32, #tpu.memory_space<vmem>>
    %dma_wait3A_390 = tpu.memref_squeeze %dma_wait3A_389 : memref<1x512xf32, #tpu.memory_space<vmem>> -> memref<512xf32, #tpu.memory_space<vmem>>
    %dma_wait3A_391 = tpu.memref_slice %arg14[%dma_wait3A_386, %mul3A_169] : memref<16x8192xf32, #tpu.memory_space<vmem_shared>> -> memref<1x512xf32, #tpu.memory_space<vmem_shared>>
    %dma_wait3A_392 = tpu.memref_squeeze %dma_wait3A_391 : memref<1x512xf32, #tpu.memory_space<vmem_shared>> -> memref<512xf32, #tpu.memory_space<vmem_shared>>
    %dma_wait3A_393 = arith.constant 0 : i32
    %dma_wait3A_394 = tpu.memref_slice %arg12[%dma_wait3A_387, %dma_wait3A_393] : memref<16x512xf32, #tpu.memory_space<vmem>> -> memref<1x512xf32, #tpu.memory_space<vmem>>
    %dma_wait3A_395 = tpu.memref_squeeze %dma_wait3A_394 : memref<1x512xf32, #tpu.memory_space<vmem>> -> memref<512xf32, #tpu.memory_space<vmem>>
    %dma_wait3A_396 = tpu.memref_slice %arg14[%dma_wait3A_386, %mul3A_169] : memref<16x8192xf32, #tpu.memory_space<vmem_shared>> -> memref<1x512xf32, #tpu.memory_space<vmem_shared>>
    %dma_wait3A_397 = tpu.memref_squeeze %dma_wait3A_396 : memref<1x512xf32, #tpu.memory_space<vmem_shared>> -> memref<512xf32, #tpu.memory_space<vmem_shared>>
    tpu.wait_dma2 semaphore(%arg15 : memref<!tpu.dma_semaphore, #tpu.memory_space<semaphore_mem>>) src(%dma_wait3A_397 : memref<512xf32, #tpu.memory_space<vmem_shared>>) dst(%dma_wait3A_395 : memref<512xf32, #tpu.memory_space<vmem>>)
    %dma_wait3A_398 = arith.constant 3 : i32
    %dma_wait3A_399 = arith.constant 3 : i32
    %dma_wait3A_400 = arith.constant 0 : i32
    %dma_wait3A_401 = tpu.memref_slice %arg12[%dma_wait3A_399, %dma_wait3A_400] : memref<16x512xf32, #tpu.memory_space<vmem>> -> memref<1x512xf32, #tpu.memory_space<vmem>>
    %dma_wait3A_402 = tpu.memref_squeeze %dma_wait3A_401 : memref<1x512xf32, #tpu.memory_space<vmem>> -> memref<512xf32, #tpu.memory_space<vmem>>
    %dma_wait3A_403 = tpu.memref_slice %arg14[%dma_wait3A_398, %mul3A_169] : memref<16x8192xf32, #tpu.memory_space<vmem_shared>> -> memref<1x512xf32, #tpu.memory_space<vmem_shared>>
    %dma_wait3A_404 = tpu.memref_squeeze %dma_wait3A_403 : memref<1x512xf32, #tpu.memory_space<vmem_shared>> -> memref<512xf32, #tpu.memory_space<vmem_shared>>
    %dma_wait3A_405 = arith.constant 0 : i32
    %dma_wait3A_406 = tpu.memref_slice %arg12[%dma_wait3A_399, %dma_wait3A_405] : memref<16x512xf32, #tpu.memory_space<vmem>> -> memref<1x512xf32, #tpu.memory_space<vmem>>
    %dma_wait3A_407 = tpu.memref_squeeze %dma_wait3A_406 : memref<1x512xf32, #tpu.memory_space<vmem>> -> memref<512xf32, #tpu.memory_space<vmem>>
    %dma_wait3A_408 = tpu.memref_slice %arg14[%dma_wait3A_398, %mul3A_169] : memref<16x8192xf32, #tpu.memory_space<vmem_shared>> -> memref<1x512xf32, #tpu.memory_space<vmem_shared>>
    %dma_wait3A_409 = tpu.memref_squeeze %dma_wait3A_408 : memref<1x512xf32, #tpu.memory_space<vmem_shared>> -> memref<512xf32, #tpu.memory_space<vmem_shared>>
    tpu.wait_dma2 semaphore(%arg15 : memref<!tpu.dma_semaphore, #tpu.memory_space<semaphore_mem>>) src(%dma_wait3A_409 : memref<512xf32, #tpu.memory_space<vmem_shared>>) dst(%dma_wait3A_407 : memref<512xf32, #tpu.memory_space<vmem>>)
    %dma_wait3A_410 = arith.constant 4 : i32
    %dma_wait3A_411 = arith.constant 4 : i32
    %dma_wait3A_412 = arith.constant 0 : i32
    %dma_wait3A_413 = tpu.memref_slice %arg12[%dma_wait3A_411, %dma_wait3A_412] : memref<16x512xf32, #tpu.memory_space<vmem>> -> memref<1x512xf32, #tpu.memory_space<vmem>>
    %dma_wait3A_414 = tpu.memref_squeeze %dma_wait3A_413 : memref<1x512xf32, #tpu.memory_space<vmem>> -> memref<512xf32, #tpu.memory_space<vmem>>
    %dma_wait3A_415 = tpu.memref_slice %arg14[%dma_wait3A_410, %mul3A_169] : memref<16x8192xf32, #tpu.memory_space<vmem_shared>> -> memref<1x512xf32, #tpu.memory_space<vmem_shared>>
    %dma_wait3A_416 = tpu.memref_squeeze %dma_wait3A_415 : memref<1x512xf32, #tpu.memory_space<vmem_shared>> -> memref<512xf32, #tpu.memory_space<vmem_shared>>
    %dma_wait3A_417 = arith.constant 0 : i32
    %dma_wait3A_418 = tpu.memref_slice %arg12[%dma_wait3A_411, %dma_wait3A_417] : memref<16x512xf32, #tpu.memory_space<vmem>> -> memref<1x512xf32, #tpu.memory_space<vmem>>
    %dma_wait3A_419 = tpu.memref_squeeze %dma_wait3A_418 : memref<1x512xf32, #tpu.memory_space<vmem>> -> memref<512xf32, #tpu.memory_space<vmem>>
    %dma_wait3A_420 = tpu.memref_slice %arg14[%dma_wait3A_410, %mul3A_169] : memref<16x8192xf32, #tpu.memory_space<vmem_shared>> -> memref<1x512xf32, #tpu.memory_space<vmem_shared>>
    %dma_wait3A_421 = tpu.memref_squeeze %dma_wait3A_420 : memref<1x512xf32, #tpu.memory_space<vmem_shared>> -> memref<512xf32, #tpu.memory_space<vmem_shared>>
    tpu.wait_dma2 semaphore(%arg15 : memref<!tpu.dma_semaphore, #tpu.memory_space<semaphore_mem>>) src(%dma_wait3A_421 : memref<512xf32, #tpu.memory_space<vmem_shared>>) dst(%dma_wait3A_419 : memref<512xf32, #tpu.memory_space<vmem>>)
    %dma_wait3A_422 = arith.constant 5 : i32
    %dma_wait3A_423 = arith.constant 5 : i32
    %dma_wait3A_424 = arith.constant 0 : i32
    %dma_wait3A_425 = tpu.memref_slice %arg12[%dma_wait3A_423, %dma_wait3A_424] : memref<16x512xf32, #tpu.memory_space<vmem>> -> memref<1x512xf32, #tpu.memory_space<vmem>>
    %dma_wait3A_426 = tpu.memref_squeeze %dma_wait3A_425 : memref<1x512xf32, #tpu.memory_space<vmem>> -> memref<512xf32, #tpu.memory_space<vmem>>
    %dma_wait3A_427 = tpu.memref_slice %arg14[%dma_wait3A_422, %mul3A_169] : memref<16x8192xf32, #tpu.memory_space<vmem_shared>> -> memref<1x512xf32, #tpu.memory_space<vmem_shared>>
    %dma_wait3A_428 = tpu.memref_squeeze %dma_wait3A_427 : memref<1x512xf32, #tpu.memory_space<vmem_shared>> -> memref<512xf32, #tpu.memory_space<vmem_shared>>
    %dma_wait3A_429 = arith.constant 0 : i32
    %dma_wait3A_430 = tpu.memref_slice %arg12[%dma_wait3A_423, %dma_wait3A_429] : memref<16x512xf32, #tpu.memory_space<vmem>> -> memref<1x512xf32, #tpu.memory_space<vmem>>
    %dma_wait3A_431 = tpu.memref_squeeze %dma_wait3A_430 : memref<1x512xf32, #tpu.memory_space<vmem>> -> memref<512xf32, #tpu.memory_space<vmem>>
    %dma_wait3A_432 = tpu.memref_slice %arg14[%dma_wait3A_422, %mul3A_169] : memref<16x8192xf32, #tpu.memory_space<vmem_shared>> -> memref<1x512xf32, #tpu.memory_space<vmem_shared>>
    %dma_wait3A_433 = tpu.memref_squeeze %dma_wait3A_432 : memref<1x512xf32, #tpu.memory_space<vmem_shared>> -> memref<512xf32, #tpu.memory_space<vmem_shared>>
    tpu.wait_dma2 semaphore(%arg15 : memref<!tpu.dma_semaphore, #tpu.memory_space<semaphore_mem>>) src(%dma_wait3A_433 : memref<512xf32, #tpu.memory_space<vmem_shared>>) dst(%dma_wait3A_431 : memref<512xf32, #tpu.memory_space<vmem>>)
    %dma_wait3A_434 = arith.constant 6 : i32
    %dma_wait3A_435 = arith.constant 6 : i32
    %dma_wait3A_436 = arith.constant 0 : i32
    %dma_wait3A_437 = tpu.memref_slice %arg12[%dma_wait3A_435, %dma_wait3A_436] : memref<16x512xf32, #tpu.memory_space<vmem>> -> memref<1x512xf32, #tpu.memory_space<vmem>>
    %dma_wait3A_438 = tpu.memref_squeeze %dma_wait3A_437 : memref<1x512xf32, #tpu.memory_space<vmem>> -> memref<512xf32, #tpu.memory_space<vmem>>
    %dma_wait3A_439 = tpu.memref_slice %arg14[%dma_wait3A_434, %mul3A_169] : memref<16x8192xf32, #tpu.memory_space<vmem_shared>> -> memref<1x512xf32, #tpu.memory_space<vmem_shared>>
    %dma_wait3A_440 = tpu.memref_squeeze %dma_wait3A_439 : memref<1x512xf32, #tpu.memory_space<vmem_shared>> -> memref<512xf32, #tpu.memory_space<vmem_shared>>
    %dma_wait3A_441 = arith.constant 0 : i32
    %dma_wait3A_442 = tpu.memref_slice %arg12[%dma_wait3A_435, %dma_wait3A_441] : memref<16x512xf32, #tpu.memory_space<vmem>> -> memref<1x512xf32, #tpu.memory_space<vmem>>
    %dma_wait3A_443 = tpu.memref_squeeze %dma_wait3A_442 : memref<1x512xf32, #tpu.memory_space<vmem>> -> memref<512xf32, #tpu.memory_space<vmem>>
    %dma_wait3A_444 = tpu.memref_slice %arg14[%dma_wait3A_434, %mul3A_169] : memref<16x8192xf32, #tpu.memory_space<vmem_shared>> -> memref<1x512xf32, #tpu.memory_space<vmem_shared>>
    %dma_wait3A_445 = tpu.memref_squeeze %dma_wait3A_444 : memref<1x512xf32, #tpu.memory_space<vmem_shared>> -> memref<512xf32, #tpu.memory_space<vmem_shared>>
    tpu.wait_dma2 semaphore(%arg15 : memref<!tpu.dma_semaphore, #tpu.memory_space<semaphore_mem>>) src(%dma_wait3A_445 : memref<512xf32, #tpu.memory_space<vmem_shared>>) dst(%dma_wait3A_443 : memref<512xf32, #tpu.memory_space<vmem>>)
    %dma_wait3A_446 = arith.constant 7 : i32
    %dma_wait3A_447 = arith.constant 7 : i32
    %dma_wait3A_448 = arith.constant 0 : i32
    %dma_wait3A_449 = tpu.memref_slice %arg12[%dma_wait3A_447, %dma_wait3A_448] : memref<16x512xf32, #tpu.memory_space<vmem>> -> memref<1x512xf32, #tpu.memory_space<vmem>>
    %dma_wait3A_450 = tpu.memref_squeeze %dma_wait3A_449 : memref<1x512xf32, #tpu.memory_space<vmem>> -> memref<512xf32, #tpu.memory_space<vmem>>
    %dma_wait3A_451 = tpu.memref_slice %arg14[%dma_wait3A_446, %mul3A_169] : memref<16x8192xf32, #tpu.memory_space<vmem_shared>> -> memref<1x512xf32, #tpu.memory_space<vmem_shared>>
    %dma_wait3A_452 = tpu.memref_squeeze %dma_wait3A_451 : memref<1x512xf32, #tpu.memory_space<vmem_shared>> -> memref<512xf32, #tpu.memory_space<vmem_shared>>
    %dma_wait3A_453 = arith.constant 0 : i32
    %dma_wait3A_454 = tpu.memref_slice %arg12[%dma_wait3A_447, %dma_wait3A_453] : memref<16x512xf32, #tpu.memory_space<vmem>> -> memref<1x512xf32, #tpu.memory_space<vmem>>
    %dma_wait3A_455 = tpu.memref_squeeze %dma_wait3A_454 : memref<1x512xf32, #tpu.memory_space<vmem>> -> memref<512xf32, #tpu.memory_space<vmem>>
    %dma_wait3A_456 = tpu.memref_slice %arg14[%dma_wait3A_446, %mul3A_169] : memref<16x8192xf32, #tpu.memory_space<vmem_shared>> -> memref<1x512xf32, #tpu.memory_space<vmem_shared>>
    %dma_wait3A_457 = tpu.memref_squeeze %dma_wait3A_456 : memref<1x512xf32, #tpu.memory_space<vmem_shared>> -> memref<512xf32, #tpu.memory_space<vmem_shared>>
    tpu.wait_dma2 semaphore(%arg15 : memref<!tpu.dma_semaphore, #tpu.memory_space<semaphore_mem>>) src(%dma_wait3A_457 : memref<512xf32, #tpu.memory_space<vmem_shared>>) dst(%dma_wait3A_455 : memref<512xf32, #tpu.memory_space<vmem>>)
    %dma_wait3A_458 = arith.constant 8 : i32
    %dma_wait3A_459 = arith.constant 8 : i32
    %dma_wait3A_460 = arith.constant 0 : i32
    %dma_wait3A_461 = tpu.memref_slice %arg12[%dma_wait3A_459, %dma_wait3A_460] : memref<16x512xf32, #tpu.memory_space<vmem>> -> memref<1x512xf32, #tpu.memory_space<vmem>>
    %dma_wait3A_462 = tpu.memref_squeeze %dma_wait3A_461 : memref<1x512xf32, #tpu.memory_space<vmem>> -> memref<512xf32, #tpu.memory_space<vmem>>
    %dma_wait3A_463 = tpu.memref_slice %arg14[%dma_wait3A_458, %mul3A_169] : memref<16x8192xf32, #tpu.memory_space<vmem_shared>> -> memref<1x512xf32, #tpu.memory_space<vmem_shared>>
    %dma_wait3A_464 = tpu.memref_squeeze %dma_wait3A_463 : memref<1x512xf32, #tpu.memory_space<vmem_shared>> -> memref<512xf32, #tpu.memory_space<vmem_shared>>
    %dma_wait3A_465 = arith.constant 0 : i32
    %dma_wait3A_466 = tpu.memref_slice %arg12[%dma_wait3A_459, %dma_wait3A_465] : memref<16x512xf32, #tpu.memory_space<vmem>> -> memref<1x512xf32, #tpu.memory_space<vmem>>
    %dma_wait3A_467 = tpu.memref_squeeze %dma_wait3A_466 : memref<1x512xf32, #tpu.memory_space<vmem>> -> memref<512xf32, #tpu.memory_space<vmem>>
    %dma_wait3A_468 = tpu.memref_slice %arg14[%dma_wait3A_458, %mul3A_169] : memref<16x8192xf32, #tpu.memory_space<vmem_shared>> -> memref<1x512xf32, #tpu.memory_space<vmem_shared>>
    %dma_wait3A_469 = tpu.memref_squeeze %dma_wait3A_468 : memref<1x512xf32, #tpu.memory_space<vmem_shared>> -> memref<512xf32, #tpu.memory_space<vmem_shared>>
    tpu.wait_dma2 semaphore(%arg15 : memref<!tpu.dma_semaphore, #tpu.memory_space<semaphore_mem>>) src(%dma_wait3A_469 : memref<512xf32, #tpu.memory_space<vmem_shared>>) dst(%dma_wait3A_467 : memref<512xf32, #tpu.memory_space<vmem>>)
    %dma_wait3A_470 = arith.constant 9 : i32
    %dma_wait3A_471 = arith.constant 9 : i32
    %dma_wait3A_472 = arith.constant 0 : i32
    %dma_wait3A_473 = tpu.memref_slice %arg12[%dma_wait3A_471, %dma_wait3A_472] : memref<16x512xf32, #tpu.memory_space<vmem>> -> memref<1x512xf32, #tpu.memory_space<vmem>>
    %dma_wait3A_474 = tpu.memref_squeeze %dma_wait3A_473 : memref<1x512xf32, #tpu.memory_space<vmem>> -> memref<512xf32, #tpu.memory_space<vmem>>
    %dma_wait3A_475 = tpu.memref_slice %arg14[%dma_wait3A_470, %mul3A_169] : memref<16x8192xf32, #tpu.memory_space<vmem_shared>> -> memref<1x512xf32, #tpu.memory_space<vmem_shared>>
    %dma_wait3A_476 = tpu.memref_squeeze %dma_wait3A_475 : memref<1x512xf32, #tpu.memory_space<vmem_shared>> -> memref<512xf32, #tpu.memory_space<vmem_shared>>
    %dma_wait3A_477 = arith.constant 0 : i32
    %dma_wait3A_478 = tpu.memref_slice %arg12[%dma_wait3A_471, %dma_wait3A_477] : memref<16x512xf32, #tpu.memory_space<vmem>> -> memref<1x512xf32, #tpu.memory_space<vmem>>
    %dma_wait3A_479 = tpu.memref_squeeze %dma_wait3A_478 : memref<1x512xf32, #tpu.memory_space<vmem>> -> memref<512xf32, #tpu.memory_space<vmem>>
    %dma_wait3A_480 = tpu.memref_slice %arg14[%dma_wait3A_470, %mul3A_169] : memref<16x8192xf32, #tpu.memory_space<vmem_shared>> -> memref<1x512xf32, #tpu.memory_space<vmem_shared>>
    %dma_wait3A_481 = tpu.memref_squeeze %dma_wait3A_480 : memref<1x512xf32, #tpu.memory_space<vmem_shared>> -> memref<512xf32, #tpu.memory_space<vmem_shared>>
    tpu.wait_dma2 semaphore(%arg15 : memref<!tpu.dma_semaphore, #tpu.memory_space<semaphore_mem>>) src(%dma_wait3A_481 : memref<512xf32, #tpu.memory_space<vmem_shared>>) dst(%dma_wait3A_479 : memref<512xf32, #tpu.memory_space<vmem>>)
    %dma_wait3A_482 = arith.constant 10 : i32
    %dma_wait3A_483 = arith.constant 10 : i32
    %dma_wait3A_484 = arith.constant 0 : i32
    %dma_wait3A_485 = tpu.memref_slice %arg12[%dma_wait3A_483, %dma_wait3A_484] : memref<16x512xf32, #tpu.memory_space<vmem>> -> memref<1x512xf32, #tpu.memory_space<vmem>>
    %dma_wait3A_486 = tpu.memref_squeeze %dma_wait3A_485 : memref<1x512xf32, #tpu.memory_space<vmem>> -> memref<512xf32, #tpu.memory_space<vmem>>
    %dma_wait3A_487 = tpu.memref_slice %arg14[%dma_wait3A_482, %mul3A_169] : memref<16x8192xf32, #tpu.memory_space<vmem_shared>> -> memref<1x512xf32, #tpu.memory_space<vmem_shared>>
    %dma_wait3A_488 = tpu.memref_squeeze %dma_wait3A_487 : memref<1x512xf32, #tpu.memory_space<vmem_shared>> -> memref<512xf32, #tpu.memory_space<vmem_shared>>
    %dma_wait3A_489 = arith.constant 0 : i32
    %dma_wait3A_490 = tpu.memref_slice %arg12[%dma_wait3A_483, %dma_wait3A_489] : memref<16x512xf32, #tpu.memory_space<vmem>> -> memref<1x512xf32, #tpu.memory_space<vmem>>
    %dma_wait3A_491 = tpu.memref_squeeze %dma_wait3A_490 : memref<1x512xf32, #tpu.memory_space<vmem>> -> memref<512xf32, #tpu.memory_space<vmem>>
    %dma_wait3A_492 = tpu.memref_slice %arg14[%dma_wait3A_482, %mul3A_169] : memref<16x8192xf32, #tpu.memory_space<vmem_shared>> -> memref<1x512xf32, #tpu.memory_space<vmem_shared>>
    %dma_wait3A_493 = tpu.memref_squeeze %dma_wait3A_492 : memref<1x512xf32, #tpu.memory_space<vmem_shared>> -> memref<512xf32, #tpu.memory_space<vmem_shared>>
    tpu.wait_dma2 semaphore(%arg15 : memref<!tpu.dma_semaphore, #tpu.memory_space<semaphore_mem>>) src(%dma_wait3A_493 : memref<512xf32, #tpu.memory_space<vmem_shared>>) dst(%dma_wait3A_491 : memref<512xf32, #tpu.memory_space<vmem>>)
    %dma_wait3A_494 = arith.constant 11 : i32
    %dma_wait3A_495 = arith.constant 11 : i32
    %dma_wait3A_496 = arith.constant 0 : i32
    %dma_wait3A_497 = tpu.memref_slice %arg12[%dma_wait3A_495, %dma_wait3A_496] : memref<16x512xf32, #tpu.memory_space<vmem>> -> memref<1x512xf32, #tpu.memory_space<vmem>>
    %dma_wait3A_498 = tpu.memref_squeeze %dma_wait3A_497 : memref<1x512xf32, #tpu.memory_space<vmem>> -> memref<512xf32, #tpu.memory_space<vmem>>
    %dma_wait3A_499 = tpu.memref_slice %arg14[%dma_wait3A_494, %mul3A_169] : memref<16x8192xf32, #tpu.memory_space<vmem_shared>> -> memref<1x512xf32, #tpu.memory_space<vmem_shared>>
    %dma_wait3A_500 = tpu.memref_squeeze %dma_wait3A_499 : memref<1x512xf32, #tpu.memory_space<vmem_shared>> -> memref<512xf32, #tpu.memory_space<vmem_shared>>
    %dma_wait3A_501 = arith.constant 0 : i32
    %dma_wait3A_502 = tpu.memref_slice %arg12[%dma_wait3A_495, %dma_wait3A_501] : memref<16x512xf32, #tpu.memory_space<vmem>> -> memref<1x512xf32, #tpu.memory_space<vmem>>
    %dma_wait3A_503 = tpu.memref_squeeze %dma_wait3A_502 : memref<1x512xf32, #tpu.memory_space<vmem>> -> memref<512xf32, #tpu.memory_space<vmem>>
    %dma_wait3A_504 = tpu.memref_slice %arg14[%dma_wait3A_494, %mul3A_169] : memref<16x8192xf32, #tpu.memory_space<vmem_shared>> -> memref<1x512xf32, #tpu.memory_space<vmem_shared>>
    %dma_wait3A_505 = tpu.memref_squeeze %dma_wait3A_504 : memref<1x512xf32, #tpu.memory_space<vmem_shared>> -> memref<512xf32, #tpu.memory_space<vmem_shared>>
    tpu.wait_dma2 semaphore(%arg15 : memref<!tpu.dma_semaphore, #tpu.memory_space<semaphore_mem>>) src(%dma_wait3A_505 : memref<512xf32, #tpu.memory_space<vmem_shared>>) dst(%dma_wait3A_503 : memref<512xf32, #tpu.memory_space<vmem>>)
    %dma_wait3A_506 = arith.constant 12 : i32
    %dma_wait3A_507 = arith.constant 12 : i32
    %dma_wait3A_508 = arith.constant 0 : i32
    %dma_wait3A_509 = tpu.memref_slice %arg12[%dma_wait3A_507, %dma_wait3A_508] : memref<16x512xf32, #tpu.memory_space<vmem>> -> memref<1x512xf32, #tpu.memory_space<vmem>>
    %dma_wait3A_510 = tpu.memref_squeeze %dma_wait3A_509 : memref<1x512xf32, #tpu.memory_space<vmem>> -> memref<512xf32, #tpu.memory_space<vmem>>
    %dma_wait3A_511 = tpu.memref_slice %arg14[%dma_wait3A_506, %mul3A_169] : memref<16x8192xf32, #tpu.memory_space<vmem_shared>> -> memref<1x512xf32, #tpu.memory_space<vmem_shared>>
    %dma_wait3A_512 = tpu.memref_squeeze %dma_wait3A_511 : memref<1x512xf32, #tpu.memory_space<vmem_shared>> -> memref<512xf32, #tpu.memory_space<vmem_shared>>
    %dma_wait3A_513 = arith.constant 0 : i32
    %dma_wait3A_514 = tpu.memref_slice %arg12[%dma_wait3A_507, %dma_wait3A_513] : memref<16x512xf32, #tpu.memory_space<vmem>> -> memref<1x512xf32, #tpu.memory_space<vmem>>
    %dma_wait3A_515 = tpu.memref_squeeze %dma_wait3A_514 : memref<1x512xf32, #tpu.memory_space<vmem>> -> memref<512xf32, #tpu.memory_space<vmem>>
    %dma_wait3A_516 = tpu.memref_slice %arg14[%dma_wait3A_506, %mul3A_169] : memref<16x8192xf32, #tpu.memory_space<vmem_shared>> -> memref<1x512xf32, #tpu.memory_space<vmem_shared>>
    %dma_wait3A_517 = tpu.memref_squeeze %dma_wait3A_516 : memref<1x512xf32, #tpu.memory_space<vmem_shared>> -> memref<512xf32, #tpu.memory_space<vmem_shared>>
    tpu.wait_dma2 semaphore(%arg15 : memref<!tpu.dma_semaphore, #tpu.memory_space<semaphore_mem>>) src(%dma_wait3A_517 : memref<512xf32, #tpu.memory_space<vmem_shared>>) dst(%dma_wait3A_515 : memref<512xf32, #tpu.memory_space<vmem>>)
    %dma_wait3A_518 = arith.constant 13 : i32
    %dma_wait3A_519 = arith.constant 13 : i32
    %dma_wait3A_520 = arith.constant 0 : i32
    %dma_wait3A_521 = tpu.memref_slice %arg12[%dma_wait3A_519, %dma_wait3A_520] : memref<16x512xf32, #tpu.memory_space<vmem>> -> memref<1x512xf32, #tpu.memory_space<vmem>>
    %dma_wait3A_522 = tpu.memref_squeeze %dma_wait3A_521 : memref<1x512xf32, #tpu.memory_space<vmem>> -> memref<512xf32, #tpu.memory_space<vmem>>
    %dma_wait3A_523 = tpu.memref_slice %arg14[%dma_wait3A_518, %mul3A_169] : memref<16x8192xf32, #tpu.memory_space<vmem_shared>> -> memref<1x512xf32, #tpu.memory_space<vmem_shared>>
    %dma_wait3A_524 = tpu.memref_squeeze %dma_wait3A_523 : memref<1x512xf32, #tpu.memory_space<vmem_shared>> -> memref<512xf32, #tpu.memory_space<vmem_shared>>
    %dma_wait3A_525 = arith.constant 0 : i32
    %dma_wait3A_526 = tpu.memref_slice %arg12[%dma_wait3A_519, %dma_wait3A_525] : memref<16x512xf32, #tpu.memory_space<vmem>> -> memref<1x512xf32, #tpu.memory_space<vmem>>
    %dma_wait3A_527 = tpu.memref_squeeze %dma_wait3A_526 : memref<1x512xf32, #tpu.memory_space<vmem>> -> memref<512xf32, #tpu.memory_space<vmem>>
    %dma_wait3A_528 = tpu.memref_slice %arg14[%dma_wait3A_518, %mul3A_169] : memref<16x8192xf32, #tpu.memory_space<vmem_shared>> -> memref<1x512xf32, #tpu.memory_space<vmem_shared>>
    %dma_wait3A_529 = tpu.memref_squeeze %dma_wait3A_528 : memref<1x512xf32, #tpu.memory_space<vmem_shared>> -> memref<512xf32, #tpu.memory_space<vmem_shared>>
    tpu.wait_dma2 semaphore(%arg15 : memref<!tpu.dma_semaphore, #tpu.memory_space<semaphore_mem>>) src(%dma_wait3A_529 : memref<512xf32, #tpu.memory_space<vmem_shared>>) dst(%dma_wait3A_527 : memref<512xf32, #tpu.memory_space<vmem>>)
    %dma_wait3A_530 = arith.constant 14 : i32
    %dma_wait3A_531 = arith.constant 14 : i32
    %dma_wait3A_532 = arith.constant 0 : i32
    %dma_wait3A_533 = tpu.memref_slice %arg12[%dma_wait3A_531, %dma_wait3A_532] : memref<16x512xf32, #tpu.memory_space<vmem>> -> memref<1x512xf32, #tpu.memory_space<vmem>>
    %dma_wait3A_534 = tpu.memref_squeeze %dma_wait3A_533 : memref<1x512xf32, #tpu.memory_space<vmem>> -> memref<512xf32, #tpu.memory_space<vmem>>
    %dma_wait3A_535 = tpu.memref_slice %arg14[%dma_wait3A_530, %mul3A_169] : memref<16x8192xf32, #tpu.memory_space<vmem_shared>> -> memref<1x512xf32, #tpu.memory_space<vmem_shared>>
    %dma_wait3A_536 = tpu.memref_squeeze %dma_wait3A_535 : memref<1x512xf32, #tpu.memory_space<vmem_shared>> -> memref<512xf32, #tpu.memory_space<vmem_shared>>
    %dma_wait3A_537 = arith.constant 0 : i32
    %dma_wait3A_538 = tpu.memref_slice %arg12[%dma_wait3A_531, %dma_wait3A_537] : memref<16x512xf32, #tpu.memory_space<vmem>> -> memref<1x512xf32, #tpu.memory_space<vmem>>
    %dma_wait3A_539 = tpu.memref_squeeze %dma_wait3A_538 : memref<1x512xf32, #tpu.memory_space<vmem>> -> memref<512xf32, #tpu.memory_space<vmem>>
    %dma_wait3A_540 = tpu.memref_slice %arg14[%dma_wait3A_530, %mul3A_169] : memref<16x8192xf32, #tpu.memory_space<vmem_shared>> -> memref<1x512xf32, #tpu.memory_space<vmem_shared>>
    %dma_wait3A_541 = tpu.memref_squeeze %dma_wait3A_540 : memref<1x512xf32, #tpu.memory_space<vmem_shared>> -> memref<512xf32, #tpu.memory_space<vmem_shared>>
    tpu.wait_dma2 semaphore(%arg15 : memref<!tpu.dma_semaphore, #tpu.memory_space<semaphore_mem>>) src(%dma_wait3A_541 : memref<512xf32, #tpu.memory_space<vmem_shared>>) dst(%dma_wait3A_539 : memref<512xf32, #tpu.memory_space<vmem>>)
    %dma_wait3A_542 = arith.constant 15 : i32
    %dma_wait3A_543 = arith.constant 15 : i32
    %dma_wait3A_544 = arith.constant 0 : i32
    %dma_wait3A_545 = tpu.memref_slice %arg12[%dma_wait3A_543, %dma_wait3A_544] : memref<16x512xf32, #tpu.memory_space<vmem>> -> memref<1x512xf32, #tpu.memory_space<vmem>>
    %dma_wait3A_546 = tpu.memref_squeeze %dma_wait3A_545 : memref<1x512xf32, #tpu.memory_space<vmem>> -> memref<512xf32, #tpu.memory_space<vmem>>
    %dma_wait3A_547 = tpu.memref_slice %arg14[%dma_wait3A_542, %mul3A_169] : memref<16x8192xf32, #tpu.memory_space<vmem_shared>> -> memref<1x512xf32, #tpu.memory_space<vmem_shared>>
    %dma_wait3A_548 = tpu.memref_squeeze %dma_wait3A_547 : memref<1x512xf32, #tpu.memory_space<vmem_shared>> -> memref<512xf32, #tpu.memory_space<vmem_shared>>
    %dma_wait3A_549 = arith.constant 0 : i32
    %dma_wait3A_550 = tpu.memref_slice %arg12[%dma_wait3A_543, %dma_wait3A_549] : memref<16x512xf32, #tpu.memory_space<vmem>> -> memref<1x512xf32, #tpu.memory_space<vmem>>
    %dma_wait3A_551 = tpu.memref_squeeze %dma_wait3A_550 : memref<1x512xf32, #tpu.memory_space<vmem>> -> memref<512xf32, #tpu.memory_space<vmem>>
    %dma_wait3A_552 = tpu.memref_slice %arg14[%dma_wait3A_542, %mul3A_169] : memref<16x8192xf32, #tpu.memory_space<vmem_shared>> -> memref<1x512xf32, #tpu.memory_space<vmem_shared>>
    %dma_wait3A_553 = tpu.memref_squeeze %dma_wait3A_552 : memref<1x512xf32, #tpu.memory_space<vmem_shared>> -> memref<512xf32, #tpu.memory_space<vmem_shared>>
    tpu.wait_dma2 semaphore(%arg15 : memref<!tpu.dma_semaphore, #tpu.memory_space<semaphore_mem>>) src(%dma_wait3A_553 : memref<512xf32, #tpu.memory_space<vmem_shared>>) dst(%dma_wait3A_551 : memref<512xf32, #tpu.memory_space<vmem>>)
    %parallel_loop3A_554 = arith.constant 0 : i32
    %parallel_loop3A_555 = arith.constant 32 : i32
    %parallel_loop3A_556 = arith.constant 1 : i32
    scf.for %parallel_loop3A_558 = %parallel_loop3A_554 to %parallel_loop3A_555 step %parallel_loop3A_556  : i32 {
      %parallel_loop3A_559 = arith.constant 16 : i32
      %parallel_loop3A_560 = arith.muli %parallel_loop3A_558, %parallel_loop3A_559 : i32
      %parallel_loop3A_561 = tpu.assume_multiple %parallel_loop3A_560, 16 : i32
      %parallel_loop3A_562 = arith.constant 0 : i32
      %parallel_loop3A_563 = arith.index_cast %parallel_loop3A_562 : i32 to index
      %parallel_loop3A_564 = arith.index_cast %parallel_loop3A_561 : i32 to index
      %parallel_loop3A_565 = tpu.vector_load %arg12[%parallel_loop3A_563, %parallel_loop3A_564] {strides = array<i32>} : memref<16x512xf32, #tpu.memory_space<vmem>>, vector<16xf32>,
      %parallel_loop3A_566 = arith.constant 1 : i32
      %parallel_loop3A_567 = arith.index_cast %parallel_loop3A_566 : i32 to index
      %parallel_loop3A_568 = arith.index_cast %parallel_loop3A_561 : i32 to index
      %parallel_loop3A_569 = tpu.vector_load %arg12[%parallel_loop3A_567, %parallel_loop3A_568] {strides = array<i32>} : memref<16x512xf32, #tpu.memory_space<vmem>>, vector<16xf32>,
      %parallel_loop3A_570 = arith.addf %parallel_loop3A_565, %parallel_loop3A_569 : vector<16xf32>
      %parallel_loop3A_571 = arith.constant 2 : i32
      %parallel_loop3A_572 = arith.index_cast %parallel_loop3A_571 : i32 to index
      %parallel_loop3A_573 = arith.index_cast %parallel_loop3A_561 : i32 to index
      %parallel_loop3A_574 = tpu.vector_load %arg12[%parallel_loop3A_572, %parallel_loop3A_573] {strides = array<i32>} : memref<16x512xf32, #tpu.memory_space<vmem>>, vector<16xf32>,
      %parallel_loop3A_575 = arith.addf %parallel_loop3A_570, %parallel_loop3A_574 : vector<16xf32>
      %parallel_loop3A_576 = arith.constant 3 : i32
      %parallel_loop3A_577 = arith.index_cast %parallel_loop3A_576 : i32 to index
      %parallel_loop3A_578 = arith.index_cast %parallel_loop3A_561 : i32 to index
      %parallel_loop3A_579 = tpu.vector_load %arg12[%parallel_loop3A_577, %parallel_loop3A_578] {strides = array<i32>} : memref<16x512xf32, #tpu.memory_space<vmem>>, vector<16xf32>,
      %parallel_loop3A_580 = arith.addf %parallel_loop3A_575, %parallel_loop3A_579 : vector<16xf32>
      %parallel_loop3A_581 = arith.constant 4 : i32
      %parallel_loop3A_582 = arith.index_cast %parallel_loop3A_581 : i32 to index
      %parallel_loop3A_583 = arith.index_cast %parallel_loop3A_561 : i32 to index
      %parallel_loop3A_584 = tpu.vector_load %arg12[%parallel_loop3A_582, %parallel_loop3A_583] {strides = array<i32>} : memref<16x512xf32, #tpu.memory_space<vmem>>, vector<16xf32>,
      %parallel_loop3A_585 = arith.addf %parallel_loop3A_580, %parallel_loop3A_584 : vector<16xf32>
      %parallel_loop3A_586 = arith.constant 5 : i32
      %parallel_loop3A_587 = arith.index_cast %parallel_loop3A_586 : i32 to index
      %parallel_loop3A_588 = arith.index_cast %parallel_loop3A_561 : i32 to index
      %parallel_loop3A_589 = tpu.vector_load %arg12[%parallel_loop3A_587, %parallel_loop3A_588] {strides = array<i32>} : memref<16x512xf32, #tpu.memory_space<vmem>>, vector<16xf32>,
      %parallel_loop3A_590 = arith.addf %parallel_loop3A_585, %parallel_loop3A_589 : vector<16xf32>
      %parallel_loop3A_591 = arith.constant 6 : i32
      %parallel_loop3A_592 = arith.index_cast %parallel_loop3A_591 : i32 to index
      %parallel_loop3A_593 = arith.index_cast %parallel_loop3A_561 : i32 to index
      %parallel_loop3A_594 = tpu.vector_load %arg12[%parallel_loop3A_592, %parallel_loop3A_593] {strides = array<i32>} : memref<16x512xf32, #tpu.memory_space<vmem>>, vector<16xf32>,
      %parallel_loop3A_595 = arith.addf %parallel_loop3A_590, %parallel_loop3A_594 : vector<16xf32>
      %parallel_loop3A_596 = arith.constant 7 : i32
      %parallel_loop3A_597 = arith.index_cast %parallel_loop3A_596 : i32 to index
      %parallel_loop3A_598 = arith.index_cast %parallel_loop3A_561 : i32 to index
      %parallel_loop3A_599 = tpu.vector_load %arg12[%parallel_loop3A_597, %parallel_loop3A_598] {strides = array<i32>} : memref<16x512xf32, #tpu.memory_space<vmem>>, vector<16xf32>,
      %parallel_loop3A_600 = arith.addf %parallel_loop3A_595, %parallel_loop3A_599 : vector<16xf32>
      %parallel_loop3A_601 = arith.constant 8 : i32
      %parallel_loop3A_602 = arith.index_cast %parallel_loop3A_601 : i32 to index
      %parallel_loop3A_603 = arith.index_cast %parallel_loop3A_561 : i32 to index
      %parallel_loop3A_604 = tpu.vector_load %arg12[%parallel_loop3A_602, %parallel_loop3A_603] {strides = array<i32>} : memref<16x512xf32, #tpu.memory_space<vmem>>, vector<16xf32>,
      %parallel_loop3A_605 = arith.addf %parallel_loop3A_600, %parallel_loop3A_604 : vector<16xf32>
      %parallel_loop3A_606 = arith.constant 9 : i32
      %parallel_loop3A_607 = arith.index_cast %parallel_loop3A_606 : i32 to index
      %parallel_loop3A_608 = arith.index_cast %parallel_loop3A_561 : i32 to index
      %parallel_loop3A_609 = tpu.vector_load %arg12[%parallel_loop3A_607, %parallel_loop3A_608] {strides = array<i32>} : memref<16x512xf32, #tpu.memory_space<vmem>>, vector<16xf32>,
      %parallel_loop3A_610 = arith.addf %parallel_loop3A_605, %parallel_loop3A_609 : vector<16xf32>
      %parallel_loop3A_611 = arith.constant 10 : i32
      %parallel_loop3A_612 = arith.index_cast %parallel_loop3A_611 : i32 to index
      %parallel_loop3A_613 = arith.index_cast %parallel_loop3A_561 : i32 to index
      %parallel_loop3A_614 = tpu.vector_load %arg12[%parallel_loop3A_612, %parallel_loop3A_613] {strides = array<i32>} : memref<16x512xf32, #tpu.memory_space<vmem>>, vector<16xf32>,
      %parallel_loop3A_615 = arith.addf %parallel_loop3A_610, %parallel_loop3A_614 : vector<16xf32>
      %parallel_loop3A_616 = arith.constant 11 : i32
      %parallel_loop3A_617 = arith.index_cast %parallel_loop3A_616 : i32 to index
      %parallel_loop3A_618 = arith.index_cast %parallel_loop3A_561 : i32 to index
      %parallel_loop3A_619 = tpu.vector_load %arg12[%parallel_loop3A_617, %parallel_loop3A_618] {strides = array<i32>} : memref<16x512xf32, #tpu.memory_space<vmem>>, vector<16xf32>,
      %parallel_loop3A_620 = arith.addf %parallel_loop3A_615, %parallel_loop3A_619 : vector<16xf32>
      %parallel_loop3A_621 = arith.constant 12 : i32
      %parallel_loop3A_622 = arith.index_cast %parallel_loop3A_621 : i32 to index
      %parallel_loop3A_623 = arith.index_cast %parallel_loop3A_561 : i32 to index
      %parallel_loop3A_624 = tpu.vector_load %arg12[%parallel_loop3A_622, %parallel_loop3A_623] {strides = array<i32>} : memref<16x512xf32, #tpu.memory_space<vmem>>, vector<16xf32>,
      %parallel_loop3A_625 = arith.addf %parallel_loop3A_620, %parallel_loop3A_624 : vector<16xf32>
      %parallel_loop3A_626 = arith.constant 13 : i32
      %parallel_loop3A_627 = arith.index_cast %parallel_loop3A_626 : i32 to index
      %parallel_loop3A_628 = arith.index_cast %parallel_loop3A_561 : i32 to index
      %parallel_loop3A_629 = tpu.vector_load %arg12[%parallel_loop3A_627, %parallel_loop3A_628] {strides = array<i32>} : memref<16x512xf32, #tpu.memory_space<vmem>>, vector<16xf32>,
      %parallel_loop3A_630 = arith.addf %parallel_loop3A_625, %parallel_loop3A_629 : vector<16xf32>
      %parallel_loop3A_631 = arith.constant 14 : i32
      %parallel_loop3A_632 = arith.index_cast %parallel_loop3A_631 : i32 to index
      %parallel_loop3A_633 = arith.index_cast %parallel_loop3A_561 : i32 to index
      %parallel_loop3A_634 = tpu.vector_load %arg12[%parallel_loop3A_632, %parallel_loop3A_633] {strides = array<i32>} : memref<16x512xf32, #tpu.memory_space<vmem>>, vector<16xf32>,
      %parallel_loop3A_635 = arith.addf %parallel_loop3A_630, %parallel_loop3A_634 : vector<16xf32>
      %parallel_loop3A_636 = arith.constant 15 : i32
      %parallel_loop3A_637 = arith.index_cast %parallel_loop3A_636 : i32 to index
      %parallel_loop3A_638 = arith.index_cast %parallel_loop3A_561 : i32 to index
      %parallel_loop3A_639 = tpu.vector_load %arg12[%parallel_loop3A_637, %parallel_loop3A_638] {strides = array<i32>} : memref<16x512xf32, #tpu.memory_space<vmem>>, vector<16xf32>,
      %parallel_loop3A_640 = arith.addf %parallel_loop3A_635, %parallel_loop3A_639 : vector<16xf32>
      %parallel_loop3A_641 = arith.index_cast %parallel_loop3A_561 : i32 to index
      %parallel_loop3A_642 = tpu.vector_load %arg13[%parallel_loop3A_641] {strides = array<i32>} : memref<512xf32, #tpu.memory_space<vmem>>, vector<16xf32>,
      tpu.vector_store %arg13[%parallel_loop3A_641], %parallel_loop3A_640 {strides = array<i32>} : memref<512xf32, #tpu.memory_space<vmem>>, vector<16xf32>,
    } {sc.loop_unroll_factor = 8 : i64, sc.parallel_access}
    %add3A_557 = arith.addi %mul3A_0, %mul3A_169 : i32
    "tpu.region"() ({
      %run_scoped3A = tpu.sem_alloc : memref<!tpu.dma_semaphore, #tpu.memory_space<semaphore_mem>>
      %dma_start3A_558 = tpu.memref_slice %arg5[%add3A_557] : memref<16384xf32, #tpu.memory_space<hbm>> -> memref<512xf32, #tpu.memory_space<hbm>>
      %dma_start3A_559 = tpu.memref_slice %arg5[%add3A_557] : memref<16384xf32, #tpu.memory_space<hbm>> -> memref<512xf32, #tpu.memory_space<hbm>>
      tpu.enqueue_dma source(%arg13 : memref<512xf32, #tpu.memory_space<vmem>>) target(%dma_start3A_559 : memref<512xf32, #tpu.memory_space<hbm>>) target_semaphore(%run_scoped3A : memref<!tpu.dma_semaphore, #tpu.memory_space<semaphore_mem>>)
      %dma_wait3A_560 = tpu.memref_slice %arg5[%add3A_557] : memref<16384xf32, #tpu.memory_space<hbm>> -> memref<512xf32, #tpu.memory_space<hbm>>
      %dma_wait3A_561 = tpu.memref_slice %arg5[%add3A_557] : memref<16384xf32, #tpu.memory_space<hbm>> -> memref<512xf32, #tpu.memory_space<hbm>>
      tpu.wait_dma2 semaphore(%run_scoped3A : memref<!tpu.dma_semaphore, #tpu.memory_space<semaphore_mem>>) src(%arg13 : memref<512xf32, #tpu.memory_space<vmem>>) dst(%dma_wait3A_561 : memref<512xf32, #tpu.memory_space<hbm>>)
      tpu.yield
    }) : () -> ()
    return
  }
}

</mosaic_0001>

<sc_bundles>
// kernel: kernel.3.cloned.1.call-start
scs
__scs_entry_jumppad:
0x0: {  	(pc) =	sbr.rel $0x88, $3  }
0x1: {  	(tag) =	ssettag $0x0;
	lr =	simm.s32 $0x1  }
0x2: {  	[smem:$0x3F9E] =	sst lr;
	_ =	strace $0xD0000000  }
0x3: {  	_ = 	snop  }
0x4: {  	_ = 	snop  }
0x5: {  	_ = 	snop  }
0x6: {  	_ = 	snop  }
0x7: {  	_ = 	snop  }
__scs_overlays_trampoline_lowered:
0x8: {  	[smem:$0x3FAD] =	sst s0  }
0x9: {  	[smem:$0x3FAE] =	sst s1  }
0xa: {  	[smem:$0x3FAF] =	sst s2  }
0xb: {  	[smem:$0x3FB0] =	sst s3  }
0xc: {  	[smem:$0x3FB1] =	sst s4  }
0xd: {  	[smem:$0x3FB2] =	sst s5  }
0xe: {  	[smem:$0x3FB3] =	sst s6  }
0xf: {  	[smem:$0x3FB4] =	sst s7  }
0x10: {  	[smem:$0x3FB5] =	sst s8  }
0x11: {  	[smem:$0x3FB6] =	sst s9;
	s0 =	simm.s32 @!p0 $0x0  }
0x12: {  	s1 =	sld [smem:$0x3F9C];
	s0 =	simm.s32 @p0 $0x1  }
0x13: {  	[smem:$0x3FB7] =	sst s0;
	s0 =	simm.s32 @!p1 $0x0  }
0x14: {  	s2 =	sld [smem:$0x3F9B];
	s0 =	simm.s32 @p1 $0x1  }
0x15: {  	[smem:$0x3FB8] =	sst s0;
	s0 =	simm.s32 @!p2 $0x0  }
0x16: {  	s3 =	sld [smem:$0x3FDB];
	s0 =	simm.s32 @p2 $0x1  }
0x17: {  	s4 =	simm.s32 $0x1BF5;
	[smem:$0x3FBA] =	sst s0  }
0x18: {  	s0 =	sld [smem:$0x3F9D];
	_ =	swait.ge [sflag:s4], $0x0  }
0x19: {  	s7 =	sld [smem:$0x3F9E]  }
0x1a: {  	s8 =	sadd.s32 $0xFFFFE003, lr  }
0x1b: {  	s9 =	sadd.s32 $0xFFFFFEF7, lr;
	s5 =	simm.s32 $0xFFFFFFFF;
	p2 =	slt.u32 s8, $0xFFFFF086  }
0x1c: {  	p1 =	slt.u32 s9, $0xF7A;
	s5 =	simm.s32 @!p2 $0x0  }
0x1d: {  	s5 =	simm.s32 @p1 $0x1;
	p0 =	seq.s32 s7, s2  }
0x1e: {  	s7 =	smul.u32 @!p0 $0xF7A, s2;
	p2 =	seq.s32 @!p0 s5, $0x0  }
0x1f: {  	s9 =	smul.u32 $0xF7A, s1;
	s8 =	simm.s32 @!p0 $0x1BF5;
	p2 =	por !p2, p0  }
0x20: {  	[sflag:s8] =	ssyncset.s32 @!p0 $0xFFFFF086;
	s6 =	sadd.s32 @!p0 s3, s7;
	s7 =	simm.s32 @!p0 $0x108  }
0x21: {  	s3 =	sadd.s32 s3, s9;
	s6 =	sadd.s32 @!p0 $0x88, s6;
	s7 =	simm.s32 @p2 $0x1082  }
0x22: {  	[simem:s7], [sflag:s8] =	dma.local @!p0 [hbm:s6], $0xF7A  }
0x23: {  	s9 =	sor.u32 $0xD0000000, s2;
	s6 =	simm.s32 $0x108;
	_ =	swait.ge @!p0 [sflag:s8], $0x0  }
0x24: {  	s3 =	sadd.s32 $0x88, s3;
	s6 =	simm.s32 @!p1 $0x1082;
	[sflag:s4] =	ssyncset.s32 $0xFFFFF086  }
0x25: {  	[simem:s6], [sflag:s4] =	dma.local [hbm:s3], $0xF7A  }
0x26: {  	[smem:$0x3F9E] =	sst s1;
	(tag) =	ssettag s2;
	_ =	strace s9  }
0x27: {  	s1 =	sld [smem:$0x3FAE]  }
0x28: {  	s2 =	sld [smem:$0x3FAF]  }
0x29: {  	s4 =	sld [smem:$0x3FB1]  }
0x2a: {  	p0 =	seq.s32 s5, $0x0;
	s5 =	sld [smem:$0x3FB2]  }
0x2b: {  	s6 =	sld [smem:$0x3FB3]  }
0x2c: {  	s7 =	sld [smem:$0x3FB4]  }
0x2d: {  	s3 =	simm.s32 $0x108;
	s8 =	sld [smem:$0x3FB5]  }
0x2e: {  	s3 =	simm.s32 @!p0 $0x1082;
	s9 =	sld [smem:$0x3FB6]  }
0x2f: {  	lr =	sadd.s32 s0, s3;
	s0 =	sld [smem:$0x3FAD]  }
0x30: {  	s3 =	sld [smem:$0x3FB0]  }
0x31: {  	[smem:$0x3FB9] =	sst s10  }
0x32: {  	s10 =	sld [smem:$0x3FB7];
	_ =	sdelay $0x3  }
0x33: {  	p0 =	seq.s32 s10, $0x1;
	s10 =	sld [smem:$0x3FB9];
	_ =	sdelay $0x3  }
0x34: {  	[smem:$0x3FB9] =	sst s10  }
0x35: {  	s10 =	sld [smem:$0x3FB8];
	_ =	sdelay $0x3  }
0x36: {  	p1 =	seq.s32 s10, $0x1;
	s10 =	sld [smem:$0x3FB9];
	_ =	sdelay $0x3  }
0x37: {  	[smem:$0x3FB9] =	sst s10  }
0x38: {  	s10 =	sld [smem:$0x3FBA]  }
0x39: {  	_ = 	snop;
	(pc) =	sbr.ind lr, $3  }
0x3a: {  	_ = 	snop  }
0x3b: {  	_ = 	snop  }
0x3c: {  	p2 =	seq.s32 s10, $0x1;
	s10 =	sld [smem:$0x3FB9]  }
0x3d: {  	_ =	shalt  }
0x3e: {  	_ =	shalt  }
0x3f: {  	_ =	shalt  }
0x40: {  	_ =	shalt  }
0x41: {  	_ =	shalt  }
0x42: {  	_ =	shalt  }
0x43: {  	_ =	shalt  }
0x44: {  	_ =	shalt  }
0x45: {  	_ =	shalt  }
0x46: {  	_ =	shalt  }
0x47: {  	_ =	shalt  }
0x48: {  	_ =	shalt  }
0x49: {  	_ =	shalt  }
0x4a: {  	_ =	shalt  }
0x4b: {  	_ =	shalt  }
0x4c: {  	_ =	shalt  }
0x4d: {  	_ =	shalt  }
0x4e: {  	_ =	shalt  }
0x4f: {  	_ =	shalt  }
0x50: {  	_ =	shalt  }
0x51: {  	_ =	shalt  }
0x52: {  	_ =	shalt  }
0x53: {  	_ =	shalt  }
0x54: {  	_ =	shalt  }
0x55: {  	_ =	shalt  }
0x56: {  	_ =	shalt  }
0x57: {  	_ =	shalt  }
0x58: {  	_ =	shalt  }
0x59: {  	_ =	shalt  }
0x5a: {  	_ =	shalt  }
0x5b: {  	_ =	shalt  }
0x5c: {  	_ =	shalt  }
0x5d: {  	_ =	shalt  }
0x5e: {  	_ =	shalt  }
0x5f: {  	_ =	shalt  }
0x60: {  	_ =	shalt  }
0x61: {  	_ =	shalt  }
0x62: {  	_ =	shalt  }
0x63: {  	_ =	shalt  }
0x64: {  	_ =	shalt  }
0x65: {  	_ =	shalt  }
0x66: {  	_ =	shalt  }
0x67: {  	_ =	shalt  }
0x68: {  	_ =	shalt  }
0x69: {  	_ =	shalt  }
0x6a: {  	_ =	shalt  }
0x6b: {  	_ =	shalt  }
0x6c: {  	_ =	shalt  }
0x6d: {  	_ =	shalt  }
0x6e: {  	_ =	shalt  }
0x6f: {  	_ =	shalt  }
0x70: {  	_ =	shalt  }
0x71: {  	_ =	shalt  }
0x72: {  	_ =	shalt  }
0x73: {  	_ =	shalt  }
0x74: {  	_ =	shalt  }
0x75: {  	_ =	shalt  }
0x76: {  	_ =	shalt  }
0x77: {  	_ =	shalt  }
0x78: {  	_ =	shalt  }
0x79: {  	_ =	shalt  }
0x7a: {  	_ =	shalt  }
0x7b: {  	_ =	shalt  }
0x7c: {  	_ =	shalt  }
0x7d: {  	_ =	shalt  }
0x7e: {  	_ =	shalt  }
0x7f: {  	_ =	shalt  }
0x80: {  	_ =	shalt  }
0x81: {  	_ =	shalt  }
0x82: {  	_ =	shalt  }
0x83: {  	_ =	shalt  }
0x84: {  	_ =	shalt  }
0x85: {  	_ =	shalt  }
0x86: {  	_ =	shalt  }
0x87: {  	_ =	shalt  }
.Lfunc_end0:
.L_simem_size_0:
called_computation_lowered:
.L_overlay_start_0:
0x88: {  	s2 =	sld [smem:$0x3FD9]  }
0x89: {  	s3 =	sld [smem:$0x3FFE];
	_ =	sdelay $0x1  }
0x8a: {  	s1 =	srdreg.scid  }
0x8b: {  	s0 =	sand.u32 $0x1, s1  }
0x8c: {  	s18 =	sshll.u32 s0, $0xA;
	s2 =	sadd.s32 s3, s2  }
0x8d: {  	s2 =	sadd.s32 s2, s18  }
0x8e: {  	[smem:$0x3FC5] =	sst s2  }
0x8f: {  	_ = 	snop  }
0x90: {  	s2 =	sld [smem:$0x3FC9]  }
0x91: {  	s19 =	sld [smem:$0x3FC8]  }
0x92: {  	s4 =	sld [smem:$0x3FC7]  }
0x93: {  	s5 =	sld [smem:$0x3FD0];
	(tm) =	ssettm $0x1  }
0x94: {  	s6 =	sld [smem:$0x3FFB];
	_ =	sdelay $0x3  }
0x95: {  	_ =	strace s6  }
0x96: {  	s6 =	sld [smem:$0x3FFC];
	_ =	sdelay $0x3  }
0x97: {  	_ =	strace s6  }
0x98: {  	s6 =	sld [smem:$0x3FFD];
	_ =	sdelay $0x3  }
0x99: {  	_ =	strace s6  }
0x9a: {  	_ =	strace $0x8FFFFFFF  }
0x9b: {  	s20 =	sld [smem:$0x3FDB];
	_ =	sdelay $0x1  }
0x9c: {  	s7 =	simm.s32 $_scs_section_size  }
0x9d: {  	s8 =	simm.s32 $_size__tile_overlayer_lowered;
	s9 =	simm.s32 $_tile_overlayer_lowered  }
0x9e: {  	s23 =	simm.s32 $0x1BFF;
	s22 =	sshll.u32 s9, $0x1;
	s6 =	sadd.s32 s7, s20  }
0x9f: {  	s10 =	simm.s32 $0x0;
	s21 =	sshll.u32 s8, $0x1;
	s8 =	sadd.s32 s22, s6  }
0xa0: {  	[timem:s10], [sflag:s23] =	dma.local [hbm:s8], s21  }
0xa1: {  	_ =	swait.ge [sflag:s23], s21  }
0xa2: {  	s7 =	ssub.s32 $0x0, s21;
	[sflag:s23] =	ssyncset.done $0x0  }
0xa3: {  	[sflag:s23] =	ssyncadd.s32 s7;
	_ =	sdelay $0x1  }
0xa4: {  	s24 =	simm.s32 $0x1B8B  }
0xa5: {  	_ =	swait.ge [sflag:s24], $0x1  }
0xa6: {  	[sflag:s24] =	ssyncset.done $0x0  }
0xa7: {  	s25 =	simm.s32 $0x1B8E;
	[sflag:s24] =	ssyncadd.s32 $0xFFFFFFFF  }
0xa8: {  	s26 =	simm.s32 $execute0_lowered;
	[smem:$0x3FD2] =	sst s25  }
0xa9: {  	s7 =	sshll.u32 s26, $0x1;
	_ =	strace $0x80000046;
	[dreg:$0x1] =	wrdreg $0xFFFFFFFF  }
0xaa: {  	s28 =	simm.s32 $_size_execute0_lowered;
	s6 =	sadd.s32 s6, s7;
	[dreg:$0x0] =	wrdreg $0x0  }
0xab: {  	s7 =	sshll.u32 s28, $0x1;
	[dreg:$0x2] =	wrdreg s6  }
0xac: {  	[dreg:$0x3] =	wrdreg s7  }
0xad: {  	[dreg:$0x4] =	wrdreg $0xC0  }
0xae: {  	_ =	task [dreg:s10], $0x5FFFF  }
0xaf: {  	[dreg:$0x1] =	wrdreg $0xFFFFFFFF  }
0xb0: {  	[dreg:$0x0] =	wrdreg $0x60  }
0xb1: {  	[dreg:$0x2] =	wrdreg s2  }
0xb2: {  	[dreg:$0x3] =	wrdreg s19  }
0xb3: {  	[dreg:$0x4] =	wrdreg s4  }
0xb4: {  	[dreg:$0x5] =	wrdreg s5  }
0xb5: {  	[dreg:$0x6] =	wrdreg $0x163800  }
0xb6: {  	[dreg:$0x7] =	wrdreg $0x9  }
0xb7: {  	_ =	task.clear_ibuf [dreg:s10], $0x8FFFF;
	_ =	strace $0x90000046  }
0xb8: {  	s29 =	simm.s32 $0x9;
	_ =	strace $0x80000048  }
0xb9: {  	_ =	swait.ge [sflag:s29], $0x1  }
0xba: {  	[sflag:s29] =	ssyncadd.s32 $0xFFFFFFFF  }
0xbb: {  	_ =	strace $0x90000048  }
0xbc: {  	_ =	sfence  }
0xbd: {  	s30 =	sld [smem:$0x0];
	_ =	sdelay $0x2  }
0xbe: {  	s31 =	sshll.u32 s1, $0xD;
	s1 =	sshrl.u32 s1, $0x2  }
0xbf: {  	s3 =	sand.u32 $0x4000, s31;
	s1 =	sadd.s32 s1, s30  }
0xc0: {  	s0 =	sor.u32 s3, s0;
	s1 =	sshll.u32 s1, $0x11  }
0xc1: {  	s0 =	sor.u32 s1, s0  }
0xc2: {  	s0 =	sadd.s32 $0x8F2B, s0  }
0xc3: {  	[sflag:s0] =	ssyncadd.remote.s32 $0x1  }
0xc4: {  	_ =	sfence.sel $0xFFFF  }
0xc5: {  	[dreg:$0x0] =	wrdreg $0xFFFFFFFF;
	(pc) =	sbr.abs _section_cstart, $3  }
0xc6: {  	[dreg:$0x1] =	wrdreg $0xFFFFFFFF  }
0xc7: {  	_ =	task.clear_ibuf [dreg:s10], $0x2FFFF;
	_ =	strace $0x9FFFFFFF  }
0xc8: {  	(tm) =	ssettm $0x7FFFFFFF  }
0xc9: {  	_ =	shalt  }
tec
execute0_lowered:
.L_overlay_start_1:
0x0: {  	(tag) =	ssettag $0x1  }
0x1: {  	s0 =	rddreg [dreg:$0x0]  }
0x2: {  	s1 =	rddreg [dreg:$0x1]  }
0x3: {  	s3 =	rddreg [dreg:$0x3]  }
0x4: {  	s6 =	rddreg [dreg:$0x4];
	s4 =	srdreg.scid  }
0x5: {  	s2 =	simm.s32 $0x0;
	s13 =	stileid.u32;
	s7 =	sand.u32 $0x1, s4  }
0x6: {  	[smem:$0x7FF] =	sst s2;
	s9 =	sshll.u32 s13, $0xE;
	s18 =	sshll.u32 s7, $0x12  }
0x7: {  	s4 =	ssub.s32 $0x2, s7;
	_ =	strace $0x80000047;
	s10 =	sor.u32 s9, s18  }
0x8: {  	s5 =	sshrl.u32 s4, $0x1;
	s11 =	ssub.s32 s9, s18;
	s10 =	sshrl.u32 s10, $0x3  }
0x9: {  	s9 =	sshrl.u32 s9, $0x2;
	s8 =	ssub.s32 s4, s5;
	s12 =	sadd.s32 s0, s10  }
0xa: {  	s4 =	sshll.u32 s7, $0xD;
	s19 =	sadd.s32 s1, s10;
	[dreg:$0x6] =	wrdreg s12  }
0xb: {  	s17 =	sadd.s32 s9, s6;
	s15 =	sor.u32 $0x10180, s4;
	[dreg:$0x7] =	wrdreg s19  }
0xc: {  	s16 =	sadd.s32 $0x80, s17;
	[dreg:$0x11] =	wrdreg s15  }
0xd: {  	p0 =	seq.s32 s7, $0x0;
	s18 =	sadd.s32 $0x100, s17;
	[dreg:$0x12] =	wrdreg s16  }
0xe: {  	s11 =	sadd.s32 $0x40000, s11;
	s7 =	sadd.s32 $0x10280, s17;
	[dreg:$0x13] =	wrdreg s18  }
0xf: {  	s20 =	sor.u32 $0x200, s10;
	s9 =	sadd.s32 $0x10380, s17;
	[smem:$0x7D5] =	sst s7  }
0x10: {  	s24 =	sshrl.u32 s11, $0x3;
	s11 =	sadd.s32 $0x800, s17;
	[smem:$0x7D7] =	sst s9  }
0x11: {  	s14 =	sadd.s32 s0, s20;
	[smem:$0x7D9] =	sst s11  }
0x12: {  	s21 =	sor.u32 $0x400, s10;
	s12 =	sadd.s32 s1, s20;
	[dreg:$0x8] =	wrdreg s14  }
0x13: {  	s10 =	sor.u32 $0x600, s10;
	s22 =	sadd.s32 s0, s21;
	[dreg:$0x9] =	wrdreg s12  }
0x14: {  	s23 =	sadd.s32 s0, s10;
	[dreg:$0xa] =	wrdreg s22  }
0x15: {  	s10 =	sadd.s32 s1, s10;
	[dreg:$0xc] =	wrdreg s23  }
0x16: {  	s0 =	sadd.s32 s0, s24;
	[dreg:$0xd] =	wrdreg s10  }
0x17: {  	s19 =	sadd.s32 $0x180, s17;
	[dreg:$0xe] =	wrdreg s0  }
0x18: {  	s20 =	sadd.s32 $0x200, s17;
	[dreg:$0x14] =	wrdreg s19  }
0x19: {  	s15 =	sadd.s32 $0xC80, s17;
	[dreg:$0x16] =	wrdreg s20  }
0x1a: {  	s16 =	sadd.s32 $0x500, s17;
	[smem:$0x7DD] =	sst s15  }
0x1b: {  	s18 =	sadd.s32 $0x900, s17;
	[smem:$0x7DE] =	sst s16  }
0x1c: {  	s7 =	sadd.s32 $0xB00, s17;
	[smem:$0x7DF] =	sst s18  }
0x1d: {  	s9 =	sadd.s32 $0x780, s17;
	[smem:$0x7EB] =	sst s7  }
0x1e: {  	s11 =	sadd.s32 $0xF80, s17;
	[smem:$0x7ED] =	sst s9  }
0x1f: {  	s12 =	sadd.s32 s1, s21;
	[smem:$0x7EF] =	sst s11  }
0x20: {  	s1 =	sadd.s32 s1, s24;
	[dreg:$0xb] =	wrdreg s12  }
0x21: {  	s21 =	sadd.s32 $0x280, s17;
	[dreg:$0xf] =	wrdreg s1  }
0x22: {  	s22 =	smax.u32 s8, $0x1;
	[dreg:$0x17] =	wrdreg s21  }
0x23: {  	s23 =	sadd.s32 $0x300, s17;
	[dreg:$0x18] =	wrdreg s22  }
0x24: {  	s25 =	sshll.u32 s13, $0xD;
	s24 =	sadd.s32 $0x380, s17;
	[dreg:$0x19] =	wrdreg s23  }
0x25: {  	s0 =	sand.u32 $0x10000, s25;
	s25 =	sadd.s32 $0x10000, s17;
	[dreg:$0x1a] =	wrdreg s24  }
0x26: {  	s26 =	sshll.u32 s13, $0x7;
	s8 =	sadd.s32 $0x10300, s17;
	[dreg:$0x1b] =	wrdreg s25  }
0x27: {  	s13 =	sshll.u32 s13, $0x9;
	s10 =	sadd.s32 $0x400, s17;
	[smem:$0x7D6] =	sst s8  }
0x28: {  	s14 =	sor.u32 s13, s4;
	s13 =	sadd.s32 $0x480, s17;
	[smem:$0x7D8] =	sst s10  }
0x29: {  	s19 =	sadd.s32 $0xD00, s17;
	[smem:$0x7DB] =	sst s13  }
0x2a: {  	s20 =	sadd.s32 $0x580, s17;
	[smem:$0x7E0] =	sst s19  }
0x2b: {  	s15 =	sadd.s32 $0x10480, s17;
	[smem:$0x7E1] =	sst s20  }
0x2c: {  	s16 =	sadd.s32 $0x10880, s17;
	[smem:$0x7F3] =	sst s15  }
0x2d: {  	s18 =	sadd.s32 $0x10C80, s17;
	[smem:$0x7F4] =	sst s16  }
0x2e: {  	s12 =	sand.u32 $0x380, s26;
	s26 =	sadd.s32 $0x10080, s17;
	[smem:$0x7F5] =	sst s18  }
0x2f: {  	s1 =	sadd.s32 $0x10100, s17;
	[dreg:$0x1c] =	wrdreg s26  }
0x30: {  	s0 =	sadd.s32 s0, s6;
	s6 =	sadd.s32 $0x10200, s17;
	[dreg:$0x1d] =	wrdreg s1  }
0x31: {  	s21 =	sadd.s32 $0x980, s17;
	[dreg:$0x1f] =	wrdreg s6  }
0x32: {  	s22 =	sadd.s32 $0xD80, s17;
	[smem:$0x7E2] =	sst s21  }
0x33: {  	s23 =	sadd.s32 $0x600, s17;
	[smem:$0x7E3] =	sst s22  }
0x34: {  	s24 =	sadd.s32 $0xA00, s17;
	[smem:$0x7E4] =	sst s23  }
0x35: {  	s25 =	sadd.s32 $0xE00, s17;
	[smem:$0x7E5] =	sst s24  }
0x36: {  	s8 =	sadd.s32 $0xF00, s17;
	[smem:$0x7E6] =	sst s25  }
0x37: {  	s10 =	sadd.s32 $0xB80, s17;
	[smem:$0x7EC] =	sst s8  }
0x38: {  	s31 =	simm.s32 $0x10100;
	s13 =	sadd.s32 $0x10800, s17;
	[smem:$0x7EE] =	sst s10  }
0x39: {  	s5 =	sadd.s32 $0x2000, s4;
	s19 =	sadd.s32 $0x10500, s17;
	[smem:$0x7F1] =	sst s13  }
0x3a: {  	s28 =	sadd.s32 $0x10780, s17;
	s20 =	sadd.s32 $0x10900, s17;
	[smem:$0x7F6] =	sst s19  }
0x3b: {  	s29 =	sadd.s32 $0x10B80, s17;
	s0 =	sadd.s32 s12, s0;
	[smem:$0x7F7] =	sst s20  }
0x3c: {  	s30 =	sadd.s32 $0x10F80, s17;
	s12 =	sadd.s32 $0xC00, s17;
	[dreg:$0x10] =	wrdreg s0  }
0x3d: {  	s7 =	simm.s32 $0x5;
	s26 =	sadd.s32 $0x680, s17;
	[smem:$0x7DA] =	sst s12  }
0x3e: {  	s9 =	simm.s32 $0x2;
	s1 =	sadd.s32 $0xA80, s17;
	[smem:$0x7E7] =	sst s26  }
0x3f: {  	s11 =	simm.s32 $0x0;
	s6 =	sadd.s32 $0x700, s17;
	[smem:$0x7E8] =	sst s1  }
0x40: {  	s21 =	sadd.s32 $0x10D00, s17;
	s22 =	sadd.s32 $0x10580, s17;
	[smem:$0x7EA] =	sst s6  }
0x41: {  	s23 =	sadd.s32 $0x10980, s17;
	s24 =	sadd.s32 $0x10D80, s17;
	[smem:$0x7F8] =	sst s21  }
0x42: {  	s25 =	sadd.s32 $0x10600, s17;
	s20 =	sadd.s32 $0x10E00, s17;
	[smem:$0x7F9] =	sst s22  }
0x43: {  	s8 =	simm.s32 $0x6;
	s10 =	simm.s32 $0x7;
	[smem:$0x7FA] =	sst s23  }
0x44: {  	s0 =	sshrl.u32 s14, $0x3;
	s14 =	sadd.s32 $0x880, s17;
	[smem:$0x7FB] =	sst s24  }
0x45: {  	s12 =	sadd.s32 $0x10400, s17;
	[smem:$0x7FC] =	sst s25;
	s26 =	sadd.s32 $0x10A00, s17  }
0x46: {  	s21 =	sadd.s32 $0x10680, s17;
	s22 =	sadd.s32 $0x10A80, s17;
	[smem:$0x7DC] =	sst s14  }
0x47: {  	s23 =	sadd.s32 $0x10E80, s17;
	s24 =	sadd.s32 $0x10700, s17;
	[smem:$0x7F0] =	sst s12  }
0x48: {  	s25 =	sadd.s32 $0x10B00, s17;
	s0 =	sadd.s32 s3, s0;
	[smem:$0x7FD] =	sst s26  }
0x49: {  	s1 =	simm.s32 $0x10180;
	s3 =	sadd.s32 $0x10180, s17;
	[dreg:$0x15] =	wrdreg s0  }
0x4a: {  	s6 =	simm.s32 $0x4;
	s14 =	sadd.s32 $0x10C00, s17;
	[dreg:$0x1e] =	wrdreg s3  }
0x4b: {  	s26 =	sadd.s32 $0x10F00, s17;
	s3 =	sadd.s32 $0xE80, s17;
	[smem:$0x7F2] =	sst s14  }
0x4c: {  	v0 =	vimm.f32 $0.0e+00;
	vm0 =	vcmask $0x3F3C;
	vm1 =	vmmov $0x7fff;
	s0 =	simm.s32 $0x1;
	[smem:$0x7E9] =	sst s3;
	s3 =	simm.s32 $0x3  }
.LBB2_1:
0x4d: {  	s12 =	rddreg [dreg:$0x2]  }
0x4e: {  	[tilespmem:s31], [sflag:$0x1] =	stream.linear.gather [hbm4b:s12+s2], $0x80, $0x38;
	[tilespmem:$0x18380] =	vst v63  }
0x4f: {  	s13 =	rddreg [dreg:$0x6]  }
0x50: {  	[tilespmem:s2], [sflag:$0x3] =	stream.linear.gather [hbm4b:s13+s2], $0x1000, $0x38;
	[tilespmem:$0x18380] =	vst v63  }
0x51: {  	s14 =	rddreg [dreg:$0x7];
	s13 =	simm.s32 $0x4000  }
0x52: {  	[tilespmem:s13], [sflag:$0x3] =	stream.linear.gather [hbm4b:s14+s2], $0x1000, $0x38;
	[tilespmem:$0x18380] =	vst v63  }
0x53: {  	s15 =	rddreg [dreg:$0x8];
	s16 =	simm.s32 $0x1000  }
0x54: {  	[tilespmem:s16], [sflag:$0x4] =	stream.linear.gather [hbm4b:s15+s2], $0x1000, $0x38;
	[tilespmem:$0x18380] =	vst v63  }
0x55: {  	s18 =	rddreg [dreg:$0x9];
	s19 =	simm.s32 $0x5000  }
0x56: {  	[tilespmem:s19], [sflag:$0x4] =	stream.linear.gather [hbm4b:s18+s2], $0x1000, $0x38;
	[tilespmem:$0x18380] =	vst v63  }
0x57: {  	s13 =	rddreg [dreg:$0xa];
	s14 =	simm.s32 $0x2000  }
0x58: {  	[tilespmem:s14], [sflag:$0x5] =	stream.linear.gather [hbm4b:s13+s2], $0x1000, $0x38;
	[tilespmem:$0x18380] =	vst v63  }
0x59: {  	s15 =	rddreg [dreg:$0xb];
	s16 =	simm.s32 $0x6000  }
0x5a: {  	[tilespmem:s16], [sflag:$0x5] =	stream.linear.gather [hbm4b:s15+s2], $0x1000, $0x38;
	[tilespmem:$0x18380] =	vst v63  }
0x5b: {  	s18 =	rddreg [dreg:$0xc];
	s19 =	simm.s32 $0x3000  }
0x5c: {  	[tilespmem:s19], [sflag:$0x6] =	stream.linear.gather [hbm4b:s18+s2], $0x1000, $0x38;
	[tilespmem:$0x18380] =	vst v63  }
0x5d: {  	s13 =	rddreg [dreg:$0xd];
	s14 =	simm.s32 $0x7000  }
0x5e: {  	[tilespmem:s14], [sflag:$0x6] =	stream.linear.gather [hbm4b:s13+s2], $0x1000, $0x38;
	[tilespmem:$0x18380] =	vst v63  }
0x5f: {  	s15 =	rddreg [dreg:$0xe];
	s16 =	simm.s32 $0x8080  }
0x60: {  	[tilespmem:s16], [sflag:$0x2] =	stream.linear.gather [hbm4b:s15+s2], $0x4000, $0x38;
	[tilespmem:$0x18380] =	vst v63  }
0x61: {  	s12 =	simm.s32 $0x101C0;
	s18 =	rddreg [dreg:$0xf];
	s19 =	simm.s32 $0xC080  }
0x62: {  	[tilespmem:s19], [sflag:$0x2] =	stream.linear.gather [hbm4b:s18+s2], $0x4000, $0x38;
	[tilespmem:$0x18380] =	vst v63  }
0x63: {  	[tilespmem:s12+$0xFFFFFFC0] =	vst v0  }
0x64: {  	[tilespmem:s12+$0x30] =	vst v0  }
0x65: {  	[tilespmem:s12+$0x20] =	vst v0  }
0x66: {  	[tilespmem:s12+$0x10] =	vst v0  }
0x67: {  	[tilespmem:s12+$0x0] =	vst v0  }
0x68: {  	[tilespmem:s12+$0xFFFFFFF0] =	vst v0  }
0x69: {  	s13 =	simm.s32 $0x0;
	[tilespmem:s12+$0xFFFFFFE0] =	vst v0  }
.LBB2_2:
0x6a: {  	s13 =	sadd.s32 $0x8, s13;
	[tilespmem:s12+$0xFFFFFFD0] =	vst v0;
	s12 =	sadd.s32 $0x80, s12  }
0x6b: {  	[tilespmem:s12+$0xFFFFFFC0] =	vst v0;
	p1 =	slt.u32 s13, $0x3F8  }
0x6c: {  	[tilespmem:s12+$0x30] =	vst v0  }
.Ltmp0:
0x6d: {  	[tilespmem:s12+$0x20] =	vst v0;
	(pc) =	sbr.rel @p1 .LBB2_2-.Ltmp0, $4  }
0x6e: {  	[tilespmem:s12+$0x10] =	vst v0  }
0x6f: {  	[tilespmem:s12+$0x0] =	vst v0  }
0x70: {  	[tilespmem:s12+$0xFFFFFFF0] =	vst v0  }
0x71: {  	[tilespmem:s12+$0xFFFFFFE0] =	vst v0  }
0x72: {  	[tilespmem:s12+$0xFFFFFFD0] =	vst v0;
	v1 =	vimm.s32 $0x3FFF  }
0x73: {  	[tilespmem:$0x8000] =	vst v1  }
0x74: {  	[tilespmem:$0x10080] =	vst v1  }
0x75: {  	_ =	swait.ge [sflag:s0], $0x80  }
0x76: {  	[sflag:s0] =	ssyncset.done $0x0  }
0x77: {  	[sflag:s0] =	ssyncadd.s32 $0xFFFFFF80  }
0x78: {  	_ =	swait.ge [sflag:s3], $0x1000  }
0x79: {  	[sflag:s3] =	ssyncset.done $0x0  }
0x7a: {  	[sflag:s3] =	ssyncadd.s32 $0xFFFFF000  }
0x7b: {  	_ =	swait.ge [sflag:s3], $0x1000  }
0x7c: {  	[sflag:s3] =	ssyncset.done $0x0  }
0x7d: {  	s12 =	simm.s32 $0x40;
	[sflag:s3] =	ssyncadd.s32 $0xFFFFF000  }
0x7e: {  	s13 =	simm.s32 $0x4040;
	v2 =	vld [tilespmem:s12+$0x20]  }
0x7f: {  	v9 =	vld [tilespmem:s13+$0xFFFFFFC1]  }
0x80: {  	v3 =	vld [tilespmem:s12+$0xFFFFFFC0]  }
0x81: {  	v4 =	vld [tilespmem:s12+$0x30]  }
0x82: {  	v5 =	vld [tilespmem:s13+$0xFFFFFFC0]  }
0x83: {  	v6 =	vld [tilespmem:s12+$0x10]  }
0x84: {  	v7 =	vld [tilespmem:s12+$0x0]  }
0x85: {  	v8 =	vld [tilespmem:s12+$0xFFFFFFF0]  }
0x86: {  	v10 =	vld [tilespmem:s12+$0xFFFFFFE0]  }
0x87: {  	v11 =	vld [tilespmem:s12+$0xFFFFFFD0]  }
0x88: {  	v3 =	vld.idx.msk [tilespmem:v3+s31+$0x0], $0xffff  }
0x89: {  	v16 =	vld [tilespmem:s13+$0x31]  }
0x8a: {  	v4 =	vld.idx.msk [tilespmem:v4+s31+$0x0], $0xffff  }
0x8b: {  	v17 =	vld [tilespmem:s13+$0x30]  }
0x8c: {  	v18 =	vld [tilespmem:s13+$0x20]  }
0x8d: {  	v12 =	vld.idx.msk [tilespmem:v2+s31+$0x0], $0xffff;
	(xrf2) =	vadd.scan.msk.f32 $0xffff, v3  }
0x8e: {  	v13 =	vld.idx.msk [tilespmem:v6+s31+$0x0], $0xffff  }
0x8f: {  	v14 =	vld.idx.msk [tilespmem:v7+s31+$0x0], $0xffff;
	(xrf2) =	vadd.scan.msk.f32 $0xffff, v4  }
0x90: {  	v15 =	vld.idx.msk [tilespmem:v8+s31+$0x0], $0xffff  }
0x91: {  	vm2 =	vne.s32 v5, v9;
	v8 =	vld.idx.msk [tilespmem:v10+s31+$0x0], $0xffff  }
0x92: {  	vm3 =	vmor vm2, vm0;
	v10 =	vld [tilespmem:s13+$0x21]  }
0x93: {  	vm4 =	vne.s32 v17, v16;
	v6 =	vld.idx.msk [tilespmem:v11+s31+$0x0], $0xffff;
	(xrf2) =	vadd.scan.msk.f32 $0xffff, v12  }
0x94: {  	vm5 =	vmor vm4, vm0;
	v2 =	vld [tilespmem:s13+$0xFFFFFFD1]  }
0x95: {  	vm2 =	vmand vm2, vm1;
	v7 =	vld [tilespmem:s13+$0x1]  }
0x96: {  	v11 =	vld [tilespmem:s13+$0x0]  }
0x97: {  	vm4 =	vmand vm4, vm1;
	v3 =	vld [tilespmem:s13+$0xFFFFFFD0];
	vm6 =	vne.s32 v18, v10;
	v12, _, _ =	vpop (xrf2)  }
0x98: {  	[tilespmem:v5+s1+$0x0] =	vst.idx.add.f32.msk vm3, v12;
	vm3 =	vmor vm6, vm0  }
0x99: {  	v4 =	vld [tilespmem:s13+$0xFFFFFFE1];
	(xrf2) =	vadd.scan.msk.f32 $0xffff, v14;
	v12 =	vsub.f32 $0.0e+00, v12;
	v19, _, _ =	vpop (xrf2)  }
0x9a: {  	[tilespmem:v17+s1+$0x0] =	vst.idx.add.f32.msk vm5, v19  }
0x9b: {  	[tilespmem:v9+s1+$0x0] =	vst.idx.add.f32.msk vm2, v12;
	v12 =	vsub.f32 $0.0e+00, v19  }
0x9c: {  	(xrf2) =	vadd.scan.msk.f32 $0xffff, v13;
	vm5 =	vmand vm6, vm1;
	v9 =	vld [tilespmem:s13+$0x11]  }
0x9d: {  	v14, _, _ =	vpop (xrf2);
	[tilespmem:v16+s1+$0x0] =	vst.idx.add.f32.msk vm4, v12;
	vm4 =	vne.s32 v11, v7  }
0x9e: {  	[tilespmem:v18+s1+$0x0] =	vst.idx.add.f32.msk vm3, v14;
	vm3 =	vmor vm4, vm0  }
0x9f: {  	(xrf2) =	vadd.scan.msk.f32 $0xffff, v15;
	v12 =	vld [tilespmem:s13+$0x10]  }
0xa0: {  	v5 =	vld [tilespmem:s13+$0xFFFFFFF1];
	v14 =	vsub.f32 $0.0e+00, v14  }
0xa1: {  	s14 =	simm.s32 $0x0;
	s15 =	simm.s32 $0x4040;
	v13 =	vld [tilespmem:s13+$0xFFFFFFF0];
	vm2 =	vne.s32 v3, v2  }
.LBB2_4:
0xa2: {  	s14 =	sadd.s32 $0x8, s14;
	[tilespmem:v10+s1+$0x0] =	vst.idx.add.f32.msk vm5, v14;
	s13 =	sadd.s32 $0x80, s13;
	s12 =	sadd.s32 $0x80, s12;
	(xrf2) =	vadd.scan.msk.f32 $0xffff, v8  }
0xa3: {  	p1 =	slt.u32 s14, $0xF8;
	v8 =	vld [tilespmem:s15+$0xFFFFFFE0];
	v10, _, _ =	vpop (xrf2);
	s15 =	smov.u32 s13  }
0xa4: {  	[tilespmem:v11+s1+$0x0] =	vst.idx.add.f32.msk vm3, v10;
	vm3 =	vmand vm4, vm1;
	vm4 =	vne.s32 v12, v9  }
0xa5: {  	v11 =	vld [tilespmem:s12+$0x20];
	vm5 =	vmor vm4, vm0;
	(xrf2) =	vadd.scan.msk.f32 $0xffff, v6  }
0xa6: {  	vm4 =	vmand vm4, vm1;
	v14 =	vld [tilespmem:s13+$0xFFFFFFC1];
	vm6 =	vne.s32 v13, v5;
	v6, _, _ =	vpop (xrf2)  }
0xa7: {  	v10 =	vsub.f32 $0.0e+00, v10;
	v15 =	vld [tilespmem:s13+$0xFFFFFFC0];
	vm7 =	vmor vm6, vm0  }
0xa8: {  	vm6 =	vmand vm6, vm1;
	v16 =	vld [tilespmem:s12+$0xFFFFFFC0];
	vm8 =	vne.s32 v8, v4  }
0xa9: {  	v17 =	vld [tilespmem:s12+$0x30];
	vm9 =	vmor vm8, vm0;
	v18, _, _ =	vpop (xrf2)  }
0xaa: {  	vm10 =	vmor vm2, vm0;
	v1 =	vsub.f32 $0.0e+00, v6;
	[tilespmem:v7+s1+$0x0] =	vst.idx.add.f32.msk vm3, v10  }
0xab: {  	vm8 =	vmand vm8, vm1;
	[tilespmem:v12+s1+$0x0] =	vst.idx.add.f32.msk vm5, v6  }
0xac: {  	vm2 =	vmand vm2, vm1;
	v10 =	vsub.f32 $0.0e+00, v18;
	vm3 =	vne.s32 v15, v14;
	[tilespmem:v9+s1+$0x0] =	vst.idx.add.f32.msk vm4, v1;
	v7, _, _ =	vpop (xrf2)  }
0xad: {  	[tilespmem:v13+s1+$0x0] =	vst.idx.add.f32.msk vm7, v18  }
0xae: {  	[tilespmem:v5+s1+$0x0] =	vst.idx.add.f32.msk vm6, v10  }
0xaf: {  	v5 =	vsub.f32 $0.0e+00, v7;
	[tilespmem:v8+s1+$0x0] =	vst.idx.add.f32.msk vm9, v7;
	v6, _, _ =	vpop (xrf2)  }
0xb0: {  	[tilespmem:v3+s1+$0x0] =	vst.idx.add.f32.msk vm10, v6;
	v3 =	vsub.f32 $0.0e+00, v6  }
0xb1: {  	[tilespmem:v4+s1+$0x0] =	vst.idx.add.f32.msk vm8, v5  }
0xb2: {  	[tilespmem:v2+s1+$0x0] =	vst.idx.add.f32.msk vm2, v3  }
0xb3: {  	v2 =	vld [tilespmem:s12+$0x10]  }
0xb4: {  	v3 =	vld [tilespmem:s12+$0x0]  }
0xb5: {  	v4 =	vld [tilespmem:s12+$0xFFFFFFF0]  }
0xb6: {  	v5 =	vld [tilespmem:s12+$0xFFFFFFE0]  }
0xb7: {  	v6 =	vld [tilespmem:s12+$0xFFFFFFD0]  }
0xb8: {  	v7 =	vld.idx.msk [tilespmem:v16+s31+$0x0], $0xffff  }
0xb9: {  	v9 =	vld.idx.msk [tilespmem:v17+s31+$0x0], $0xffff  }
0xba: {  	v11 =	vld.idx.msk [tilespmem:v11+s31+$0x0], $0xffff  }
0xbb: {  	v12 =	vld.idx.msk [tilespmem:v2+s31+$0x0], $0xffff  }
0xbc: {  	v13 =	vld.idx.msk [tilespmem:v3+s31+$0x0], $0xffff  }
0xbd: {  	v16 =	vld.idx.msk [tilespmem:v4+s31+$0x0], $0xffff  }
0xbe: {  	v8 =	vld.idx.msk [tilespmem:v5+s31+$0x0], $0xffff;
	(xrf2) =	vadd.scan.msk.f32 $0xffff, v7  }
0xbf: {  	v6 =	vld.idx.msk [tilespmem:v6+s31+$0x0], $0xffff  }
0xc0: {  	v17 =	vld [tilespmem:s13+$0x31]  }
0xc1: {  	v18 =	vld [tilespmem:s13+$0x30];
	(xrf2) =	vadd.scan.msk.f32 $0xffff, v9  }
0xc2: {  	v2 =	vld [tilespmem:s13+$0xFFFFFFD1]  }
0xc3: {  	v10 =	vld [tilespmem:s13+$0x21]  }
0xc4: {  	vm2 =	vmor vm3, vm0;
	v19 =	vld [tilespmem:s13+$0x20]  }
0xc5: {  	v3 =	vld [tilespmem:s13+$0xFFFFFFD0];
	(xrf2) =	vadd.scan.msk.f32 $0xffff, v11  }
0xc6: {  	vm3 =	vmand vm3, vm1;
	v4 =	vld [tilespmem:s13+$0xFFFFFFE1];
	vm4 =	vne.s32 v18, v17  }
0xc7: {  	v7 =	vld [tilespmem:s13+$0x1];
	vm6 =	vmor vm4, vm0  }
0xc8: {  	vm7 =	vmand vm4, vm1;
	v11 =	vld [tilespmem:s13+$0x0];
	v9, _, _ =	vpop (xrf2)  }
0xc9: {  	v5 =	vld [tilespmem:s13+$0xFFFFFFF1];
	vm4 =	vne.s32 v19, v10;
	(xrf2) =	vadd.scan.msk.f32 $0xffff, v13  }
0xca: {  	v13 =	vsub.f32 $0.0e+00, v9;
	[tilespmem:v15+s1+$0x0] =	vst.idx.add.f32.msk vm2, v9;
	vm2 =	vne.s32 v3, v2;
	vm8 =	vmor vm4, vm0  }
0xcb: {  	v9 =	vld [tilespmem:s13+$0x11];
	v15, _, _ =	vpop (xrf2)  }
0xcc: {  	vm5 =	vmand vm4, vm1;
	[tilespmem:v14+s1+$0x0] =	vst.idx.add.f32.msk vm3, v13;
	v1 =	vsub.f32 $0.0e+00, v15;
	(xrf2) =	vadd.scan.msk.f32 $0xffff, v12  }
.Ltmp1:
0xcd: {  	vm4 =	vne.s32 v11, v7;
	[tilespmem:v18+s1+$0x0] =	vst.idx.add.f32.msk vm6, v15;
	(pc) =	sbr.rel @p1 .LBB2_4-.Ltmp1, $4  }
0xce: {  	vm3 =	vmor vm4, vm0;
	[tilespmem:v17+s1+$0x0] =	vst.idx.add.f32.msk vm7, v1  }
0xcf: {  	v12 =	vld [tilespmem:s13+$0x10];
	(xrf2) =	vadd.scan.msk.f32 $0xffff, v16;
	v13, _, _ =	vpop (xrf2)  }
0xd0: {  	[tilespmem:v19+s1+$0x0] =	vst.idx.add.f32.msk vm8, v13;
	v14 =	vsub.f32 $0.0e+00, v13  }
0xd1: {  	v13 =	vld [tilespmem:s13+$0xFFFFFFF0]  }
0xd2: {  	_ = 	snop  }
0xd3: {  	v15 =	vld [tilespmem:s15+$0xFFFFFFE0]  }
0xd4: {  	(xrf2) =	vadd.scan.msk.f32 $0xffff, v8;
	vm4 =	vmand vm4, vm1;
	vm6 =	vne.s32 v12, v9  }
0xd5: {  	(xrf2) =	vadd.scan.msk.f32 $0xffff, v6;
	v6, _, _ =	vpop (xrf2);
	vm7 =	vmor vm6, vm0  }
0xd6: {  	v8 =	vsub.f32 $0.0e+00, v6;
	vm6 =	vmand vm6, vm1;
	vm8 =	vne.s32 v13, v5  }
0xd7: {  	vm9 =	vmor vm8, vm0  }
0xd8: {  	[tilespmem:v10+s1+$0x0] =	vst.idx.add.f32.msk vm5, v14;
	vm5 =	vne.s32 v15, v4;
	vm8 =	vmand vm8, vm1  }
0xd9: {  	[tilespmem:v11+s1+$0x0] =	vst.idx.add.f32.msk vm3, v6;
	v6, _, _ =	vpop (xrf2);
	vm3 =	vmor vm5, vm0  }
0xda: {  	vm10 =	vmor vm2, vm0;
	[tilespmem:v7+s1+$0x0] =	vst.idx.add.f32.msk vm4, v8;
	v7 =	vsub.f32 $0.0e+00, v6;
	v8, _, _ =	vpop (xrf2)  }
0xdb: {  	vm4 =	vmand vm5, vm1;
	[tilespmem:v12+s1+$0x0] =	vst.idx.add.f32.msk vm7, v6;
	v6 =	vsub.f32 $0.0e+00, v8  }
0xdc: {  	vm2 =	vmand vm2, vm1;
	[tilespmem:v9+s1+$0x0] =	vst.idx.add.f32.msk vm6, v7  }
0xdd: {  	[tilespmem:v13+s1+$0x0] =	vst.idx.add.f32.msk vm9, v8  }
0xde: {  	v7, _, _ =	vpop (xrf2);
	[tilespmem:v5+s1+$0x0] =	vst.idx.add.f32.msk vm8, v6  }
0xdf: {  	[tilespmem:v15+s1+$0x0] =	vst.idx.add.f32.msk vm3, v7;
	v5 =	vsub.f32 $0.0e+00, v7;
	v6, _, _ =	vpop (xrf2)  }
0xe0: {  	[tilespmem:v3+s1+$0x0] =	vst.idx.add.f32.msk vm10, v6;
	v3 =	vsub.f32 $0.0e+00, v6  }
0xe1: {  	[tilespmem:v4+s1+$0x0] =	vst.idx.add.f32.msk vm4, v5  }
0xe2: {  	[tilespmem:v2+s1+$0x0] =	vst.idx.add.f32.msk vm2, v3  }
0xe3: {  	_ =	swait.ge [sflag:s6], $0x1000  }
0xe4: {  	[sflag:s6] =	ssyncset.done $0x0  }
0xe5: {  	[sflag:s6] =	ssyncadd.s32 $0xFFFFF000  }
0xe6: {  	_ =	swait.ge [sflag:s6], $0x1000  }
0xe7: {  	[sflag:s6] =	ssyncset.done $0x0  }
0xe8: {  	s12 =	simm.s32 $0x1070;
	[sflag:s6] =	ssyncadd.s32 $0xFFFFF000  }
0xe9: {  	s13 =	simm.s32 $0x5071;
	v2 =	vld [tilespmem:s12+$0xFFFFFFF0]  }
0xea: {  	v9 =	vld [tilespmem:s13+$0xFFFFFF90]  }
0xeb: {  	v3 =	vld [tilespmem:s12+$0xFFFFFF90]  }
0xec: {  	v4 =	vld [tilespmem:s12+$0x0]  }
0xed: {  	v5 =	vld [tilespmem:s13+$0xFFFFFF8F]  }
0xee: {  	v6 =	vld [tilespmem:s12+$0xFFFFFFE0]  }
0xef: {  	v7 =	vld [tilespmem:s12+$0xFFFFFFD0]  }
0xf0: {  	v8 =	vld [tilespmem:s12+$0xFFFFFFC0]  }
0xf1: {  	v10 =	vld [tilespmem:s12+$0xFFFFFFB0]  }
0xf2: {  	v11 =	vld [tilespmem:s12+$0xFFFFFFA0]  }
0xf3: {  	v3 =	vld.idx.msk [tilespmem:v3+s31+$0x0], $0xffff  }
0xf4: {  	v16 =	vld [tilespmem:s13+$0x0]  }
0xf5: {  	v4 =	vld.idx.msk [tilespmem:v4+s31+$0x0], $0xffff  }
0xf6: {  	v17 =	vld [tilespmem:s13+$0xFFFFFFFF]  }
0xf7: {  	v18 =	vld [tilespmem:s13+$0xFFFFFFEF]  }
0xf8: {  	v12 =	vld.idx.msk [tilespmem:v2+s31+$0x0], $0xffff;
	(xrf2) =	vadd.scan.msk.f32 $0xffff, v3  }
0xf9: {  	v13 =	vld.idx.msk [tilespmem:v6+s31+$0x0], $0xffff  }
0xfa: {  	v14 =	vld.idx.msk [tilespmem:v7+s31+$0x0], $0xffff;
	(xrf2) =	vadd.scan.msk.f32 $0xffff, v4  }
0xfb: {  	v15 =	vld.idx.msk [tilespmem:v8+s31+$0x0], $0xffff  }
0xfc: {  	vm2 =	vne.s32 v5, v9;
	v8 =	vld.idx.msk [tilespmem:v10+s31+$0x0], $0xffff  }
0xfd: {  	vm3 =	vmor vm2, vm0;
	v10 =	vld [tilespmem:s13+$0xFFFFFFF0]  }
0xfe: {  	vm4 =	vne.s32 v17, v16;
	v6 =	vld.idx.msk [tilespmem:v11+s31+$0x0], $0xffff;
	(xrf2) =	vadd.scan.msk.f32 $0xffff, v12  }
0xff: {  	vm5 =	vmor vm4, vm0;
	v2 =	vld [tilespmem:s13+$0xFFFFFFA0]  }
0x100: {  	vm2 =	vmand vm2, vm1;
	v7 =	vld [tilespmem:s13+$0xFFFFFFD0]  }
0x101: {  	v11 =	vld [tilespmem:s13+$0xFFFFFFCF]  }
0x102: {  	vm4 =	vmand vm4, vm1;
	v3 =	vld [tilespmem:s13+$0xFFFFFF9F];
	vm6 =	vne.s32 v18, v10;
	v12, _, _ =	vpop (xrf2)  }
0x103: {  	[tilespmem:v5+s1+$0x0] =	vst.idx.add.f32.msk vm3, v12;
	vm3 =	vmor vm6, vm0  }
0x104: {  	v4 =	vld [tilespmem:s13+$0xFFFFFFB0];
	v12 =	vsub.f32 $0.0e+00, v12;
	v19, _, _ =	vpop (xrf2);
	(xrf2) =	vadd.scan.msk.f32 $0xffff, v14  }
0x105: {  	[tilespmem:v17+s1+$0x0] =	vst.idx.add.f32.msk vm5, v19  }
0x106: {  	[tilespmem:v9+s1+$0x0] =	vst.idx.add.f32.msk vm2, v12;
	v12 =	vsub.f32 $0.0e+00, v19  }
0x107: {  	(xrf2) =	vadd.scan.msk.f32 $0xffff, v13;
	vm5 =	vmand vm6, vm1;
	v9 =	vld [tilespmem:s13+$0xFFFFFFE0]  }
0x108: {  	v14, _, _ =	vpop (xrf2);
	[tilespmem:v16+s1+$0x0] =	vst.idx.add.f32.msk vm4, v12;
	vm4 =	vne.s32 v11, v7  }
0x109: {  	[tilespmem:v18+s1+$0x0] =	vst.idx.add.f32.msk vm3, v14;
	vm3 =	vmor vm4, vm0  }
0x10a: {  	(xrf2) =	vadd.scan.msk.f32 $0xffff, v15;
	v12 =	vld [tilespmem:s13+$0xFFFFFFDF]  }
0x10b: {  	v5 =	vld [tilespmem:s13+$0xFFFFFFC0];
	v14 =	vsub.f32 $0.0e+00, v14  }
0x10c: {  	s14 =	simm.s32 $0x0;
	s15 =	simm.s32 $0x5071;
	v13 =	vld [tilespmem:s13+$0xFFFFFFBF];
	vm2 =	vne.s32 v3, v2  }
.LBB2_6:
0x10d: {  	s14 =	sadd.s32 $0x8, s14;
	[tilespmem:v10+s1+$0x0] =	vst.idx.add.f32.msk vm5, v14;
	s12 =	sadd.s32 $0x80, s12;
	s13 =	sadd.s32 $0x80, s13;
	(xrf2) =	vadd.scan.msk.f32 $0xffff, v8  }
0x10e: {  	p1 =	slt.u32 s14, $0xF8;
	v8 =	vld [tilespmem:s15+$0xFFFFFFAF];
	v10, _, _ =	vpop (xrf2);
	s15 =	smov.u32 s13  }
0x10f: {  	[tilespmem:v11+s1+$0x0] =	vst.idx.add.f32.msk vm3, v10;
	vm3 =	vmand vm4, vm1;
	vm4 =	vne.s32 v12, v9  }
0x110: {  	v11 =	vld [tilespmem:s12+$0xFFFFFFF0];
	vm5 =	vmor vm4, vm0;
	(xrf2) =	vadd.scan.msk.f32 $0xffff, v6  }
0x111: {  	vm4 =	vmand vm4, vm1;
	v14 =	vld [tilespmem:s13+$0xFFFFFF90];
	vm6 =	vne.s32 v13, v5;
	v6, _, _ =	vpop (xrf2)  }
0x112: {  	v10 =	vsub.f32 $0.0e+00, v10;
	v15 =	vld [tilespmem:s13+$0xFFFFFF8F];
	vm7 =	vmor vm6, vm0  }
0x113: {  	vm6 =	vmand vm6, vm1;
	v16 =	vld [tilespmem:s12+$0xFFFFFF90];
	vm8 =	vne.s32 v8, v4  }
0x114: {  	v17 =	vld [tilespmem:s12+$0x0];
	vm9 =	vmor vm8, vm0;
	v18, _, _ =	vpop (xrf2)  }
0x115: {  	vm10 =	vmor vm2, vm0;
	v1 =	vsub.f32 $0.0e+00, v6;
	[tilespmem:v7+s1+$0x0] =	vst.idx.add.f32.msk vm3, v10  }
0x116: {  	vm8 =	vmand vm8, vm1;
	[tilespmem:v12+s1+$0x0] =	vst.idx.add.f32.msk vm5, v6  }
0x117: {  	vm2 =	vmand vm2, vm1;
	v10 =	vsub.f32 $0.0e+00, v18;
	vm3 =	vne.s32 v15, v14;
	[tilespmem:v9+s1+$0x0] =	vst.idx.add.f32.msk vm4, v1;
	v7, _, _ =	vpop (xrf2)  }
0x118: {  	[tilespmem:v13+s1+$0x0] =	vst.idx.add.f32.msk vm7, v18  }
0x119: {  	[tilespmem:v5+s1+$0x0] =	vst.idx.add.f32.msk vm6, v10  }
0x11a: {  	v5 =	vsub.f32 $0.0e+00, v7;
	[tilespmem:v8+s1+$0x0] =	vst.idx.add.f32.msk vm9, v7;
	v6, _, _ =	vpop (xrf2)  }
0x11b: {  	[tilespmem:v3+s1+$0x0] =	vst.idx.add.f32.msk vm10, v6;
	v3 =	vsub.f32 $0.0e+00, v6  }
0x11c: {  	[tilespmem:v4+s1+$0x0] =	vst.idx.add.f32.msk vm8, v5  }
0x11d: {  	[tilespmem:v2+s1+$0x0] =	vst.idx.add.f32.msk vm2, v3  }
0x11e: {  	v2 =	vld [tilespmem:s12+$0xFFFFFFE0]  }
0x11f: {  	v3 =	vld [tilespmem:s12+$0xFFFFFFD0]  }
0x120: {  	v4 =	vld [tilespmem:s12+$0xFFFFFFC0]  }
0x121: {  	v5 =	vld [tilespmem:s12+$0xFFFFFFB0]  }
0x122: {  	v6 =	vld [tilespmem:s12+$0xFFFFFFA0]  }
0x123: {  	v7 =	vld.idx.msk [tilespmem:v16+s31+$0x0], $0xffff  }
0x124: {  	v9 =	vld.idx.msk [tilespmem:v17+s31+$0x0], $0xffff  }
0x125: {  	v11 =	vld.idx.msk [tilespmem:v11+s31+$0x0], $0xffff  }
0x126: {  	v12 =	vld.idx.msk [tilespmem:v2+s31+$0x0], $0xffff  }
0x127: {  	v13 =	vld.idx.msk [tilespmem:v3+s31+$0x0], $0xffff  }
0x128: {  	v16 =	vld.idx.msk [tilespmem:v4+s31+$0x0], $0xffff  }
0x129: {  	v8 =	vld.idx.msk [tilespmem:v5+s31+$0x0], $0xffff;
	(xrf2) =	vadd.scan.msk.f32 $0xffff, v7  }
0x12a: {  	v6 =	vld.idx.msk [tilespmem:v6+s31+$0x0], $0xffff  }
0x12b: {  	v17 =	vld [tilespmem:s13+$0x0]  }
0x12c: {  	v18 =	vld [tilespmem:s13+$0xFFFFFFFF];
	(xrf2) =	vadd.scan.msk.f32 $0xffff, v9  }
0x12d: {  	v2 =	vld [tilespmem:s13+$0xFFFFFFA0]  }
0x12e: {  	v10 =	vld [tilespmem:s13+$0xFFFFFFF0]  }
0x12f: {  	vm2 =	vmor vm3, vm0;
	v19 =	vld [tilespmem:s13+$0xFFFFFFEF]  }
0x130: {  	v3 =	vld [tilespmem:s13+$0xFFFFFF9F];
	(xrf2) =	vadd.scan.msk.f32 $0xffff, v11  }
0x131: {  	vm3 =	vmand vm3, vm1;
	v4 =	vld [tilespmem:s13+$0xFFFFFFB0];
	vm4 =	vne.s32 v18, v17  }
0x132: {  	v7 =	vld [tilespmem:s13+$0xFFFFFFD0];
	vm6 =	vmor vm4, vm0  }
0x133: {  	vm7 =	vmand vm4, vm1;
	v11 =	vld [tilespmem:s13+$0xFFFFFFCF];
	v9, _, _ =	vpop (xrf2)  }
0x134: {  	v5 =	vld [tilespmem:s13+$0xFFFFFFC0];
	vm4 =	vne.s32 v19, v10;
	(xrf2) =	vadd.scan.msk.f32 $0xffff, v13  }
0x135: {  	v13 =	vsub.f32 $0.0e+00, v9;
	[tilespmem:v15+s1+$0x0] =	vst.idx.add.f32.msk vm2, v9;
	vm2 =	vne.s32 v3, v2;
	vm8 =	vmor vm4, vm0  }
0x136: {  	v9 =	vld [tilespmem:s13+$0xFFFFFFE0];
	v15, _, _ =	vpop (xrf2)  }
0x137: {  	vm5 =	vmand vm4, vm1;
	[tilespmem:v14+s1+$0x0] =	vst.idx.add.f32.msk vm3, v13;
	v1 =	vsub.f32 $0.0e+00, v15;
	(xrf2) =	vadd.scan.msk.f32 $0xffff, v12  }
.Ltmp2:
0x138: {  	vm4 =	vne.s32 v11, v7;
	[tilespmem:v18+s1+$0x0] =	vst.idx.add.f32.msk vm6, v15;
	(pc) =	sbr.rel @p1 .LBB2_6-.Ltmp2, $4  }
0x139: {  	vm3 =	vmor vm4, vm0;
	[tilespmem:v17+s1+$0x0] =	vst.idx.add.f32.msk vm7, v1  }
0x13a: {  	v12 =	vld [tilespmem:s13+$0xFFFFFFDF];
	(xrf2) =	vadd.scan.msk.f32 $0xffff, v16;
	v13, _, _ =	vpop (xrf2)  }
0x13b: {  	[tilespmem:v19+s1+$0x0] =	vst.idx.add.f32.msk vm8, v13;
	v14 =	vsub.f32 $0.0e+00, v13  }
0x13c: {  	v13 =	vld [tilespmem:s13+$0xFFFFFFBF]  }
0x13d: {  	_ = 	snop  }
0x13e: {  	v15 =	vld [tilespmem:s15+$0xFFFFFFAF]  }
0x13f: {  	(xrf2) =	vadd.scan.msk.f32 $0xffff, v8;
	vm4 =	vmand vm4, vm1;
	vm6 =	vne.s32 v12, v9  }
0x140: {  	(xrf2) =	vadd.scan.msk.f32 $0xffff, v6;
	v6, _, _ =	vpop (xrf2);
	vm7 =	vmor vm6, vm0  }
0x141: {  	v8 =	vsub.f32 $0.0e+00, v6;
	vm6 =	vmand vm6, vm1;
	vm8 =	vne.s32 v13, v5  }
0x142: {  	vm9 =	vmor vm8, vm0  }
0x143: {  	[tilespmem:v10+s1+$0x0] =	vst.idx.add.f32.msk vm5, v14;
	vm5 =	vne.s32 v15, v4;
	vm8 =	vmand vm8, vm1  }
0x144: {  	[tilespmem:v11+s1+$0x0] =	vst.idx.add.f32.msk vm3, v6;
	v6, _, _ =	vpop (xrf2);
	vm3 =	vmor vm5, vm0  }
0x145: {  	vm10 =	vmor vm2, vm0;
	[tilespmem:v7+s1+$0x0] =	vst.idx.add.f32.msk vm4, v8;
	v7 =	vsub.f32 $0.0e+00, v6;
	v8, _, _ =	vpop (xrf2)  }
0x146: {  	vm4 =	vmand vm5, vm1;
	[tilespmem:v12+s1+$0x0] =	vst.idx.add.f32.msk vm7, v6;
	v6 =	vsub.f32 $0.0e+00, v8  }
0x147: {  	vm2 =	vmand vm2, vm1;
	[tilespmem:v9+s1+$0x0] =	vst.idx.add.f32.msk vm6, v7  }
0x148: {  	[tilespmem:v13+s1+$0x0] =	vst.idx.add.f32.msk vm9, v8  }
0x149: {  	v7, _, _ =	vpop (xrf2);
	[tilespmem:v5+s1+$0x0] =	vst.idx.add.f32.msk vm8, v6  }
0x14a: {  	[tilespmem:v15+s1+$0x0] =	vst.idx.add.f32.msk vm3, v7;
	v5 =	vsub.f32 $0.0e+00, v7;
	v6, _, _ =	vpop (xrf2)  }
0x14b: {  	[tilespmem:v3+s1+$0x0] =	vst.idx.add.f32.msk vm10, v6;
	v3 =	vsub.f32 $0.0e+00, v6  }
0x14c: {  	[tilespmem:v4+s1+$0x0] =	vst.idx.add.f32.msk vm4, v5  }
0x14d: {  	[tilespmem:v2+s1+$0x0] =	vst.idx.add.f32.msk vm2, v3  }
0x14e: {  	_ =	swait.ge [sflag:s7], $0x1000  }
0x14f: {  	[sflag:s7] =	ssyncset.done $0x0  }
0x150: {  	[sflag:s7] =	ssyncadd.s32 $0xFFFFF000  }
0x151: {  	_ =	swait.ge [sflag:s7], $0x1000  }
0x152: {  	[sflag:s7] =	ssyncset.done $0x0  }
0x153: {  	s12 =	simm.s32 $0x2070;
	[sflag:s7] =	ssyncadd.s32 $0xFFFFF000  }
0x154: {  	s13 =	simm.s32 $0x6071;
	v2 =	vld [tilespmem:s12+$0xFFFFFFF0]  }
0x155: {  	v9 =	vld [tilespmem:s13+$0xFFFFFF90]  }
0x156: {  	v3 =	vld [tilespmem:s12+$0xFFFFFF90]  }
0x157: {  	v4 =	vld [tilespmem:s12+$0x0]  }
0x158: {  	v5 =	vld [tilespmem:s13+$0xFFFFFF8F]  }
0x159: {  	v6 =	vld [tilespmem:s12+$0xFFFFFFE0]  }
0x15a: {  	v7 =	vld [tilespmem:s12+$0xFFFFFFD0]  }
0x15b: {  	v8 =	vld [tilespmem:s12+$0xFFFFFFC0]  }
0x15c: {  	v10 =	vld [tilespmem:s12+$0xFFFFFFB0]  }
0x15d: {  	v11 =	vld [tilespmem:s12+$0xFFFFFFA0]  }
0x15e: {  	v3 =	vld.idx.msk [tilespmem:v3+s31+$0x0], $0xffff  }
0x15f: {  	v16 =	vld [tilespmem:s13+$0x0]  }
0x160: {  	v4 =	vld.idx.msk [tilespmem:v4+s31+$0x0], $0xffff  }
0x161: {  	v17 =	vld [tilespmem:s13+$0xFFFFFFFF]  }
0x162: {  	v18 =	vld [tilespmem:s13+$0xFFFFFFEF]  }
0x163: {  	v12 =	vld.idx.msk [tilespmem:v2+s31+$0x0], $0xffff;
	(xrf2) =	vadd.scan.msk.f32 $0xffff, v3  }
0x164: {  	v13 =	vld.idx.msk [tilespmem:v6+s31+$0x0], $0xffff  }
0x165: {  	v14 =	vld.idx.msk [tilespmem:v7+s31+$0x0], $0xffff;
	(xrf2) =	vadd.scan.msk.f32 $0xffff, v4  }
0x166: {  	v15 =	vld.idx.msk [tilespmem:v8+s31+$0x0], $0xffff  }
0x167: {  	vm2 =	vne.s32 v5, v9;
	v8 =	vld.idx.msk [tilespmem:v10+s31+$0x0], $0xffff  }
0x168: {  	vm3 =	vmor vm2, vm0;
	v10 =	vld [tilespmem:s13+$0xFFFFFFF0]  }
0x169: {  	vm4 =	vne.s32 v17, v16;
	v6 =	vld.idx.msk [tilespmem:v11+s31+$0x0], $0xffff;
	(xrf2) =	vadd.scan.msk.f32 $0xffff, v12  }
0x16a: {  	vm5 =	vmor vm4, vm0;
	v2 =	vld [tilespmem:s13+$0xFFFFFFA0]  }
0x16b: {  	vm2 =	vmand vm2, vm1;
	v7 =	vld [tilespmem:s13+$0xFFFFFFD0]  }
0x16c: {  	v11 =	vld [tilespmem:s13+$0xFFFFFFCF]  }
0x16d: {  	vm4 =	vmand vm4, vm1;
	v3 =	vld [tilespmem:s13+$0xFFFFFF9F];
	vm6 =	vne.s32 v18, v10;
	v12, _, _ =	vpop (xrf2)  }
0x16e: {  	[tilespmem:v5+s1+$0x0] =	vst.idx.add.f32.msk vm3, v12;
	vm3 =	vmor vm6, vm0  }
0x16f: {  	v4 =	vld [tilespmem:s13+$0xFFFFFFB0];
	v12 =	vsub.f32 $0.0e+00, v12;
	v19, _, _ =	vpop (xrf2);
	(xrf2) =	vadd.scan.msk.f32 $0xffff, v14  }
0x170: {  	[tilespmem:v17+s1+$0x0] =	vst.idx.add.f32.msk vm5, v19  }
0x171: {  	[tilespmem:v9+s1+$0x0] =	vst.idx.add.f32.msk vm2, v12;
	v12 =	vsub.f32 $0.0e+00, v19  }
0x172: {  	(xrf2) =	vadd.scan.msk.f32 $0xffff, v13;
	vm5 =	vmand vm6, vm1;
	v9 =	vld [tilespmem:s13+$0xFFFFFFE0]  }
0x173: {  	v14, _, _ =	vpop (xrf2);
	[tilespmem:v16+s1+$0x0] =	vst.idx.add.f32.msk vm4, v12;
	vm4 =	vne.s32 v11, v7  }
0x174: {  	[tilespmem:v18+s1+$0x0] =	vst.idx.add.f32.msk vm3, v14;
	vm3 =	vmor vm4, vm0  }
0x175: {  	(xrf2) =	vadd.scan.msk.f32 $0xffff, v15;
	v12 =	vld [tilespmem:s13+$0xFFFFFFDF]  }
0x176: {  	v5 =	vld [tilespmem:s13+$0xFFFFFFC0];
	v14 =	vsub.f32 $0.0e+00, v14  }
0x177: {  	s14 =	simm.s32 $0x0;
	s15 =	simm.s32 $0x6071;
	v13 =	vld [tilespmem:s13+$0xFFFFFFBF];
	vm2 =	vne.s32 v3, v2  }
.LBB2_8:
0x178: {  	s14 =	sadd.s32 $0x8, s14;
	[tilespmem:v10+s1+$0x0] =	vst.idx.add.f32.msk vm5, v14;
	s12 =	sadd.s32 $0x80, s12;
	s13 =	sadd.s32 $0x80, s13;
	(xrf2) =	vadd.scan.msk.f32 $0xffff, v8  }
0x179: {  	p1 =	slt.u32 s14, $0xF8;
	v8 =	vld [tilespmem:s15+$0xFFFFFFAF];
	v10, _, _ =	vpop (xrf2);
	s15 =	smov.u32 s13  }
0x17a: {  	[tilespmem:v11+s1+$0x0] =	vst.idx.add.f32.msk vm3, v10;
	vm3 =	vmand vm4, vm1;
	vm4 =	vne.s32 v12, v9  }
0x17b: {  	v11 =	vld [tilespmem:s12+$0xFFFFFFF0];
	vm5 =	vmor vm4, vm0;
	(xrf2) =	vadd.scan.msk.f32 $0xffff, v6  }
0x17c: {  	vm4 =	vmand vm4, vm1;
	v14 =	vld [tilespmem:s13+$0xFFFFFF90];
	vm6 =	vne.s32 v13, v5;
	v6, _, _ =	vpop (xrf2)  }
0x17d: {  	v10 =	vsub.f32 $0.0e+00, v10;
	v15 =	vld [tilespmem:s13+$0xFFFFFF8F];
	vm7 =	vmor vm6, vm0  }
0x17e: {  	vm6 =	vmand vm6, vm1;
	v16 =	vld [tilespmem:s12+$0xFFFFFF90];
	vm8 =	vne.s32 v8, v4  }
0x17f: {  	v17 =	vld [tilespmem:s12+$0x0];
	vm9 =	vmor vm8, vm0;
	v18, _, _ =	vpop (xrf2)  }
0x180: {  	vm10 =	vmor vm2, vm0;
	v1 =	vsub.f32 $0.0e+00, v6;
	[tilespmem:v7+s1+$0x0] =	vst.idx.add.f32.msk vm3, v10  }
0x181: {  	vm8 =	vmand vm8, vm1;
	[tilespmem:v12+s1+$0x0] =	vst.idx.add.f32.msk vm5, v6  }
0x182: {  	vm2 =	vmand vm2, vm1;
	v10 =	vsub.f32 $0.0e+00, v18;
	vm3 =	vne.s32 v15, v14;
	[tilespmem:v9+s1+$0x0] =	vst.idx.add.f32.msk vm4, v1;
	v7, _, _ =	vpop (xrf2)  }
0x183: {  	[tilespmem:v13+s1+$0x0] =	vst.idx.add.f32.msk vm7, v18  }
0x184: {  	[tilespmem:v5+s1+$0x0] =	vst.idx.add.f32.msk vm6, v10  }
0x185: {  	v5 =	vsub.f32 $0.0e+00, v7;
	[tilespmem:v8+s1+$0x0] =	vst.idx.add.f32.msk vm9, v7;
	v6, _, _ =	vpop (xrf2)  }
0x186: {  	[tilespmem:v3+s1+$0x0] =	vst.idx.add.f32.msk vm10, v6;
	v3 =	vsub.f32 $0.0e+00, v6  }
0x187: {  	[tilespmem:v4+s1+$0x0] =	vst.idx.add.f32.msk vm8, v5  }
0x188: {  	[tilespmem:v2+s1+$0x0] =	vst.idx.add.f32.msk vm2, v3  }
0x189: {  	v2 =	vld [tilespmem:s12+$0xFFFFFFE0]  }
0x18a: {  	v3 =	vld [tilespmem:s12+$0xFFFFFFD0]  }
0x18b: {  	v4 =	vld [tilespmem:s12+$0xFFFFFFC0]  }
0x18c: {  	v5 =	vld [tilespmem:s12+$0xFFFFFFB0]  }
0x18d: {  	v6 =	vld [tilespmem:s12+$0xFFFFFFA0]  }
0x18e: {  	v7 =	vld.idx.msk [tilespmem:v16+s31+$0x0], $0xffff  }
0x18f: {  	v9 =	vld.idx.msk [tilespmem:v17+s31+$0x0], $0xffff  }
0x190: {  	v11 =	vld.idx.msk [tilespmem:v11+s31+$0x0], $0xffff  }
0x191: {  	v12 =	vld.idx.msk [tilespmem:v2+s31+$0x0], $0xffff  }
0x192: {  	v13 =	vld.idx.msk [tilespmem:v3+s31+$0x0], $0xffff  }
0x193: {  	v16 =	vld.idx.msk [tilespmem:v4+s31+$0x0], $0xffff  }
0x194: {  	v8 =	vld.idx.msk [tilespmem:v5+s31+$0x0], $0xffff;
	(xrf2) =	vadd.scan.msk.f32 $0xffff, v7  }
0x195: {  	v6 =	vld.idx.msk [tilespmem:v6+s31+$0x0], $0xffff  }
0x196: {  	v17 =	vld [tilespmem:s13+$0x0]  }
0x197: {  	v18 =	vld [tilespmem:s13+$0xFFFFFFFF];
	(xrf2) =	vadd.scan.msk.f32 $0xffff, v9  }
0x198: {  	v2 =	vld [tilespmem:s13+$0xFFFFFFA0]  }
0x199: {  	v10 =	vld [tilespmem:s13+$0xFFFFFFF0]  }
0x19a: {  	vm2 =	vmor vm3, vm0;
	v19 =	vld [tilespmem:s13+$0xFFFFFFEF]  }
0x19b: {  	v3 =	vld [tilespmem:s13+$0xFFFFFF9F];
	(xrf2) =	vadd.scan.msk.f32 $0xffff, v11  }
0x19c: {  	vm3 =	vmand vm3, vm1;
	v4 =	vld [tilespmem:s13+$0xFFFFFFB0];
	vm4 =	vne.s32 v18, v17  }
0x19d: {  	v7 =	vld [tilespmem:s13+$0xFFFFFFD0];
	vm6 =	vmor vm4, vm0  }
0x19e: {  	vm7 =	vmand vm4, vm1;
	v11 =	vld [tilespmem:s13+$0xFFFFFFCF];
	v9, _, _ =	vpop (xrf2)  }
0x19f: {  	v5 =	vld [tilespmem:s13+$0xFFFFFFC0];
	vm4 =	vne.s32 v19, v10;
	(xrf2) =	vadd.scan.msk.f32 $0xffff, v13  }
0x1a0: {  	v13 =	vsub.f32 $0.0e+00, v9;
	[tilespmem:v15+s1+$0x0] =	vst.idx.add.f32.msk vm2, v9;
	vm2 =	vne.s32 v3, v2;
	vm8 =	vmor vm4, vm0  }
0x1a1: {  	v9 =	vld [tilespmem:s13+$0xFFFFFFE0];
	v15, _, _ =	vpop (xrf2)  }
0x1a2: {  	vm5 =	vmand vm4, vm1;
	[tilespmem:v14+s1+$0x0] =	vst.idx.add.f32.msk vm3, v13;
	v1 =	vsub.f32 $0.0e+00, v15;
	(xrf2) =	vadd.scan.msk.f32 $0xffff, v12  }
.Ltmp3:
0x1a3: {  	vm4 =	vne.s32 v11, v7;
	[tilespmem:v18+s1+$0x0] =	vst.idx.add.f32.msk vm6, v15;
	(pc) =	sbr.rel @p1 .LBB2_8-.Ltmp3, $4  }
0x1a4: {  	vm3 =	vmor vm4, vm0;
	[tilespmem:v17+s1+$0x0] =	vst.idx.add.f32.msk vm7, v1  }
0x1a5: {  	v12 =	vld [tilespmem:s13+$0xFFFFFFDF];
	(xrf2) =	vadd.scan.msk.f32 $0xffff, v16;
	v13, _, _ =	vpop (xrf2)  }
0x1a6: {  	[tilespmem:v19+s1+$0x0] =	vst.idx.add.f32.msk vm8, v13;
	v14 =	vsub.f32 $0.0e+00, v13  }
0x1a7: {  	v13 =	vld [tilespmem:s13+$0xFFFFFFBF]  }
0x1a8: {  	_ = 	snop  }
0x1a9: {  	v15 =	vld [tilespmem:s15+$0xFFFFFFAF]  }
0x1aa: {  	(xrf2) =	vadd.scan.msk.f32 $0xffff, v8;
	vm4 =	vmand vm4, vm1;
	vm6 =	vne.s32 v12, v9  }
0x1ab: {  	(xrf2) =	vadd.scan.msk.f32 $0xffff, v6;
	v6, _, _ =	vpop (xrf2);
	vm7 =	vmor vm6, vm0  }
0x1ac: {  	v8 =	vsub.f32 $0.0e+00, v6;
	vm6 =	vmand vm6, vm1;
	vm8 =	vne.s32 v13, v5  }
0x1ad: {  	vm9 =	vmor vm8, vm0  }
0x1ae: {  	[tilespmem:v10+s1+$0x0] =	vst.idx.add.f32.msk vm5, v14;
	vm5 =	vne.s32 v15, v4;
	vm8 =	vmand vm8, vm1  }
0x1af: {  	[tilespmem:v11+s1+$0x0] =	vst.idx.add.f32.msk vm3, v6;
	v6, _, _ =	vpop (xrf2);
	vm3 =	vmor vm5, vm0  }
0x1b0: {  	vm10 =	vmor vm2, vm0;
	[tilespmem:v7+s1+$0x0] =	vst.idx.add.f32.msk vm4, v8;
	v7 =	vsub.f32 $0.0e+00, v6;
	v8, _, _ =	vpop (xrf2)  }
0x1b1: {  	vm4 =	vmand vm5, vm1;
	[tilespmem:v12+s1+$0x0] =	vst.idx.add.f32.msk vm7, v6;
	v6 =	vsub.f32 $0.0e+00, v8  }
0x1b2: {  	vm2 =	vmand vm2, vm1;
	[tilespmem:v9+s1+$0x0] =	vst.idx.add.f32.msk vm6, v7  }
0x1b3: {  	[tilespmem:v13+s1+$0x0] =	vst.idx.add.f32.msk vm9, v8  }
0x1b4: {  	v7, _, _ =	vpop (xrf2);
	[tilespmem:v5+s1+$0x0] =	vst.idx.add.f32.msk vm8, v6  }
0x1b5: {  	[tilespmem:v15+s1+$0x0] =	vst.idx.add.f32.msk vm3, v7;
	v5 =	vsub.f32 $0.0e+00, v7;
	v6, _, _ =	vpop (xrf2)  }
0x1b6: {  	[tilespmem:v3+s1+$0x0] =	vst.idx.add.f32.msk vm10, v6;
	v3 =	vsub.f32 $0.0e+00, v6  }
0x1b7: {  	[tilespmem:v4+s1+$0x0] =	vst.idx.add.f32.msk vm4, v5  }
0x1b8: {  	[tilespmem:v2+s1+$0x0] =	vst.idx.add.f32.msk vm2, v3  }
0x1b9: {  	_ =	swait.ge [sflag:s8], $0x1000  }
0x1ba: {  	[sflag:s8] =	ssyncset.done $0x0  }
0x1bb: {  	[sflag:s8] =	ssyncadd.s32 $0xFFFFF000  }
0x1bc: {  	_ =	swait.ge [sflag:s8], $0x1000  }
0x1bd: {  	[sflag:s8] =	ssyncset.done $0x0  }
0x1be: {  	s12 =	simm.s32 $0x3070;
	[sflag:s8] =	ssyncadd.s32 $0xFFFFF000  }
0x1bf: {  	s13 =	simm.s32 $0x7071;
	v2 =	vld [tilespmem:s12+$0xFFFFFFF0]  }
0x1c0: {  	v9 =	vld [tilespmem:s13+$0xFFFFFF90]  }
0x1c1: {  	v3 =	vld [tilespmem:s12+$0xFFFFFF90]  }
0x1c2: {  	v4 =	vld [tilespmem:s12+$0x0]  }
0x1c3: {  	v5 =	vld [tilespmem:s13+$0xFFFFFF8F]  }
0x1c4: {  	v6 =	vld [tilespmem:s12+$0xFFFFFFE0]  }
0x1c5: {  	v7 =	vld [tilespmem:s12+$0xFFFFFFD0]  }
0x1c6: {  	v8 =	vld [tilespmem:s12+$0xFFFFFFC0]  }
0x1c7: {  	v10 =	vld [tilespmem:s12+$0xFFFFFFB0]  }
0x1c8: {  	v11 =	vld [tilespmem:s12+$0xFFFFFFA0]  }
0x1c9: {  	v3 =	vld.idx.msk [tilespmem:v3+s31+$0x0], $0xffff  }
0x1ca: {  	v16 =	vld [tilespmem:s13+$0x0]  }
0x1cb: {  	v4 =	vld.idx.msk [tilespmem:v4+s31+$0x0], $0xffff  }
0x1cc: {  	v17 =	vld [tilespmem:s13+$0xFFFFFFFF]  }
0x1cd: {  	v18 =	vld [tilespmem:s13+$0xFFFFFFEF]  }
0x1ce: {  	v12 =	vld.idx.msk [tilespmem:v2+s31+$0x0], $0xffff;
	(xrf2) =	vadd.scan.msk.f32 $0xffff, v3  }
0x1cf: {  	v13 =	vld.idx.msk [tilespmem:v6+s31+$0x0], $0xffff  }
0x1d0: {  	v14 =	vld.idx.msk [tilespmem:v7+s31+$0x0], $0xffff;
	(xrf2) =	vadd.scan.msk.f32 $0xffff, v4  }
0x1d1: {  	v15 =	vld.idx.msk [tilespmem:v8+s31+$0x0], $0xffff  }
0x1d2: {  	vm2 =	vne.s32 v5, v9;
	v8 =	vld.idx.msk [tilespmem:v10+s31+$0x0], $0xffff  }
0x1d3: {  	vm3 =	vmor vm2, vm0;
	v10 =	vld [tilespmem:s13+$0xFFFFFFF0]  }
0x1d4: {  	vm4 =	vne.s32 v17, v16;
	v6 =	vld.idx.msk [tilespmem:v11+s31+$0x0], $0xffff;
	(xrf2) =	vadd.scan.msk.f32 $0xffff, v12  }
0x1d5: {  	vm5 =	vmor vm4, vm0;
	v2 =	vld [tilespmem:s13+$0xFFFFFFA0]  }
0x1d6: {  	vm2 =	vmand vm2, vm1;
	v7 =	vld [tilespmem:s13+$0xFFFFFFD0]  }
0x1d7: {  	v11 =	vld [tilespmem:s13+$0xFFFFFFCF]  }
0x1d8: {  	vm4 =	vmand vm4, vm1;
	v3 =	vld [tilespmem:s13+$0xFFFFFF9F];
	vm6 =	vne.s32 v18, v10;
	v12, _, _ =	vpop (xrf2)  }
0x1d9: {  	[tilespmem:v5+s1+$0x0] =	vst.idx.add.f32.msk vm3, v12;
	vm3 =	vmor vm6, vm0  }
0x1da: {  	v4 =	vld [tilespmem:s13+$0xFFFFFFB0];
	v12 =	vsub.f32 $0.0e+00, v12;
	v19, _, _ =	vpop (xrf2);
	(xrf2) =	vadd.scan.msk.f32 $0xffff, v14  }
0x1db: {  	[tilespmem:v17+s1+$0x0] =	vst.idx.add.f32.msk vm5, v19  }
0x1dc: {  	[tilespmem:v9+s1+$0x0] =	vst.idx.add.f32.msk vm2, v12;
	v12 =	vsub.f32 $0.0e+00, v19  }
0x1dd: {  	(xrf2) =	vadd.scan.msk.f32 $0xffff, v13;
	vm5 =	vmand vm6, vm1;
	v9 =	vld [tilespmem:s13+$0xFFFFFFE0]  }
0x1de: {  	v14, _, _ =	vpop (xrf2);
	[tilespmem:v16+s1+$0x0] =	vst.idx.add.f32.msk vm4, v12;
	vm4 =	vne.s32 v11, v7  }
0x1df: {  	[tilespmem:v18+s1+$0x0] =	vst.idx.add.f32.msk vm3, v14;
	vm3 =	vmor vm4, vm0  }
0x1e0: {  	(xrf2) =	vadd.scan.msk.f32 $0xffff, v15;
	v12 =	vld [tilespmem:s13+$0xFFFFFFDF]  }
0x1e1: {  	v5 =	vld [tilespmem:s13+$0xFFFFFFC0];
	v14 =	vsub.f32 $0.0e+00, v14  }
0x1e2: {  	s14 =	simm.s32 $0x0;
	s15 =	simm.s32 $0x7071;
	v13 =	vld [tilespmem:s13+$0xFFFFFFBF];
	vm2 =	vne.s32 v3, v2  }
.LBB2_10:
0x1e3: {  	s14 =	sadd.s32 $0x8, s14;
	[tilespmem:v10+s1+$0x0] =	vst.idx.add.f32.msk vm5, v14;
	s12 =	sadd.s32 $0x80, s12;
	s13 =	sadd.s32 $0x80, s13;
	(xrf2) =	vadd.scan.msk.f32 $0xffff, v8  }
0x1e4: {  	p1 =	slt.u32 s14, $0xF8;
	v8 =	vld [tilespmem:s15+$0xFFFFFFAF];
	v10, _, _ =	vpop (xrf2);
	s15 =	smov.u32 s13  }
0x1e5: {  	[tilespmem:v11+s1+$0x0] =	vst.idx.add.f32.msk vm3, v10;
	vm3 =	vmand vm4, vm1;
	vm4 =	vne.s32 v12, v9  }
0x1e6: {  	v11 =	vld [tilespmem:s12+$0xFFFFFFF0];
	vm5 =	vmor vm4, vm0;
	(xrf2) =	vadd.scan.msk.f32 $0xffff, v6  }
0x1e7: {  	vm4 =	vmand vm4, vm1;
	v14 =	vld [tilespmem:s13+$0xFFFFFF90];
	vm6 =	vne.s32 v13, v5;
	v6, _, _ =	vpop (xrf2)  }
0x1e8: {  	v10 =	vsub.f32 $0.0e+00, v10;
	v15 =	vld [tilespmem:s13+$0xFFFFFF8F];
	vm7 =	vmor vm6, vm0  }
0x1e9: {  	vm6 =	vmand vm6, vm1;
	v16 =	vld [tilespmem:s12+$0xFFFFFF90];
	vm8 =	vne.s32 v8, v4  }
0x1ea: {  	v17 =	vld [tilespmem:s12+$0x0];
	vm9 =	vmor vm8, vm0;
	v18, _, _ =	vpop (xrf2)  }
0x1eb: {  	vm10 =	vmor vm2, vm0;
	v1 =	vsub.f32 $0.0e+00, v6;
	[tilespmem:v7+s1+$0x0] =	vst.idx.add.f32.msk vm3, v10  }
0x1ec: {  	vm8 =	vmand vm8, vm1;
	[tilespmem:v12+s1+$0x0] =	vst.idx.add.f32.msk vm5, v6  }
0x1ed: {  	vm2 =	vmand vm2, vm1;
	v10 =	vsub.f32 $0.0e+00, v18;
	vm3 =	vne.s32 v15, v14;
	[tilespmem:v9+s1+$0x0] =	vst.idx.add.f32.msk vm4, v1;
	v7, _, _ =	vpop (xrf2)  }
0x1ee: {  	[tilespmem:v13+s1+$0x0] =	vst.idx.add.f32.msk vm7, v18  }
0x1ef: {  	[tilespmem:v5+s1+$0x0] =	vst.idx.add.f32.msk vm6, v10  }
0x1f0: {  	v5 =	vsub.f32 $0.0e+00, v7;
	[tilespmem:v8+s1+$0x0] =	vst.idx.add.f32.msk vm9, v7;
	v6, _, _ =	vpop (xrf2)  }
0x1f1: {  	[tilespmem:v3+s1+$0x0] =	vst.idx.add.f32.msk vm10, v6;
	v3 =	vsub.f32 $0.0e+00, v6  }
0x1f2: {  	[tilespmem:v4+s1+$0x0] =	vst.idx.add.f32.msk vm8, v5  }
0x1f3: {  	[tilespmem:v2+s1+$0x0] =	vst.idx.add.f32.msk vm2, v3  }
0x1f4: {  	v2 =	vld [tilespmem:s12+$0xFFFFFFE0]  }
0x1f5: {  	v3 =	vld [tilespmem:s12+$0xFFFFFFD0]  }
0x1f6: {  	v4 =	vld [tilespmem:s12+$0xFFFFFFC0]  }
0x1f7: {  	v5 =	vld [tilespmem:s12+$0xFFFFFFB0]  }
0x1f8: {  	v6 =	vld [tilespmem:s12+$0xFFFFFFA0]  }
0x1f9: {  	v7 =	vld.idx.msk [tilespmem:v16+s31+$0x0], $0xffff  }
0x1fa: {  	v9 =	vld.idx.msk [tilespmem:v17+s31+$0x0], $0xffff  }
0x1fb: {  	v11 =	vld.idx.msk [tilespmem:v11+s31+$0x0], $0xffff  }
0x1fc: {  	v12 =	vld.idx.msk [tilespmem:v2+s31+$0x0], $0xffff  }
0x1fd: {  	v13 =	vld.idx.msk [tilespmem:v3+s31+$0x0], $0xffff  }
0x1fe: {  	v16 =	vld.idx.msk [tilespmem:v4+s31+$0x0], $0xffff  }
0x1ff: {  	v8 =	vld.idx.msk [tilespmem:v5+s31+$0x0], $0xffff;
	(xrf2) =	vadd.scan.msk.f32 $0xffff, v7  }
0x200: {  	v6 =	vld.idx.msk [tilespmem:v6+s31+$0x0], $0xffff  }
0x201: {  	v17 =	vld [tilespmem:s13+$0x0]  }
0x202: {  	v18 =	vld [tilespmem:s13+$0xFFFFFFFF];
	(xrf2) =	vadd.scan.msk.f32 $0xffff, v9  }
0x203: {  	v2 =	vld [tilespmem:s13+$0xFFFFFFA0]  }
0x204: {  	v10 =	vld [tilespmem:s13+$0xFFFFFFF0]  }
0x205: {  	vm2 =	vmor vm3, vm0;
	v19 =	vld [tilespmem:s13+$0xFFFFFFEF]  }
0x206: {  	v3 =	vld [tilespmem:s13+$0xFFFFFF9F];
	(xrf2) =	vadd.scan.msk.f32 $0xffff, v11  }
0x207: {  	vm3 =	vmand vm3, vm1;
	v4 =	vld [tilespmem:s13+$0xFFFFFFB0];
	vm4 =	vne.s32 v18, v17  }
0x208: {  	v7 =	vld [tilespmem:s13+$0xFFFFFFD0];
	vm6 =	vmor vm4, vm0  }
0x209: {  	vm7 =	vmand vm4, vm1;
	v11 =	vld [tilespmem:s13+$0xFFFFFFCF];
	v9, _, _ =	vpop (xrf2)  }
0x20a: {  	v5 =	vld [tilespmem:s13+$0xFFFFFFC0];
	vm4 =	vne.s32 v19, v10;
	(xrf2) =	vadd.scan.msk.f32 $0xffff, v13  }
0x20b: {  	v13 =	vsub.f32 $0.0e+00, v9;
	[tilespmem:v15+s1+$0x0] =	vst.idx.add.f32.msk vm2, v9;
	vm2 =	vne.s32 v3, v2;
	vm8 =	vmor vm4, vm0  }
0x20c: {  	v9 =	vld [tilespmem:s13+$0xFFFFFFE0];
	v15, _, _ =	vpop (xrf2)  }
0x20d: {  	vm5 =	vmand vm4, vm1;
	[tilespmem:v14+s1+$0x0] =	vst.idx.add.f32.msk vm3, v13;
	v1 =	vsub.f32 $0.0e+00, v15;
	(xrf2) =	vadd.scan.msk.f32 $0xffff, v12  }
.Ltmp4:
0x20e: {  	vm4 =	vne.s32 v11, v7;
	[tilespmem:v18+s1+$0x0] =	vst.idx.add.f32.msk vm6, v15;
	(pc) =	sbr.rel @p1 .LBB2_10-.Ltmp4, $4  }
0x20f: {  	vm3 =	vmor vm4, vm0;
	[tilespmem:v17+s1+$0x0] =	vst.idx.add.f32.msk vm7, v1  }
0x210: {  	v12 =	vld [tilespmem:s13+$0xFFFFFFDF];
	(xrf2) =	vadd.scan.msk.f32 $0xffff, v16;
	v13, _, _ =	vpop (xrf2)  }
0x211: {  	[tilespmem:v19+s1+$0x0] =	vst.idx.add.f32.msk vm8, v13;
	v14 =	vsub.f32 $0.0e+00, v13  }
0x212: {  	v13 =	vld [tilespmem:s13+$0xFFFFFFBF]  }
0x213: {  	_ = 	snop  }
0x214: {  	v15 =	vld [tilespmem:s15+$0xFFFFFFAF]  }
0x215: {  	(xrf2) =	vadd.scan.msk.f32 $0xffff, v8;
	vm4 =	vmand vm4, vm1;
	vm6 =	vne.s32 v12, v9  }
0x216: {  	(xrf2) =	vadd.scan.msk.f32 $0xffff, v6;
	vm7 =	vmor vm6, vm0  }
0x217: {  	vm6 =	vmand vm6, vm1;
	vm8 =	vne.s32 v13, v5  }
0x218: {  	v55, _, _ =	vpop (xrf2);
	vm9 =	vmor vm8, vm0  }
0x219: {  	[tilespmem:v10+s1+$0x0] =	vst.idx.add.f32.msk vm5, v14;
	v56 =	vsub.f32 $0.0e+00, v55;
	vm14 =	vne.s32 v15, v4;
	vm8 =	vmand vm8, vm1  }
0x21a: {  	[tilespmem:v11+s1+$0x0] =	vst.idx.add.f32.msk vm3, v55;
	v57, _, _ =	vpop (xrf2);
	vm3 =	vmor vm14, vm0  }
0x21b: {  	vm10 =	vmor vm2, vm0;
	v58 =	vsub.f32 $0.0e+00, v57;
	[tilespmem:v7+s1+$0x0] =	vst.idx.add.f32.msk vm4, v56  }
0x21c: {  	vm15 =	vmand vm14, vm1;
	v59, _, _ =	vpop (xrf2);
	[tilespmem:v12+s1+$0x0] =	vst.idx.add.f32.msk vm7, v57  }
0x21d: {  	vm2 =	vmand vm2, vm1;
	v60 =	vsub.f32 $0.0e+00, v59;
	[tilespmem:v9+s1+$0x0] =	vst.idx.add.f32.msk vm6, v58  }
0x21e: {  	[tilespmem:v13+s1+$0x0] =	vst.idx.add.f32.msk vm9, v59  }
0x21f: {  	v61, _, _ =	vpop (xrf2);
	[tilespmem:v5+s1+$0x0] =	vst.idx.add.f32.msk vm8, v60  }
0x220: {  	v62 =	vsub.f32 $0.0e+00, v61;
	v63, _, _ =	vpop (xrf2);
	[tilespmem:v15+s1+$0x0] =	vst.idx.add.f32.msk vm3, v61  }
0x221: {  	[tilespmem:v3+s1+$0x0] =	vst.idx.add.f32.msk vm10, v63;
	v3 =	vsub.f32 $0.0e+00, v63  }
0x222: {  	[tilespmem:v4+s1+$0x0] =	vst.idx.add.f32.msk vm15, v62  }
0x223: {  	[tilespmem:v2+s1+$0x0] =	vst.idx.add.f32.msk vm2, v3  }
0x224: {  	_ =	swait.ge [sflag:s9], $0x4000  }
0x225: {  	[sflag:s9] =	ssyncset.done $0x0  }
0x226: {  	[sflag:s9] =	ssyncadd.s32 $0xFFFFC000  }
0x227: {  	_ =	swait.ge [sflag:s9], $0x4000  }
0x228: {  	[sflag:s9] =	ssyncset.done $0x0  }
0x229: {  	[sflag:s9] =	ssyncadd.s32 $0xFFFFC000  }
0x22a: {  	v2 =	vld [tilespmem:$0xC080]  }
0x22b: {  	v3 =	vld [tilespmem:$0x10070];
	_ =	sdelay $0x3  }
0x22c: {  	(v2sf) =	vpush v2, $0x0  }
0x22d: {  	(v2sf) =	vpush v3, $0xF;
	_ =	sdelay $0xd  }
0x22e: {  	s12 =	spop (v2sf)  }
0x22f: {  	s13 =	spop (v2sf);
	p1 =	sge.s32 s12, s5  }
0x230: {  	p2 =	slt.s32 @!p1 s13, s4  }
0x231: {  	p1 =	por p1, p2  }
.Ltmp5:
0x232: {  	_ = 	snop;
	(pc) =	sbr.rel @p1 .LBB2_23-.Ltmp5, $2  }
0x233: {  	_ =	sdelay $0x2  }
0x234: {  	s14 =	simm.s32 $0x400;
	s12 =	simm.s32 $0x0;
	s13 =	simm.s32 $0xB  }
0x235: {  	s18 =	sadd.s32 s12, s14  }
0x236: {  	s15 =	sadd.s32 $0xFFFFFFFF, s13;
	s13 =	simm.s32 $0x0;
	s16 =	simm.s32 $0x400  }
.LBB2_13:
0x237: {  	s19 =	smov.u32 s16  }
0x238: {  	p1 =	sne.s32 s15, $0x1;
	s16 =	sand.u32 $0x1, s18  }
0x239: {  	p2 =	slt.s32 s18, $0x1;
	p3 =	seq.s32 s16, $0x1  }
0x23a: {  	s16 =	sshrl.u32 s18, $0x1F;
	p2 =	por !p2, !p3  }
0x23b: {  	s16 =	sadd.s32 s16, s18;
	s18 =	simm.s32 $0x1;
	p2 =	por !p2, !p2  }
0x23c: {  	s16 =	sshra.s32 s16, $0x1;
	s18 =	simm.s32 @!p2 $0x0  }
0x23d: {  	s16 =	ssub.s32 s16, s18  }
0x23e: {  	s18 =	sshll.u32 s16, $0x6  }
0x23f: {  	s18 =	sshra.s32 s18, $0x2  }
0x240: {  	v2 =	vld [tilespmem:s18+$0xC080];
	_ =	sdelay $0x4  }
0x241: {  	(v2sf) =	vpush v2, $0x0;
	_ =	sdelay $0xd  }
.Ltmp6:
0x242: {  	(pc) =	sbr.rel @p1 .LBB2_13-.Ltmp6, $4  }
0x243: {  	s18 =	spop (v2sf)  }
0x244: {  	p2 =	slt.s32 s18, s4;
	s18 =	sadd.s32 $0x1, s16  }
0x245: {  	s13 =	smov.u32 @p2 s18;
	s16 =	smov.u32 @p2 s19  }
0x246: {  	s15 =	sadd.s32 $0xFFFFFFFF, s15;
	s18 =	sadd.s32 s13, s16  }
0x247: {  	s15 =	sand.u32 $0x1, s18  }
0x248: {  	p1 =	slt.s32 s18, $0x1;
	p2 =	seq.s32 s15, $0x1  }
0x249: {  	s16 =	sshrl.u32 s18, $0x1F;
	p1 =	por !p1, !p2  }
0x24a: {  	s15 =	sadd.s32 s16, s18;
	s16 =	simm.s32 $0x1;
	p1 =	por !p1, !p1  }
0x24b: {  	s15 =	sshra.s32 s15, $0x1;
	s16 =	simm.s32 @!p1 $0x0  }
0x24c: {  	s15 =	ssub.s32 s15, s16  }
0x24d: {  	s16 =	sshll.u32 s15, $0x6  }
0x24e: {  	s16 =	sshra.s32 s16, $0x2  }
0x24f: {  	v2 =	vld [tilespmem:s16+$0xC080];
	_ =	sdelay $0x4  }
0x250: {  	(v2sf) =	vpush v2, $0x0;
	_ =	sdelay $0xe  }
0x251: {  	s19 =	spop (v2sf)  }
0x252: {  	s15 =	sadd.s32 $0x1, s15;
	p1 =	slt.s32 s19, s4  }
0x253: {  	s16 =	simm.s32 $0x400;
	s13 =	smov.u32 @p1 s15;
	s15 =	simm.s32 $0xA  }
.LBB2_15:
0x254: {  	s18 =	smov.u32 s14  }
0x255: {  	p1 =	sne.s32 s15, $0x1;
	s14 =	sand.u32 $0x1, s16  }
0x256: {  	p2 =	slt.s32 s16, $0x1;
	p3 =	seq.s32 s14, $0x1  }
0x257: {  	s14 =	sshrl.u32 s16, $0x1F;
	p2 =	por !p2, !p3  }
0x258: {  	s14 =	sadd.s32 s14, s16;
	s16 =	simm.s32 $0x1;
	p2 =	por !p2, !p2  }
0x259: {  	s14 =	sshra.s32 s14, $0x1;
	s16 =	simm.s32 @!p2 $0x0  }
0x25a: {  	s14 =	ssub.s32 s14, s16  }
0x25b: {  	s16 =	sshll.u32 s14, $0x6  }
0x25c: {  	s16 =	sshra.s32 s16, $0x2  }
0x25d: {  	v2 =	vld [tilespmem:s16+$0xC080];
	_ =	sdelay $0x4  }
0x25e: {  	(v2sf) =	vpush v2, $0x0;
	_ =	sdelay $0xd  }
.Ltmp7:
0x25f: {  	(pc) =	sbr.rel @p1 .LBB2_15-.Ltmp7, $4  }
0x260: {  	s16 =	spop (v2sf)  }
0x261: {  	p2 =	slt.s32 s16, s5;
	s16 =	sadd.s32 $0x1, s14  }
0x262: {  	s12 =	smov.u32 @p2 s16;
	s14 =	smov.u32 @p2 s18  }
0x263: {  	s15 =	sadd.s32 $0xFFFFFFFF, s15;
	s16 =	sadd.s32 s12, s14  }
0x264: {  	s14 =	sand.u32 $0x1, s16  }
0x265: {  	p1 =	slt.s32 s16, $0x1;
	p2 =	seq.s32 s14, $0x1  }
0x266: {  	s18 =	sshrl.u32 s16, $0x1F;
	p1 =	por !p1, !p2  }
0x267: {  	s15 =	simm.s32 $0x1;
	s14 =	sadd.s32 s18, s16;
	p1 =	por !p1, !p1  }
0x268: {  	s14 =	sshra.s32 s14, $0x1;
	s15 =	simm.s32 @!p1 $0x0  }
0x269: {  	s14 =	ssub.s32 s14, s15  }
0x26a: {  	s15 =	sshll.u32 s14, $0x6  }
0x26b: {  	s15 =	sshra.s32 s15, $0x2  }
0x26c: {  	v2 =	vld [tilespmem:s15+$0xC080];
	_ =	sdelay $0x4  }
0x26d: {  	(v2sf) =	vpush v2, $0x0;
	_ =	sdelay $0xe  }
0x26e: {  	s19 =	spop (v2sf)  }
0x26f: {  	s14 =	sadd.s32 $0x1, s14;
	p1 =	slt.s32 s19, s5  }
0x270: {  	s12 =	smov.u32 @p1 s14  }
0x271: {  	p1 =	sgt.s32 s13, $0x1;
	p2 =	slt.s32 s12, $0x3FF  }
0x272: {  	s13 =	simm.s32 @!p1 $0x1;
	s12 =	simm.s32 @!p2 $0x3FF  }
0x273: {  	s13 =	sadd.s32 $0xFFFFFFFF, s13;
	s12 =	sadd.s32 $0x1, s12  }
0x274: {  	s13 =	simm.s32 @p0 $0x0;
	s12 =	simm.s32 @!p0 $0x400  }
0x275: {  	p1 =	sle.s32 s12, s13  }
.Ltmp8:
0x276: {  	_ = 	snop;
	(pc) =	sbr.rel @p1 .LBB2_23-.Ltmp8, $1  }
0x277: {  	_ =	sdelay $0x3  }
0x278: {  	s15 =	ssub.s32 s12, s13  }
0x279: {  	p2 =	sne.s32 s15, $0x1  }
.Ltmp9:
0x27a: {  	_ = 	snop;
	(pc) =	sbr.rel @!p2 .LBB2_18-.Ltmp9, $4  }
0x27b: {  	s14 =	sshll.u32 s13, $0x6  }
0x27c: {  	s19 =	sshra.s32 s14, $0x2  }
0x27d: {  	s13 =	sadd.s32 $0x8080, s19  }
0x27e: {  	p1 =	por $0x0, $0x0;
	s15 =	sadd.s32 $0xFFFFFFFF, s15;
	s12 =	sadd.s32 $0xC081, s19;
	v2 =	vld [tilespmem:s13+$0x0]  }
0x27f: {  	_ =	sdelay $0x7  }
0x280: {  	v2 =	vld.idx.msk [tilespmem:v2+s31+$0x0], $0xffff;
	_ =	sdelay $0x3  }
0x281: {  	v3 =	vld [tilespmem:s12+$0x0]  }
0x282: {  	v4 =	vld [tilespmem:s12+$0xFFFFFFFF];
	(xrf2) =	vadd.scan.msk.f32 $0xffff, v2;
	_ =	sdelay $0x4  }
0x283: {  	vm2 =	vne.s32 v4, v3  }
0x284: {  	vm3 =	vmor vm2, vm0  }
0x285: {  	vm2 =	vmand vm2, vm1;
	_ =	sdelay $0x1  }
0x286: {  	p2 =	sne.s32 s15, $0x1  }
.Ltmp10:
0x287: {  	v2, _, _ =	vpop (xrf2);
	(pc) =	sbr.rel @!p2 .LBB2_20-.Ltmp10, $4  }
0x288: {  	v5 =	vsub.f32 $0.0e+00, v2  }
0x289: {  	[tilespmem:v4+s1+$0x0] =	vst.idx.add.f32.msk vm3, v2  }
0x28a: {  	s14 =	sadd.s32 $0x10, s13;
	[tilespmem:v3+s1+$0x0] =	vst.idx.add.f32.msk vm2, v5  }
0x28b: {  	s15 =	sadd.s32 $0xFFFFFFFF, s15;
	p1 =	por $0x1, $0x1;
	s13 =	smov.u32 s12;
	v2 =	vld [tilespmem:s14+$0x0]  }
.LBB2_21:
0x28c: {  	p2 =	sne.s32 s15, $0x1;
	_ =	sdelay $0x6  }
0x28d: {  	v2 =	vld.idx.msk [tilespmem:v2+s31+$0x0], $0xffff;
	_ =	sdelay $0x3  }
0x28e: {  	s13 =	sadd.s32 $0x10, s13  }
0x28f: {  	v3 =	vld [tilespmem:s13+$0x0]  }
0x290: {  	v4 =	vld [tilespmem:s13+$0xFFFFFFFF];
	(xrf2) =	vadd.scan.msk.f32 $0xffff, v2;
	_ =	sdelay $0x4  }
0x291: {  	vm2 =	vne.s32 v4, v3  }
0x292: {  	vm3 =	vmor vm2, vm0  }
0x293: {  	vm2 =	vmand vm2, vm1;
	_ =	sdelay $0x2  }
.Ltmp11:
0x294: {  	v2, _, _ =	vpop (xrf2);
	(pc) =	sbr.rel @p2 .LBB2_21-.Ltmp11, $4  }
0x295: {  	v5 =	vsub.f32 $0.0e+00, v2  }
0x296: {  	[tilespmem:v4+s1+$0x0] =	vst.idx.add.f32.msk vm3, v2  }
0x297: {  	s14 =	sadd.s32 $0x10, s14;
	[tilespmem:v3+s1+$0x0] =	vst.idx.add.f32.msk vm2, v5  }
0x298: {  	s15 =	sadd.s32 $0xFFFFFFFF, s15;
	v2 =	vld [tilespmem:s14+$0x0]  }
.LBB2_22:
0x299: {  	_ =	sdelay $0x7  }
0x29a: {  	v2 =	vld.idx.msk [tilespmem:v2+s31+$0x0], $0xffff;
	_ =	sdelay $0x1  }
0x29b: {  	s13 =	sadd.s32 @p1 $0x10, s13  }
0x29c: {  	s12 =	smov.u32 @p1 s13  }
0x29d: {  	v3 =	vld [tilespmem:s12+$0x0]  }
0x29e: {  	v4 =	vld [tilespmem:s12+$0xFFFFFFFF];
	(xrf2) =	vadd.scan.msk.f32 $0xffff, v2;
	_ =	sdelay $0x4  }
0x29f: {  	vm2 =	vne.s32 v4, v3  }
0x2a0: {  	vm3 =	vmor vm2, vm0  }
0x2a1: {  	vm2 =	vmand vm2, vm1;
	_ =	sdelay $0x2  }
0x2a2: {  	v2, _, _ =	vpop (xrf2)  }
0x2a3: {  	v5 =	vsub.f32 $0.0e+00, v2  }
0x2a4: {  	[tilespmem:v4+s1+$0x0] =	vst.idx.add.f32.msk vm3, v2  }
0x2a5: {  	[tilespmem:v3+s1+$0x0] =	vst.idx.add.f32.msk vm2, v5  }
.LBB2_23:
0x2a6: {  	s12 =	rddreg [dreg:$0x10]  }
0x2a7: {  	s13 =	rddreg [dreg:$0x11];
	s14 =	simm.s32 $0x80;
	s15 =	simm.s32 $0x400  }
0x2a8: {  	[spmem:s12] =	stream.strided.scatter [tilespmem:s13], [sflag:$0x7], $0x2000, s15, s14, $0x38;
	[tilespmem:$0x18380] =	vst v63  }
0x2a9: {  	_ =	swait.ge [sflag:s10], $0x2000  }
0x2aa: {  	[sflag:s10] =	ssyncset.done $0x0  }
0x2ab: {  	[sflag:s10] =	ssyncadd.s32 $0xFFFFE000  }
0x2ac: {  	[bflag:$0x0] =	sbarrier.arrive $0xFFFF  }
0x2ad: {  	s16 =	simm.s32 $0x14180;
	s18 =	sld [smem:$0x7D8]  }
0x2ae: {  	[tilespmem:s16], [sflag:$0x1] =	stream.linear.gather [spmem:s17], $0x80, $0x38;
	[tilespmem:$0x18380] =	vst v63  }
0x2af: {  	s19 =	simm.s32 $0x14580;
	s13 =	sld [smem:$0x7D9]  }
0x2b0: {  	[tilespmem:s19], [sflag:$0x1] =	stream.linear.gather [spmem:s18], $0x80, $0x38;
	[tilespmem:$0x18380] =	vst v63  }
0x2b1: {  	s14 =	simm.s32 $0x14980;
	s15 =	sld [smem:$0x7DA]  }
0x2b2: {  	[tilespmem:s14], [sflag:$0x1] =	stream.linear.gather [spmem:s13], $0x80, $0x38;
	[tilespmem:$0x18380] =	vst v63  }
0x2b3: {  	s16 =	simm.s32 $0x14D80;
	s18 =	rddreg [dreg:$0x12]  }
0x2b4: {  	[tilespmem:s16], [sflag:$0x1] =	stream.linear.gather [spmem:s15], $0x80, $0x38;
	[tilespmem:$0x18380] =	vst v63  }
0x2b5: {  	s19 =	simm.s32 $0x14200;
	s13 =	sld [smem:$0x7DB]  }
0x2b6: {  	[tilespmem:s19], [sflag:$0x1] =	stream.linear.gather [spmem:s18], $0x80, $0x38;
	[tilespmem:$0x18380] =	vst v63  }
0x2b7: {  	s14 =	simm.s32 $0x14600;
	s15 =	sld [smem:$0x7DC]  }
0x2b8: {  	[tilespmem:s14], [sflag:$0x1] =	stream.linear.gather [spmem:s13], $0x80, $0x38;
	[tilespmem:$0x18380] =	vst v63  }
0x2b9: {  	s16 =	simm.s32 $0x14A00;
	s18 =	sld [smem:$0x7DD]  }
0x2ba: {  	[tilespmem:s16], [sflag:$0x1] =	stream.linear.gather [spmem:s15], $0x80, $0x38;
	[tilespmem:$0x18380] =	vst v63  }
0x2bb: {  	s19 =	simm.s32 $0x14E00;
	s13 =	rddreg [dreg:$0x13]  }
0x2bc: {  	[tilespmem:s19], [sflag:$0x1] =	stream.linear.gather [spmem:s18], $0x80, $0x38;
	[tilespmem:$0x18380] =	vst v63  }
0x2bd: {  	s14 =	simm.s32 $0x14280;
	s15 =	sld [smem:$0x7DE]  }
0x2be: {  	[tilespmem:s14], [sflag:$0x1] =	stream.linear.gather [spmem:s13], $0x80, $0x38;
	[tilespmem:$0x18380] =	vst v63  }
0x2bf: {  	s16 =	simm.s32 $0x14680;
	s18 =	sld [smem:$0x7DF]  }
0x2c0: {  	[tilespmem:s16], [sflag:$0x1] =	stream.linear.gather [spmem:s15], $0x80, $0x38;
	[tilespmem:$0x18380] =	vst v63  }
0x2c1: {  	s19 =	simm.s32 $0x14A80;
	s13 =	sld [smem:$0x7E0]  }
0x2c2: {  	[tilespmem:s19], [sflag:$0x1] =	stream.linear.gather [spmem:s18], $0x80, $0x38;
	[tilespmem:$0x18380] =	vst v63  }
0x2c3: {  	s14 =	simm.s32 $0x14E80;
	s15 =	rddreg [dreg:$0x14]  }
0x2c4: {  	[tilespmem:s14], [sflag:$0x1] =	stream.linear.gather [spmem:s13], $0x80, $0x38;
	[tilespmem:$0x18380] =	vst v63  }
0x2c5: {  	s16 =	simm.s32 $0x14300;
	s18 =	sld [smem:$0x7E1]  }
0x2c6: {  	[tilespmem:s16], [sflag:$0x1] =	stream.linear.gather [spmem:s15], $0x80, $0x38;
	[tilespmem:$0x18380] =	vst v63  }
0x2c7: {  	s19 =	simm.s32 $0x14700;
	s13 =	sld [smem:$0x7E2]  }
0x2c8: {  	[tilespmem:s19], [sflag:$0x1] =	stream.linear.gather [spmem:s18], $0x80, $0x38;
	[tilespmem:$0x18380] =	vst v63  }
0x2c9: {  	s14 =	simm.s32 $0x14B00;
	s15 =	sld [smem:$0x7E3]  }
0x2ca: {  	[tilespmem:s14], [sflag:$0x1] =	stream.linear.gather [spmem:s13], $0x80, $0x38;
	[tilespmem:$0x18380] =	vst v63  }
0x2cb: {  	s16 =	simm.s32 $0x14F00;
	s18 =	rddreg [dreg:$0x16]  }
0x2cc: {  	[tilespmem:s16], [sflag:$0x1] =	stream.linear.gather [spmem:s15], $0x80, $0x38;
	[tilespmem:$0x18380] =	vst v63  }
0x2cd: {  	s19 =	simm.s32 $0x14380;
	s13 =	sld [smem:$0x7E4]  }
0x2ce: {  	[tilespmem:s19], [sflag:$0x1] =	stream.linear.gather [spmem:s18], $0x80, $0x38;
	[tilespmem:$0x18380] =	vst v63  }
0x2cf: {  	s14 =	simm.s32 $0x14780;
	s15 =	sld [smem:$0x7E5]  }
0x2d0: {  	[tilespmem:s14], [sflag:$0x1] =	stream.linear.gather [spmem:s13], $0x80, $0x38;
	[tilespmem:$0x18380] =	vst v63  }
0x2d1: {  	s16 =	simm.s32 $0x14B80;
	s18 =	sld [smem:$0x7E6]  }
0x2d2: {  	[tilespmem:s16], [sflag:$0x1] =	stream.linear.gather [spmem:s15], $0x80, $0x38;
	[tilespmem:$0x18380] =	vst v63  }
0x2d3: {  	s19 =	simm.s32 $0x14F80;
	s13 =	rddreg [dreg:$0x17]  }
0x2d4: {  	[tilespmem:s19], [sflag:$0x1] =	stream.linear.gather [spmem:s18], $0x80, $0x38;
	[tilespmem:$0x18380] =	vst v63  }
0x2d5: {  	s14 =	simm.s32 $0x14400;
	s15 =	sld [smem:$0x7E7]  }
0x2d6: {  	[tilespmem:s14], [sflag:$0x1] =	stream.linear.gather [spmem:s13], $0x80, $0x38;
	[tilespmem:$0x18380] =	vst v63  }
0x2d7: {  	s16 =	simm.s32 $0x14800;
	s18 =	sld [smem:$0x7E8]  }
0x2d8: {  	[tilespmem:s16], [sflag:$0x1] =	stream.linear.gather [spmem:s15], $0x80, $0x38;
	[tilespmem:$0x18380] =	vst v63  }
0x2d9: {  	s19 =	simm.s32 $0x14C00;
	s13 =	sld [smem:$0x7E9]  }
0x2da: {  	[tilespmem:s19], [sflag:$0x1] =	stream.linear.gather [spmem:s18], $0x80, $0x38;
	[tilespmem:$0x18380] =	vst v63  }
0x2db: {  	s14 =	simm.s32 $0x15000;
	s15 =	rddreg [dreg:$0x19]  }
0x2dc: {  	[tilespmem:s14], [sflag:$0x1] =	stream.linear.gather [spmem:s13], $0x80, $0x38;
	[tilespmem:$0x18380] =	vst v63  }
0x2dd: {  	s16 =	simm.s32 $0x14480;
	s18 =	sld [smem:$0x7EA]  }
0x2de: {  	[tilespmem:s16], [sflag:$0x1] =	stream.linear.gather [spmem:s15], $0x80, $0x38;
	[tilespmem:$0x18380] =	vst v63  }
0x2df: {  	s19 =	simm.s32 $0x14880;
	s13 =	sld [smem:$0x7EB]  }
0x2e0: {  	[tilespmem:s19], [sflag:$0x1] =	stream.linear.gather [spmem:s18], $0x80, $0x38;
	[tilespmem:$0x18380] =	vst v63  }
0x2e1: {  	s14 =	simm.s32 $0x14C80;
	s15 =	sld [smem:$0x7EC]  }
0x2e2: {  	[tilespmem:s14], [sflag:$0x1] =	stream.linear.gather [spmem:s13], $0x80, $0x38;
	[tilespmem:$0x18380] =	vst v63  }
0x2e3: {  	s16 =	simm.s32 $0x15080;
	s18 =	rddreg [dreg:$0x1a]  }
0x2e4: {  	[tilespmem:s16], [sflag:$0x1] =	stream.linear.gather [spmem:s15], $0x80, $0x38;
	[tilespmem:$0x18380] =	vst v63  }
0x2e5: {  	s19 =	simm.s32 $0x14500;
	s13 =	sld [smem:$0x7ED]  }
0x2e6: {  	[tilespmem:s19], [sflag:$0x1] =	stream.linear.gather [spmem:s18], $0x80, $0x38;
	[tilespmem:$0x18380] =	vst v63  }
0x2e7: {  	s14 =	simm.s32 $0x14900;
	s15 =	sld [smem:$0x7EE]  }
0x2e8: {  	[tilespmem:s14], [sflag:$0x1] =	stream.linear.gather [spmem:s13], $0x80, $0x38;
	[tilespmem:$0x18380] =	vst v63  }
0x2e9: {  	s16 =	simm.s32 $0x14D00;
	s18 =	sld [smem:$0x7EF]  }
0x2ea: {  	[tilespmem:s16], [sflag:$0x1] =	stream.linear.gather [spmem:s15], $0x80, $0x38;
	[tilespmem:$0x18380] =	vst v63  }
0x2eb: {  	s19 =	simm.s32 $0x15100;
	s13 =	rddreg [dreg:$0x1b]  }
0x2ec: {  	[tilespmem:s19], [sflag:$0x1] =	stream.linear.gather [spmem:s18], $0x80, $0x38;
	[tilespmem:$0x18380] =	vst v63  }
0x2ed: {  	s14 =	simm.s32 $0x15180;
	s15 =	sld [smem:$0x7F0]  }
0x2ee: {  	[tilespmem:s14], [sflag:$0x1] =	stream.linear.gather [spmem:s13], $0x80, $0x38;
	[tilespmem:$0x18380] =	vst v63  }
0x2ef: {  	s16 =	simm.s32 $0x15580;
	s18 =	sld [smem:$0x7F1]  }
0x2f0: {  	[tilespmem:s16], [sflag:$0x1] =	stream.linear.gather [spmem:s15], $0x80, $0x38;
	[tilespmem:$0x18380] =	vst v63  }
0x2f1: {  	s19 =	simm.s32 $0x15980;
	s15 =	sld [smem:$0x7F2]  }
0x2f2: {  	[tilespmem:s19], [sflag:$0x1] =	stream.linear.gather [spmem:s18], $0x80, $0x38;
	[tilespmem:$0x18380] =	vst v63  }
0x2f3: {  	s16 =	simm.s32 $0x15D80;
	s18 =	rddreg [dreg:$0x1c]  }
0x2f4: {  	[tilespmem:s16], [sflag:$0x1] =	stream.linear.gather [spmem:s15], $0x80, $0x38;
	[tilespmem:$0x18380] =	vst v63  }
0x2f5: {  	s19 =	simm.s32 $0x15200;
	s15 =	sld [smem:$0x7F3]  }
0x2f6: {  	[tilespmem:s19], [sflag:$0x1] =	stream.linear.gather [spmem:s18], $0x80, $0x38;
	[tilespmem:$0x18380] =	vst v63  }
0x2f7: {  	s16 =	simm.s32 $0x15600;
	s18 =	sld [smem:$0x7F4]  }
0x2f8: {  	[tilespmem:s16], [sflag:$0x1] =	stream.linear.gather [spmem:s15], $0x80, $0x38;
	[tilespmem:$0x18380] =	vst v63  }
0x2f9: {  	s19 =	simm.s32 $0x15A00;
	s15 =	sld [smem:$0x7F5]  }
0x2fa: {  	[tilespmem:s19], [sflag:$0x1] =	stream.linear.gather [spmem:s18], $0x80, $0x38;
	[tilespmem:$0x18380] =	vst v63  }
0x2fb: {  	s16 =	simm.s32 $0x15E00;
	s18 =	rddreg [dreg:$0x1d]  }
0x2fc: {  	[tilespmem:s16], [sflag:$0x1] =	stream.linear.gather [spmem:s15], $0x80, $0x38;
	[tilespmem:$0x18380] =	vst v63  }
0x2fd: {  	s19 =	simm.s32 $0x15280;
	s15 =	sld [smem:$0x7F6]  }
0x2fe: {  	[tilespmem:s19], [sflag:$0x1] =	stream.linear.gather [spmem:s18], $0x80, $0x38;
	[tilespmem:$0x18380] =	vst v63  }
0x2ff: {  	s16 =	simm.s32 $0x15680;
	s18 =	sld [smem:$0x7F7]  }
0x300: {  	[tilespmem:s16], [sflag:$0x1] =	stream.linear.gather [spmem:s15], $0x80, $0x38;
	[tilespmem:$0x18380] =	vst v63  }
0x301: {  	s19 =	simm.s32 $0x15A80;
	s15 =	sld [smem:$0x7F8]  }
0x302: {  	[tilespmem:s19], [sflag:$0x1] =	stream.linear.gather [spmem:s18], $0x80, $0x38;
	[tilespmem:$0x18380] =	vst v63  }
0x303: {  	s16 =	simm.s32 $0x15E80;
	s18 =	rddreg [dreg:$0x1e]  }
0x304: {  	[tilespmem:s16], [sflag:$0x1] =	stream.linear.gather [spmem:s15], $0x80, $0x38;
	[tilespmem:$0x18380] =	vst v63  }
0x305: {  	s19 =	simm.s32 $0x15300;
	s15 =	sld [smem:$0x7F9]  }
0x306: {  	[tilespmem:s19], [sflag:$0x1] =	stream.linear.gather [spmem:s18], $0x80, $0x38;
	[tilespmem:$0x18380] =	vst v63  }
0x307: {  	s16 =	simm.s32 $0x15700;
	s18 =	sld [smem:$0x7FA]  }
0x308: {  	[tilespmem:s16], [sflag:$0x1] =	stream.linear.gather [spmem:s15], $0x80, $0x38;
	[tilespmem:$0x18380] =	vst v63  }
0x309: {  	s19 =	simm.s32 $0x15B00;
	s15 =	sld [smem:$0x7FB]  }
0x30a: {  	[tilespmem:s19], [sflag:$0x1] =	stream.linear.gather [spmem:s18], $0x80, $0x38;
	[tilespmem:$0x18380] =	vst v63  }
0x30b: {  	s13 =	sld [smem:$0x7FC];
	s16 =	simm.s32 $0x15F00  }
0x30c: {  	[tilespmem:s16], [sflag:$0x1] =	stream.linear.gather [spmem:s15], $0x80, $0x38;
	[tilespmem:$0x18380] =	vst v63  }
0x30d: {  	s18 =	rddreg [dreg:$0x1f];
	s19 =	simm.s32 $0x15380  }
0x30e: {  	[tilespmem:s19], [sflag:$0x1] =	stream.linear.gather [spmem:s18], $0x80, $0x38;
	[tilespmem:$0x18380] =	vst v63  }
0x30f: {  	s15 =	simm.s32 $0x15780;
	s16 =	sld [smem:$0x7FD]  }
0x310: {  	[tilespmem:s15], [sflag:$0x1] =	stream.linear.gather [spmem:s13], $0x80, $0x38;
	[tilespmem:$0x18380] =	vst v63  }
0x311: {  	s18 =	simm.s32 $0x15B80  }
0x312: {  	[tilespmem:s18], [sflag:$0x1] =	stream.linear.gather [spmem:s16], $0x80, $0x38;
	[tilespmem:$0x18380] =	vst v63  }
0x313: {  	s19 =	simm.s32 $0x15F80;
	s13 =	sld [smem:$0x7D5]  }
0x314: {  	[tilespmem:s19], [sflag:$0x1] =	stream.linear.gather [spmem:s20], $0x80, $0x38;
	[tilespmem:$0x18380] =	vst v63  }
0x315: {  	s15 =	simm.s32 $0x15400  }
0x316: {  	[tilespmem:s15], [sflag:$0x1] =	stream.linear.gather [spmem:s13], $0x80, $0x38;
	[tilespmem:$0x18380] =	vst v63  }
0x317: {  	s16 =	simm.s32 $0x15800  }
0x318: {  	[tilespmem:s16], [sflag:$0x1] =	stream.linear.gather [spmem:s21], $0x80, $0x38;
	[tilespmem:$0x18380] =	vst v63  }
0x319: {  	s18 =	simm.s32 $0x15C00  }
0x31a: {  	[tilespmem:s18], [sflag:$0x1] =	stream.linear.gather [spmem:s22], $0x80, $0x38;
	[tilespmem:$0x18380] =	vst v63  }
0x31b: {  	s19 =	simm.s32 $0x16000;
	s13 =	sld [smem:$0x7D6]  }
0x31c: {  	[tilespmem:s19], [sflag:$0x1] =	stream.linear.gather [spmem:s23], $0x80, $0x38;
	[tilespmem:$0x18380] =	vst v63  }
0x31d: {  	s15 =	simm.s32 $0x15480  }
0x31e: {  	[tilespmem:s15], [sflag:$0x1] =	stream.linear.gather [spmem:s13], $0x80, $0x38;
	[tilespmem:$0x18380] =	vst v63  }
0x31f: {  	s16 =	simm.s32 $0x15880  }
0x320: {  	[tilespmem:s16], [sflag:$0x1] =	stream.linear.gather [spmem:s24], $0x80, $0x38;
	[tilespmem:$0x18380] =	vst v63  }
0x321: {  	s18 =	simm.s32 $0x15C80  }
0x322: {  	[tilespmem:s18], [sflag:$0x1] =	stream.linear.gather [spmem:s25], $0x80, $0x38;
	[tilespmem:$0x18380] =	vst v63  }
0x323: {  	s19 =	simm.s32 $0x16080;
	s13 =	sld [smem:$0x7D7]  }
0x324: {  	[tilespmem:s19], [sflag:$0x1] =	stream.linear.gather [spmem:s26], $0x80, $0x38;
	[tilespmem:$0x18380] =	vst v63  }
0x325: {  	s15 =	simm.s32 $0x15500  }
0x326: {  	[tilespmem:s15], [sflag:$0x1] =	stream.linear.gather [spmem:s13], $0x80, $0x38;
	[tilespmem:$0x18380] =	vst v63  }
0x327: {  	s16 =	simm.s32 $0x15900  }
0x328: {  	[tilespmem:s16], [sflag:$0x1] =	stream.linear.gather [spmem:s28], $0x80, $0x38;
	[tilespmem:$0x18380] =	vst v63  }
0x329: {  	s18 =	simm.s32 $0x15D00  }
0x32a: {  	[tilespmem:s18], [sflag:$0x1] =	stream.linear.gather [spmem:s29], $0x80, $0x38;
	[tilespmem:$0x18380] =	vst v63  }
0x32b: {  	s19 =	simm.s32 $0x16100  }
0x32c: {  	[tilespmem:s19], [sflag:$0x1] =	stream.linear.gather [spmem:s30], $0x80, $0x38;
	[tilespmem:$0x18380] =	vst v63  }
0x32d: {  	_ =	swait.ge [sflag:s0], $0x200  }
0x32e: {  	[sflag:s0] =	ssyncset.done $0x0  }
0x32f: {  	[sflag:s0] =	ssyncadd.s32 $0xFFFFFE00  }
0x330: {  	_ =	swait.ge [sflag:s0], $0x200  }
0x331: {  	[sflag:s0] =	ssyncset.done $0x0  }
0x332: {  	[sflag:s0] =	ssyncadd.s32 $0xFFFFFE00  }
0x333: {  	_ =	swait.ge [sflag:s0], $0x200  }
0x334: {  	[sflag:s0] =	ssyncset.done $0x0  }
0x335: {  	[sflag:s0] =	ssyncadd.s32 $0xFFFFFE00  }
0x336: {  	_ =	swait.ge [sflag:s0], $0x200  }
0x337: {  	[sflag:s0] =	ssyncset.done $0x0  }
0x338: {  	[sflag:s0] =	ssyncadd.s32 $0xFFFFFE00  }
0x339: {  	_ =	swait.ge [sflag:s0], $0x200  }
0x33a: {  	[sflag:s0] =	ssyncset.done $0x0  }
0x33b: {  	[sflag:s0] =	ssyncadd.s32 $0xFFFFFE00  }
0x33c: {  	_ =	swait.ge [sflag:s0], $0x200  }
0x33d: {  	[sflag:s0] =	ssyncset.done $0x0  }
0x33e: {  	[sflag:s0] =	ssyncadd.s32 $0xFFFFFE00  }
0x33f: {  	_ =	swait.ge [sflag:s0], $0x200  }
0x340: {  	[sflag:s0] =	ssyncset.done $0x0  }
0x341: {  	[sflag:s0] =	ssyncadd.s32 $0xFFFFFE00  }
0x342: {  	_ =	swait.ge [sflag:s0], $0x200  }
0x343: {  	[sflag:s0] =	ssyncset.done $0x0  }
0x344: {  	[sflag:s0] =	ssyncadd.s32 $0xFFFFFE00  }
0x345: {  	_ =	swait.ge [sflag:s0], $0x200  }
0x346: {  	[sflag:s0] =	ssyncset.done $0x0  }
0x347: {  	[sflag:s0] =	ssyncadd.s32 $0xFFFFFE00  }
0x348: {  	_ =	swait.ge [sflag:s0], $0x200  }
0x349: {  	[sflag:s0] =	ssyncset.done $0x0  }
0x34a: {  	[sflag:s0] =	ssyncadd.s32 $0xFFFFFE00  }
0x34b: {  	_ =	swait.ge [sflag:s0], $0x200  }
0x34c: {  	[sflag:s0] =	ssyncset.done $0x0  }
0x34d: {  	[sflag:s0] =	ssyncadd.s32 $0xFFFFFE00  }
0x34e: {  	_ =	swait.ge [sflag:s0], $0x200  }
0x34f: {  	[sflag:s0] =	ssyncset.done $0x0  }
0x350: {  	[sflag:s0] =	ssyncadd.s32 $0xFFFFFE00  }
0x351: {  	_ =	swait.ge [sflag:s0], $0x200  }
0x352: {  	[sflag:s0] =	ssyncset.done $0x0  }
0x353: {  	[sflag:s0] =	ssyncadd.s32 $0xFFFFFE00  }
0x354: {  	_ =	swait.ge [sflag:s0], $0x200  }
0x355: {  	[sflag:s0] =	ssyncset.done $0x0  }
0x356: {  	[sflag:s0] =	ssyncadd.s32 $0xFFFFFE00  }
0x357: {  	_ =	swait.ge [sflag:s0], $0x200  }
0x358: {  	[sflag:s0] =	ssyncset.done $0x0  }
0x359: {  	[sflag:s0] =	ssyncadd.s32 $0xFFFFFE00  }
0x35a: {  	_ =	swait.ge [sflag:s0], $0x200  }
0x35b: {  	[sflag:s0] =	ssyncset.done $0x0  }
0x35c: {  	[sflag:s0] =	ssyncadd.s32 $0xFFFFFE00  }
0x35d: {  	v1 =	vld [tilespmem:s14+$0xFFFFF080];
	_ =	sdelay $0x3  }
0x35e: {  	v2 =	vld [tilespmem:s14+$0xFFFFF070]  }
0x35f: {  	v3 =	vld [tilespmem:s14+$0xFFFFF0F0];
	[tilespmem:$0x1FFF0] =	vst v1  }
0x360: {  	v5 =	vld [tilespmem:s14+$0xFFFFF170]  }
0x361: {  	v6 =	vld [tilespmem:s14+$0xFFFFF010]  }
0x362: {  	v7 =	vld [tilespmem:s14+$0xFFFFF1F0]  }
0x363: {  	v8 =	vld [tilespmem:s14+$0xFFFFF090]  }
0x364: {  	v9 =	vld [tilespmem:s14+$0xFFFFF270]  }
0x365: {  	v10 =	vld [tilespmem:s14+$0xFFFFF020]  }
0x366: {  	v11 =	vld [tilespmem:s14+$0xFFFFF2F0]  }
0x367: {  	v12 =	vld [tilespmem:s14+$0xFFFFF0A0]  }
0x368: {  	v13 =	vld [tilespmem:s14+$0xFFFFF370]  }
0x369: {  	v14 =	vld [tilespmem:s14+$0xFFFFF030]  }
0x36a: {  	v15 =	vld [tilespmem:s14+$0xFFFFF3F0]  }
0x36b: {  	v16 =	vld [tilespmem:s14+$0xFFFFF0B0]  }
0x36c: {  	v17 =	vld [tilespmem:s14+$0x70]  }
0x36d: {  	v18 =	vld [tilespmem:s14+$0xFFFFF040]  }
0x36e: {  	v19 =	vld [tilespmem:s14+$0xF0]  }
0x36f: {  	v20 =	vld [tilespmem:s14+$0xFFFFF0C0]  }
0x370: {  	v21 =	vld [tilespmem:s14+$0x170]  }
0x371: {  	v22 =	vld [tilespmem:s14+$0xFFFFF050]  }
0x372: {  	v23 =	vld [tilespmem:s14+$0x1F0]  }
0x373: {  	v24 =	vld [tilespmem:s14+$0xFFFFF0D0]  }
0x374: {  	v25 =	vld [tilespmem:s14+$0x270]  }
0x375: {  	v26 =	vld [tilespmem:s14+$0xFFFFF060]  }
0x376: {  	v27 =	vld [tilespmem:s14+$0x2F0]  }
0x377: {  	v28 =	vld [tilespmem:s14+$0xFFFFF0E0]  }
0x378: {  	v29 =	vld [tilespmem:s14+$0x370]  }
0x379: {  	v30 =	vld [tilespmem:s14+$0xFFFFF000]  }
0x37a: {  	v31 =	vld [tilespmem:s14+$0x3F0]  }
0x37b: {  	v32 =	vld [tilespmem:s14+$0xFFFFF100]  }
0x37c: {  	v33 =	vld [tilespmem:s14+$0xFFFFF110]  }
0x37d: {  	v34 =	vld [tilespmem:s14+$0xFFFFF120]  }
0x37e: {  	v35 =	vld [tilespmem:s14+$0xFFFFF130]  }
0x37f: {  	v36 =	vld [tilespmem:s14+$0xFFFFF140]  }
0x380: {  	v37 =	vld [tilespmem:s14+$0xFFFFF150]  }
0x381: {  	v38 =	vld [tilespmem:s14+$0xFFFFF160]  }
0x382: {  	v39 =	vld [tilespmem:s14+$0xFFFFF180]  }
0x383: {  	v40 =	vld [tilespmem:s14+$0xFFFFF190]  }
0x384: {  	v41 =	vld [tilespmem:s14+$0xFFFFF1A0]  }
0x385: {  	v42 =	vld [tilespmem:s14+$0xFFFFF1B0]  }
0x386: {  	v43 =	vld [tilespmem:s14+$0xFFFFF1C0]  }
0x387: {  	v44 =	vld [tilespmem:s14+$0xFFFFF1D0]  }
0x388: {  	v45 =	vld [tilespmem:s14+$0xFFFFF1E0]  }
0x389: {  	v46 =	vld [tilespmem:s14+$0xFFFFF200]  }
0x38a: {  	v47 =	vld [tilespmem:s14+$0xFFFFF210]  }
0x38b: {  	v48 =	vld [tilespmem:s14+$0xFFFFF220]  }
0x38c: {  	v49 =	vld [tilespmem:s14+$0xFFFFF230]  }
0x38d: {  	v50 =	vld [tilespmem:s14+$0xFFFFF240]  }
0x38e: {  	v51 =	vld [tilespmem:s14+$0xFFFFF250]  }
0x38f: {  	v52 =	vld [tilespmem:s14+$0xFFFFF260]  }
0x390: {  	v53 =	vld [tilespmem:s14+$0xFFFFF280]  }
0x391: {  	v54 =	vld [tilespmem:s14+$0xFFFFF290]  }
0x392: {  	v2 =	vadd.f32 v3, v2;
	v3 =	vld [tilespmem:s14+$0xFFFFF2A0]  }
0x393: {  	v55 =	vld [tilespmem:s14+$0xFFFFF2B0]  }
0x394: {  	v56 =	vld [tilespmem:s14+$0xFFFFF2D0]  }
0x395: {  	v57 =	vld [tilespmem:s14+$0xFFFFF300]  }
0x396: {  	v58 =	vld [tilespmem:s14+$0xFFFFF320]  }
0x397: {  	v59 =	vld [tilespmem:s14+$0xFFFFF340]  }
0x398: {  	v60 =	vld [tilespmem:s14+$0xFFFFF360]  }
0x399: {  	v61 =	vld [tilespmem:s14+$0xFFFFF390]  }
0x39a: {  	v62 =	vld [tilespmem:s14+$0xFFFFF3B0]  }
0x39b: {  	v63 =	vld [tilespmem:s14+$0xFFFFF3D0]  }
0x39c: {  	v1 =	vld [tilespmem:s14+$0x0]  }
0x39d: {  	v4 =	vld [tilespmem:s14+$0x20]  }
0x39e: {  	v2 =	vadd.f32 v5, v2;
	v5 =	vld [tilespmem:s14+$0xFFFFF2C0]  }
0x39f: {  	v6 =	vadd.f32 v8, v6;
	v8 =	vld [tilespmem:s14+$0x40]  }
0x3a0: {  	v10 =	vadd.f32 v12, v10;
	v12 =	vld [tilespmem:s14+$0x50]  }
0x3a1: {  	v14 =	vadd.f32 v16, v14;
	v16 =	vadd.f32 v20, v18;
	v18 =	vld [tilespmem:s14+$0x60]  }
0x3a2: {  	v22 =	vadd.f32 v24, v22;
	v24 =	vadd.f32 v28, v26;
	v26 =	vld [tilespmem:s14+$0x90]  }
0x3a3: {  	v28 =	vld [tilespmem:s14+$0xA0]  }
0x3a4: {  	v2 =	vadd.f32 v7, v2;
	v7 =	vld [tilespmem:s14+$0xFFFFF2E0]  }
0x3a5: {  	v6 =	vadd.f32 v33, v6;
	v33 =	vld [tilespmem:s14+$0x100]  }
0x3a6: {  	v10 =	vadd.f32 v34, v10;
	v34 =	vld [tilespmem:s14+$0x110];
	v2 =	vadd.f32 v9, v2  }
0x3a7: {  	v14 =	vadd.f32 v35, v14;
	v16 =	vadd.f32 v36, v16;
	v35 =	vld [tilespmem:s14+$0x120]  }
0x3a8: {  	v22 =	vadd.f32 v37, v22;
	v9 =	vld [tilespmem:s14+$0xFFFFF310];
	v2 =	vadd.f32 v11, v2  }
0x3a9: {  	v24 =	vadd.f32 v38, v24;
	v14 =	vadd.f32 v42, v14;
	v42 =	vld [tilespmem:s14+$0x130]  }
0x3aa: {  	v16 =	vadd.f32 v43, v16;
	v43 =	vld [tilespmem:s14+$0x140];
	v2 =	vadd.f32 v13, v2  }
0x3ab: {  	v6 =	vadd.f32 v40, v6;
	v22 =	vadd.f32 v44, v22;
	v44 =	vld [tilespmem:s14+$0x150]  }
0x3ac: {  	v24 =	vadd.f32 v45, v24;
	v45 =	vld [tilespmem:s14+$0x160];
	v2 =	vadd.f32 v15, v2  }
0x3ad: {  	v10 =	vadd.f32 v41, v10;
	v11 =	vld [tilespmem:s14+$0xFFFFF330]  }
0x3ae: {  	v6 =	vadd.f32 v47, v6;
	v47 =	vld [tilespmem:s14+$0x190];
	v2 =	vadd.f32 v17, v2  }
0x3af: {  	v10 =	vadd.f32 v48, v10;
	v48 =	vld [tilespmem:s14+$0x1A0]  }
0x3b0: {  	v14 =	vadd.f32 v49, v14;
	v49 =	vld [tilespmem:s14+$0x1D0];
	v2 =	vadd.f32 v19, v2  }
0x3b1: {  	v16 =	vadd.f32 v50, v16;
	v50 =	vld [tilespmem:s14+$0x1E0]  }
0x3b2: {  	v22 =	vadd.f32 v51, v22;
	v51 =	vld [tilespmem:s14+$0x200];
	v2 =	vadd.f32 v21, v2  }
0x3b3: {  	v24 =	vadd.f32 v52, v24;
	v52 =	vld [tilespmem:s14+$0x210]  }
0x3b4: {  	v13 =	vld [tilespmem:s14+$0xFFFFF350];
	v2 =	vadd.f32 v23, v2  }
0x3b5: {  	v3 =	vadd.f32 v3, v10;
	v10 =	vadd.f32 v55, v14;
	v14 =	vld [tilespmem:s14+$0x180]  }
0x3b6: {  	v17 =	vld [tilespmem:s14+$0xFFFFF3A0];
	v2 =	vadd.f32 v25, v2  }
0x3b7: {  	v6 =	vadd.f32 v54, v6;
	v5 =	vadd.f32 v5, v16;
	v19 =	vld [tilespmem:s14+$0xFFFFF3C0]  }
0x3b8: {  	v7 =	vadd.f32 v7, v24;
	v21 =	vld [tilespmem:s14+$0xFFFFF3E0];
	v2 =	vadd.f32 v27, v2  }
0x3b9: {  	v6 =	vadd.f32 v9, v6;
	v3 =	vadd.f32 v58, v3;
	v23 =	vld [tilespmem:s14+$0x10]  }
0x3ba: {  	v5 =	vadd.f32 v59, v5;
	v2 =	vadd.f32 v29, v2;
	v29 =	vld [tilespmem:$0x1FFF0]  }
0x3bb: {  	v54 =	vld [tilespmem:s14+$0x280];
	v7 =	vadd.f32 v60, v7;
	v10 =	vadd.f32 v11, v10  }
0x3bc: {  	v55 =	vld [tilespmem:s14+$0x290];
	v6 =	vadd.f32 v61, v6;
	v3 =	vadd.f32 v17, v3  }
0x3bd: {  	v15 =	vld [tilespmem:s14+$0xFFFFF380];
	v10 =	vadd.f32 v62, v10;
	v5 =	vadd.f32 v19, v5  }
0x3be: {  	v9 =	vld [tilespmem:s14+$0x1B0];
	v3 =	vadd.f32 v4, v3;
	v6 =	vadd.f32 v23, v6  }
0x3bf: {  	v25 =	vld [tilespmem:s14+$0x30];
	v7 =	vadd.f32 v21, v7;
	v20 =	vadd.f32 v29, v30  }
0x3c0: {  	v58 =	vld [tilespmem:s14+$0x2C0];
	v5 =	vadd.f32 v8, v5;
	v6 =	vadd.f32 v26, v6  }
0x3c1: {  	v59 =	vld [tilespmem:s14+$0x2D0];
	v3 =	vadd.f32 v28, v3;
	v20 =	vadd.f32 v32, v20  }
0x3c2: {  	v60 =	vld [tilespmem:s14+$0x320];
	v7 =	vadd.f32 v18, v7;
	v6 =	vadd.f32 v34, v6  }
0x3c3: {  	v3 =	vadd.f32 v35, v3;
	v29 =	vld [tilespmem:s14+$0xB0];
	v20 =	vadd.f32 v39, v20  }
0x3c4: {  	v10 =	vadd.f32 v25, v10;
	v30 =	vld [tilespmem:s14+$0xC0];
	v6 =	vadd.f32 v47, v6  }
0x3c5: {  	v3 =	vadd.f32 v48, v3;
	v32 =	vld [tilespmem:s14+$0xE0];
	v20 =	vadd.f32 v46, v20  }
0x3c6: {  	v11 =	vld [tilespmem:s14+$0x1C0];
	v2 =	vadd.f32 v31, v2;
	v6 =	vadd.f32 v52, v6  }
0x3c7: {  	v61 =	vld [tilespmem:s14+$0x380];
	v46 =	vadd.f32 v56, v22;
	v20 =	vadd.f32 v53, v20  }
0x3c8: {  	v4 =	vld [tilespmem:s14+$0x230];
	v6 =	vadd.f32 v55, v6;
	v10 =	vadd.f32 v29, v10  }
0x3c9: {  	v27 =	vld [tilespmem:s14+$0x80];
	v13 =	vadd.f32 v13, v46;
	v20 =	vadd.f32 v57, v20  }
0x3ca: {  	v31 =	vld [tilespmem:s14+$0xD0];
	v5 =	vadd.f32 v30, v5;
	v7 =	vadd.f32 v32, v7  }
0x3cb: {  	v8 =	vld [tilespmem:s14+$0x240];
	v13 =	vadd.f32 v63, v13;
	v15 =	vadd.f32 v15, v20  }
0x3cc: {  	v56 =	vld [tilespmem:s14+$0x2A0];
	v10 =	vadd.f32 v42, v10;
	v5 =	vadd.f32 v43, v5  }
0x3cd: {  	v53 =	vld [tilespmem:s14+$0x260];
	v12 =	vadd.f32 v12, v13;
	v1 =	vadd.f32 v1, v15  }
0x3ce: {  	v7 =	vadd.f32 v45, v7;
	v9 =	vadd.f32 v9, v10;
	v10 =	vld [tilespmem:s14+$0x300]  }
0x3cf: {  	v15 =	vld [tilespmem:s14+$0x220];
	v12 =	vadd.f32 v31, v12;
	v1 =	vadd.f32 v27, v1  }
0x3d0: {  	v5 =	vadd.f32 v11, v5;
	v57 =	vld [tilespmem:s14+$0x2B0];
	v7 =	vadd.f32 v50, v7  }
0x3d1: {  	v13 =	vld [tilespmem:s14+$0x250];
	v12 =	vadd.f32 v44, v12;
	v1 =	vadd.f32 v33, v1  }
0x3d2: {  	v4 =	vadd.f32 v4, v9;
	v5 =	vadd.f32 v8, v5;
	v8 =	vld [tilespmem:s14+$0x340]  }
0x3d3: {  	v11 =	vadd.f32 v49, v12;
	v12 =	vld [tilespmem:s14+$0x310];
	v1 =	vadd.f32 v14, v1  }
0x3d4: {  	v7 =	vadd.f32 v53, v7;
	v3 =	vadd.f32 v15, v3;
	v15 =	vld [tilespmem:s14+$0x330]  }
0x3d5: {  	v5 =	vadd.f32 v58, v5;
	v14 =	vld [tilespmem:s14+$0x2E0];
	v1 =	vadd.f32 v51, v1  }
0x3d6: {  	v4 =	vadd.f32 v57, v4;
	v9 =	vadd.f32 v13, v11;
	v11 =	vld [tilespmem:s14+$0x350]  }
0x3d7: {  	v5 =	vadd.f32 v8, v5;
	v13 =	vld [tilespmem:s14+$0x360];
	v1 =	vadd.f32 v54, v1  }
0x3d8: {  	v63 =	vld [tilespmem:s14+$0x390];
	v3 =	vadd.f32 v56, v3;
	v62 =	vadd.f32 v59, v9  }
0x3d9: {  	v12 =	vadd.f32 v12, v6;
	v1 =	vadd.f32 v10, v1;
	v10 =	vld [tilespmem:s14+$0x3A0]  }
0x3da: {  	v9 =	vld [tilespmem:s14+$0x3B0];
	v6 =	vadd.f32 v15, v4;
	v14 =	vadd.f32 v14, v7  }
0x3db: {  	v8 =	vld [tilespmem:s14+$0x3C0];
	v7 =	vadd.f32 v60, v3;
	v4 =	vadd.f32 v11, v62  }
0x3dc: {  	s12 =	simm.s32 $0x161C0;
	v11 =	vld [tilespmem:s14+$0x3D0];
	v3 =	vadd.f32 v13, v14;
	v13 =	vadd.f32 v61, v1  }
0x3dd: {  	s13 =	simm.s32 $0x0;
	[tilespmem:s12+$0x30] =	vst v2;
	v2 =	vld [tilespmem:s14+$0x3E0];
	v12 =	vadd.f32 v63, v12;
	s14 =	simm.s32 $0x15580  }
.LBB2_24:
0x3de: {  	v1 =	vld [tilespmem:s14+$0xFFFFF070];
	[tilespmem:s12+$0xFFFFFFC0] =	vst v13;
	v7 =	vadd.f32 v10, v7  }
0x3df: {  	s13 =	sadd.s32 $0x8, s13;
	v10 =	vld [tilespmem:s14+$0xFFFFF0F0];
	[tilespmem:s12+$0xFFFFFFD0] =	vst v12;
	v6 =	vadd.f32 v9, v6  }
0x3e0: {  	p1 =	slt.u32 s13, $0x18;
	v9 =	vld [tilespmem:s14+$0xFFFFF080];
	[tilespmem:s12+$0xFFFFFFE0] =	vst v7;
	v5 =	vadd.f32 v8, v5  }
0x3e1: {  	v7 =	vld [tilespmem:s14+$0xFFFFF170];
	[tilespmem:s12+$0xFFFFFFF0] =	vst v6;
	v4 =	vadd.f32 v11, v4  }
0x3e2: {  	v6 =	vld [tilespmem:s14+$0xFFFFF010];
	[tilespmem:s12+$0x0] =	vst v5;
	v2 =	vadd.f32 v2, v3  }
0x3e3: {  	v3 =	vld [tilespmem:s14+$0xFFFFF1F0];
	[tilespmem:s12+$0x10] =	vst v4  }
0x3e4: {  	v4 =	vld [tilespmem:s14+$0xFFFFF090];
	v1 =	vadd.f32 v10, v1;
	[tilespmem:s12+$0x20] =	vst v2  }
0x3e5: {  	v2 =	vld [tilespmem:s14+$0xFFFFF270]  }
0x3e6: {  	v5 =	vld [tilespmem:s14+$0xFFFFF020];
	v1 =	vadd.f32 v7, v1  }
0x3e7: {  	v7 =	vld [tilespmem:s14+$0xFFFFF2F0]  }
0x3e8: {  	v8 =	vld [tilespmem:s14+$0xFFFFF0A0];
	v1 =	vadd.f32 v3, v1  }
0x3e9: {  	v3 =	vadd.f32 v4, v6;
	v4 =	vld [tilespmem:s14+$0xFFFFF370]  }
0x3ea: {  	v6 =	vld [tilespmem:s14+$0xFFFFF030];
	v1 =	vadd.f32 v2, v1  }
0x3eb: {  	v2 =	vld [tilespmem:s14+$0xFFFFF3F0]  }
0x3ec: {  	v10 =	vld [tilespmem:s14+$0xFFFFF0B0];
	v1 =	vadd.f32 v7, v1  }
0x3ed: {  	v5 =	vadd.f32 v8, v5;
	v7 =	vld [tilespmem:s14+$0x70]  }
0x3ee: {  	v8 =	vld [tilespmem:s14+$0xFFFFF040];
	v1 =	vadd.f32 v4, v1  }
0x3ef: {  	v4 =	vld [tilespmem:s14+$0xF0]  }
0x3f0: {  	v11 =	vld [tilespmem:s14+$0xFFFFF0C0];
	v1 =	vadd.f32 v2, v1  }
0x3f1: {  	v2 =	vadd.f32 v10, v6;
	v6 =	vld [tilespmem:s14+$0x170]  }
0x3f2: {  	v10 =	vld [tilespmem:s14+$0xFFFFF050];
	v1 =	vadd.f32 v7, v1  }
0x3f3: {  	v7 =	vld [tilespmem:s14+$0x1F0]  }
0x3f4: {  	v12 =	vld [tilespmem:s14+$0xFFFFF0D0];
	v1 =	vadd.f32 v4, v1  }
0x3f5: {  	v4 =	vadd.f32 v11, v8;
	v8 =	vld [tilespmem:s14+$0x270]  }
0x3f6: {  	v11 =	vld [tilespmem:s14+$0xFFFFF060];
	v1 =	vadd.f32 v6, v1  }
0x3f7: {  	v6 =	vld [tilespmem:s14+$0x2F0]  }
0x3f8: {  	v13 =	vld [tilespmem:s14+$0xFFFFF0E0];
	v1 =	vadd.f32 v7, v1  }
0x3f9: {  	v7 =	vadd.f32 v12, v10;
	v10 =	vld [tilespmem:s14+$0x370]  }
0x3fa: {  	v12 =	vld [tilespmem:s14+$0xFFFFF000];
	v1 =	vadd.f32 v8, v1  }
0x3fb: {  	v8 =	vld [tilespmem:s14+$0x3F0]  }
0x3fc: {  	v14 =	vld [tilespmem:s14+$0xFFFFF100];
	v1 =	vadd.f32 v6, v1  }
0x3fd: {  	v6 =	vld [tilespmem:s14+$0xFFFFF110];
	v11 =	vadd.f32 v13, v11  }
0x3fe: {  	v13 =	vld [tilespmem:s14+$0xFFFFF120];
	v1 =	vadd.f32 v10, v1  }
0x3ff: {  	v9 =	vadd.f32 v9, v12;
	v10 =	vld [tilespmem:s14+$0xFFFFF130]  }
0x400: {  	v12 =	vld [tilespmem:s14+$0xFFFFF140];
	v1 =	vadd.f32 v8, v1  }
0x401: {  	s12 =	sadd.s32 $0x80, s12;
	v8 =	vadd.f32 v14, v9;
	v9 =	vld [tilespmem:s14+$0xFFFFF150]  }
0x402: {  	v3 =	vadd.f32 v6, v3;
	v6 =	vld [tilespmem:s14+$0xFFFFF160];
	[tilespmem:s12+$0x30] =	vst v1  }
0x403: {  	v1 =	vld [tilespmem:s14+$0xFFFFF180];
	v5 =	vadd.f32 v13, v5  }
0x404: {  	v13 =	vld [tilespmem:s14+$0xFFFFF190];
	v2 =	vadd.f32 v10, v2  }
0x405: {  	v10 =	vld [tilespmem:s14+$0xFFFFF1A0];
	v4 =	vadd.f32 v12, v4  }
0x406: {  	v12 =	vld [tilespmem:s14+$0xFFFFF1B0];
	v7 =	vadd.f32 v9, v7  }
0x407: {  	v9 =	vld [tilespmem:s14+$0xFFFFF1C0];
	v6 =	vadd.f32 v6, v11  }
0x408: {  	v1 =	vadd.f32 v1, v8;
	v8 =	vld [tilespmem:s14+$0xFFFFF1D0]  }
0x409: {  	v3 =	vadd.f32 v13, v3;
	v11 =	vld [tilespmem:s14+$0xFFFFF1E0]  }
0x40a: {  	v13 =	vld [tilespmem:s14+$0xFFFFF200];
	v5 =	vadd.f32 v10, v5  }
0x40b: {  	v10 =	vld [tilespmem:s14+$0xFFFFF210];
	v2 =	vadd.f32 v12, v2  }
0x40c: {  	v12 =	vld [tilespmem:s14+$0xFFFFF220];
	v4 =	vadd.f32 v9, v4  }
0x40d: {  	v9 =	vld [tilespmem:s14+$0xFFFFF230];
	v7 =	vadd.f32 v8, v7  }
0x40e: {  	v8 =	vld [tilespmem:s14+$0xFFFFF240];
	v6 =	vadd.f32 v11, v6  }
0x40f: {  	v1 =	vadd.f32 v13, v1;
	v11 =	vld [tilespmem:s14+$0xFFFFF250]  }
0x410: {  	v3 =	vadd.f32 v10, v3;
	v10 =	vld [tilespmem:s14+$0xFFFFF260]  }
0x411: {  	v13 =	vld [tilespmem:s14+$0xFFFFF280];
	v5 =	vadd.f32 v12, v5  }
0x412: {  	v12 =	vld [tilespmem:s14+$0xFFFFF290];
	v2 =	vadd.f32 v9, v2  }
0x413: {  	v9 =	vld [tilespmem:s14+$0xFFFFF2A0];
	v4 =	vadd.f32 v8, v4  }
0x414: {  	v8 =	vld [tilespmem:s14+$0xFFFFF2B0];
	v7 =	vadd.f32 v11, v7  }
0x415: {  	v11 =	vld [tilespmem:s14+$0xFFFFF2C0];
	v6 =	vadd.f32 v10, v6  }
0x416: {  	v1 =	vadd.f32 v13, v1;
	v10 =	vld [tilespmem:s14+$0xFFFFF2D0]  }
0x417: {  	v3 =	vadd.f32 v12, v3;
	v12 =	vld [tilespmem:s14+$0xFFFFF2E0]  }
0x418: {  	v13 =	vld [tilespmem:s14+$0xFFFFF300];
	v5 =	vadd.f32 v9, v5  }
0x419: {  	v9 =	vld [tilespmem:s14+$0xFFFFF310];
	v2 =	vadd.f32 v8, v2  }
0x41a: {  	v8 =	vld [tilespmem:s14+$0xFFFFF320];
	v4 =	vadd.f32 v11, v4  }
0x41b: {  	v11 =	vld [tilespmem:s14+$0xFFFFF330];
	v7 =	vadd.f32 v10, v7  }
0x41c: {  	v10 =	vld [tilespmem:s14+$0xFFFFF340];
	v6 =	vadd.f32 v12, v6  }
0x41d: {  	v1 =	vadd.f32 v13, v1;
	v12 =	vld [tilespmem:s14+$0xFFFFF350]  }
0x41e: {  	v3 =	vadd.f32 v9, v3;
	v9 =	vld [tilespmem:s14+$0xFFFFF360]  }
0x41f: {  	v13 =	vld [tilespmem:s14+$0xFFFFF380];
	v5 =	vadd.f32 v8, v5  }
0x420: {  	v8 =	vld [tilespmem:s14+$0xFFFFF390];
	v2 =	vadd.f32 v11, v2  }
0x421: {  	v11 =	vld [tilespmem:s14+$0xFFFFF3A0];
	v4 =	vadd.f32 v10, v4  }
0x422: {  	v10 =	vld [tilespmem:s14+$0xFFFFF3B0];
	v7 =	vadd.f32 v12, v7  }
0x423: {  	v12 =	vld [tilespmem:s14+$0xFFFFF3C0];
	v6 =	vadd.f32 v9, v6  }
0x424: {  	v1 =	vadd.f32 v13, v1;
	v9 =	vld [tilespmem:s14+$0xFFFFF3D0]  }
0x425: {  	v3 =	vadd.f32 v8, v3;
	v8 =	vld [tilespmem:s14+$0xFFFFF3E0]  }
0x426: {  	v13 =	vld [tilespmem:s14+$0x0];
	v5 =	vadd.f32 v11, v5  }
0x427: {  	v11 =	vld [tilespmem:s14+$0x10];
	v2 =	vadd.f32 v10, v2  }
0x428: {  	v10 =	vld [tilespmem:s14+$0x20];
	v4 =	vadd.f32 v12, v4  }
0x429: {  	v12 =	vld [tilespmem:s14+$0x30];
	v7 =	vadd.f32 v9, v7  }
0x42a: {  	v9 =	vld [tilespmem:s14+$0x40];
	v6 =	vadd.f32 v8, v6  }
0x42b: {  	v1 =	vadd.f32 v13, v1;
	v8 =	vld [tilespmem:s14+$0x50]  }
0x42c: {  	v3 =	vadd.f32 v11, v3;
	v11 =	vld [tilespmem:s14+$0x60]  }
0x42d: {  	v13 =	vld [tilespmem:s14+$0x80];
	v5 =	vadd.f32 v10, v5  }
0x42e: {  	v10 =	vld [tilespmem:s14+$0x90];
	v2 =	vadd.f32 v12, v2  }
0x42f: {  	v12 =	vld [tilespmem:s14+$0xA0];
	v4 =	vadd.f32 v9, v4  }
0x430: {  	v9 =	vld [tilespmem:s14+$0xB0];
	v7 =	vadd.f32 v8, v7  }
0x431: {  	v8 =	vld [tilespmem:s14+$0xC0];
	v6 =	vadd.f32 v11, v6  }
0x432: {  	v1 =	vadd.f32 v13, v1;
	v11 =	vld [tilespmem:s14+$0xD0]  }
0x433: {  	v3 =	vadd.f32 v10, v3;
	v10 =	vld [tilespmem:s14+$0xE0]  }
0x434: {  	v13 =	vld [tilespmem:s14+$0x100];
	v5 =	vadd.f32 v12, v5  }
0x435: {  	v12 =	vld [tilespmem:s14+$0x110];
	v2 =	vadd.f32 v9, v2  }
0x436: {  	v9 =	vld [tilespmem:s14+$0x120];
	v4 =	vadd.f32 v8, v4  }
0x437: {  	v8 =	vld [tilespmem:s14+$0x130];
	v7 =	vadd.f32 v11, v7  }
0x438: {  	v11 =	vld [tilespmem:s14+$0x140];
	v6 =	vadd.f32 v10, v6  }
0x439: {  	v1 =	vadd.f32 v13, v1;
	v10 =	vld [tilespmem:s14+$0x150]  }
0x43a: {  	v3 =	vadd.f32 v12, v3;
	v12 =	vld [tilespmem:s14+$0x160]  }
0x43b: {  	v13 =	vld [tilespmem:s14+$0x180];
	v5 =	vadd.f32 v9, v5  }
0x43c: {  	v9 =	vld [tilespmem:s14+$0x190];
	v2 =	vadd.f32 v8, v2  }
0x43d: {  	v8 =	vld [tilespmem:s14+$0x1A0];
	v4 =	vadd.f32 v11, v4  }
0x43e: {  	v11 =	vld [tilespmem:s14+$0x1B0];
	v7 =	vadd.f32 v10, v7  }
0x43f: {  	v10 =	vld [tilespmem:s14+$0x1C0];
	v6 =	vadd.f32 v12, v6  }
0x440: {  	v1 =	vadd.f32 v13, v1;
	v12 =	vld [tilespmem:s14+$0x1D0]  }
0x441: {  	v3 =	vadd.f32 v9, v3;
	v9 =	vld [tilespmem:s14+$0x1E0]  }
0x442: {  	v13 =	vld [tilespmem:s14+$0x200];
	v5 =	vadd.f32 v8, v5  }
0x443: {  	v8 =	vld [tilespmem:s14+$0x210];
	v2 =	vadd.f32 v11, v2  }
0x444: {  	v11 =	vld [tilespmem:s14+$0x220];
	v4 =	vadd.f32 v10, v4  }
0x445: {  	v10 =	vld [tilespmem:s14+$0x230];
	v7 =	vadd.f32 v12, v7  }
0x446: {  	v12 =	vld [tilespmem:s14+$0x240];
	v6 =	vadd.f32 v9, v6  }
0x447: {  	v1 =	vadd.f32 v13, v1;
	v9 =	vld [tilespmem:s14+$0x250]  }
0x448: {  	v3 =	vadd.f32 v8, v3;
	v8 =	vld [tilespmem:s14+$0x260]  }
0x449: {  	v13 =	vld [tilespmem:s14+$0x280];
	v5 =	vadd.f32 v11, v5  }
0x44a: {  	v11 =	vld [tilespmem:s14+$0x290];
	v2 =	vadd.f32 v10, v2  }
0x44b: {  	v10 =	vld [tilespmem:s14+$0x2A0];
	v4 =	vadd.f32 v12, v4  }
0x44c: {  	v12 =	vld [tilespmem:s14+$0x2B0];
	v7 =	vadd.f32 v9, v7  }
0x44d: {  	v9 =	vld [tilespmem:s14+$0x2C0];
	v6 =	vadd.f32 v8, v6  }
0x44e: {  	v1 =	vadd.f32 v13, v1;
	v8 =	vld [tilespmem:s14+$0x2D0]  }
0x44f: {  	v3 =	vadd.f32 v11, v3;
	v11 =	vld [tilespmem:s14+$0x2E0]  }
0x450: {  	v13 =	vld [tilespmem:s14+$0x300];
	v5 =	vadd.f32 v10, v5  }
0x451: {  	v10 =	vld [tilespmem:s14+$0x310];
	v2 =	vadd.f32 v12, v2  }
0x452: {  	v12 =	vld [tilespmem:s14+$0x320];
	v4 =	vadd.f32 v9, v4  }
0x453: {  	v9 =	vld [tilespmem:s14+$0x330];
	v8 =	vadd.f32 v8, v7  }
0x454: {  	v14 =	vld [tilespmem:s14+$0x340];
	v11 =	vadd.f32 v11, v6  }
0x455: {  	v1 =	vadd.f32 v13, v1;
	v13 =	vld [tilespmem:s14+$0x350]  }
0x456: {  	v15 =	vadd.f32 v10, v3;
	v3 =	vld [tilespmem:s14+$0x360]  }
0x457: {  	v16 =	vld [tilespmem:s14+$0x380];
	v7 =	vadd.f32 v12, v5  }
0x458: {  	v12 =	vld [tilespmem:s14+$0x390];
	v6 =	vadd.f32 v9, v2  }
.Ltmp12:
0x459: {  	v10 =	vld [tilespmem:s14+$0x3A0];
	v5 =	vadd.f32 v14, v4;
	(pc) =	sbr.rel @p1 .LBB2_24-.Ltmp12, $4  }
0x45a: {  	v9 =	vld [tilespmem:s14+$0x3B0];
	v4 =	vadd.f32 v13, v8  }
0x45b: {  	v8 =	vld [tilespmem:s14+$0x3C0];
	v3 =	vadd.f32 v3, v11  }
0x45c: {  	v13 =	vadd.f32 v16, v1;
	v11 =	vld [tilespmem:s14+$0x3D0]  }
0x45d: {  	v12 =	vadd.f32 v12, v15;
	v2 =	vld [tilespmem:s14+$0x3E0];
	s14 =	sadd.s32 $0x400, s14  }
0x45e: {  	[tilespmem:s12+$0xFFFFFFC0] =	vst v13;
	v1 =	vadd.f32 v10, v7  }
0x45f: {  	[tilespmem:s12+$0xFFFFFFD0] =	vst v12;
	v6 =	vadd.f32 v9, v6  }
0x460: {  	[tilespmem:s12+$0xFFFFFFE0] =	vst v1;
	v1 =	vadd.f32 v8, v5  }
0x461: {  	[tilespmem:s12+$0xFFFFFFF0] =	vst v6;
	v4 =	vadd.f32 v11, v4  }
0x462: {  	[tilespmem:s12+$0x0] =	vst v1;
	v1 =	vadd.f32 v2, v3  }
0x463: {  	[tilespmem:s12+$0x10] =	vst v4  }
0x464: {  	[tilespmem:s12+$0x20] =	vst v1  }
0x465: {  	s13 =	simm.s32 $0x16180;
	s12 =	rddreg [dreg:$0x15]  }
0x466: {  	[hbm4b:s12+s2] =	stream.linear.scatter [tilespmem:s13], [sflag:$0x7], $0x200, $0x38;
	[tilespmem:$0x18380] =	vst v63  }
0x467: {  	_ =	swait.ge [sflag:s10], $0x200  }
0x468: {  	s11 =	sadd.s32 $0x1, s11;
	s19 =	rddreg [dreg:$0x18]  }
0x469: {  	p1 =	sne.s32 s11, s19  }
.Ltmp13:
0x46a: {  	_ = 	snop;
	(pc) =	sbr.rel @p1 .LBB2_1-.Ltmp13, $4  }
.Ltmp14:
0x46b: {  	_ = 	snop;
	(pc) =	sbr.rel @!p1 .LBB2_26-.Ltmp14, $4  }
0x46c: {  	_ = 	snop  }
0x46d: {  	[sflag:s10] =	ssyncset.done $0x0  }
0x46e: {  	[sflag:s10] =	ssyncadd.s32 $0xFFFFFE00  }
0x46f: {  	_ = 	snop  }
.LBB2_18:
.Ltmp15:
0x470: {  	(pc) =	sbr.rel .LBB2_22-.Ltmp15, $2  }
0x471: {  	_ =	sdelay $0x2  }
0x472: {  	s13 =	smov.u32 s12  }
.LBB2_20:
.Ltmp16:
0x473: {  	(pc) =	sbr.rel .LBB2_22-.Ltmp16, $2  }
0x474: {  	_ =	sdelay $0x2  }
0x475: {  	s13 =	smov.u32 s12  }
.LBB2_26:
0x476: {  	_ =	sfence.sel $0x180000  }
0x477: {  	[bflag:$0x0] =	sbarrier.arrive $0xFFFF  }
0x478: {  	_ =	strace $0x90000047  }
0x479: {  	s0 =	stileid.u32;
	[bflag:$0x2] =	sbarrier.arrive $0xFFFF  }
0x47a: {  	p0 =	sne.s32 s0, $0x0;
	s0 =	rddreg [dreg:$0x5]  }
0x47b: {  	s0 =	sadd.s32 @!p0 $0x100000, s0  }
0x47c: {  	[sflag:s0] =	ssyncadd.tile.s32 @!p0 $0x1;
	_ =	shalt  }
.Lfunc_end2:
_tile_overlayer_lowered:
.L_overlay_start_2:
0x47d: {  	(tag) =	ssettag $0x2  }
0x47e: {  	s0 =	rddreg [dreg:$0x0];
	s2 =	stileid.u32  }
0x47f: {  	s1 =	rddreg [dreg:$0x1];
	p0 =	sne.s32 s2, $0x0  }
0x480: {  	s3 =	rddreg [dreg:$0x2];
	[bflag:$0x3] =	sbarrier.arrive $0xFFFF;
	s2 =	simm.s32 @!p0 $0x1C07  }
0x481: {  	[timem:s3], [sflag:s2] =	dma.local @!p0 [hbm:s0], s1  }
0x482: {  	s0 =	simm.s32 @!p0 $0x7  }
0x483: {  	_ =	swait.ge @!p0 [sflag:s0], s1  }
0x484: {  	s1 =	ssub.s32 @!p0 $0x0, s1;
	[sflag:s0] =	ssyncset.done @!p0 $0x0  }
0x485: {  	[sflag:s0] =	ssyncadd.s32 @!p0 s1  }
0x486: {  	[bflag:$0x3] =	sbarrier.arrive $0xFFFF  }
0x487: {  	_ =	shalt  }

</sc_bundles>
